<compile_context>
chip_gen: v7x
topology: tpu7x:2x2x1
jax: 0.10.2.dev20260603
libtpu: 0.0.44.dev20260713+nightly
codegen_flags: <defaults>
</compile_context>

<pallas_src>
import functools

import jax
import jax.numpy as jnp
from jax import lax
from jax.experimental import pallas as pl
from jax.experimental.pallas import tpu as pltpu
from jax.experimental.pallas import tpu_sc as plsc

NC = 2
NS = 16


def _scratch(c_chunk, w, n_pad, dtype=jnp.float32):
    return [
        pltpu.VMEM((c_chunk,), jnp.int32),
        pltpu.VMEM((c_chunk,), jnp.int32),
        pltpu.VMEM((c_chunk, w), dtype),
        pltpu.VMEM((c_chunk,), jnp.int32),
        pltpu.VMEM((c_chunk,), jnp.int32),
        pltpu.VMEM((c_chunk, w), dtype),
        pltpu.VMEM_SHARED((n_pad, w), dtype),
        pltpu.SemaphoreType.DMA,
        pltpu.SemaphoreType.DMA,
        pltpu.SemaphoreType.DMA,
        pltpu.SemaphoreType.DMA,
    ]


def _pipelined_agg(table, src, dst, acc, base, nchunk, c_chunk,
                   iA_s, iA_d, rowsA, iB_s, iB_d, rowsB,
                   gA, gB, siA, siB):

    def sl(j):
        return pl.ds(base + j * c_chunk, c_chunk)

    pltpu.sync_copy(src.at[sl(0)], iA_s)
    pltpu.sync_copy(dst.at[sl(0)], iA_d)
    pltpu.async_copy(table.at[iA_s], rowsA, gA)
    if nchunk > 1:
        pltpu.async_copy(src.at[sl(1)], iB_s, siB)
        pltpu.async_copy(dst.at[sl(1)], iB_d, siB)

    def step(i, m_s, m_d, m_rows, m_g, m_si, o_s, o_d, o_rows, o_g, o_si):
        @pl.when(i + 1 < nchunk)
        def _():
            pltpu.make_async_copy(src.at[sl(i + 1)], o_s, o_si).wait()
            pltpu.make_async_copy(dst.at[sl(i + 1)], o_d, o_si).wait()
        pltpu.make_async_copy(table.at[m_s], m_rows, m_g).wait()

        @pl.when(i + 1 < nchunk)
        def _():
            pltpu.async_copy(table.at[o_s], o_rows, o_g)
        pltpu.sync_copy(m_rows, acc.at[m_d], add=True)

        @pl.when(i + 2 < nchunk)
        def _():
            pltpu.async_copy(src.at[sl(i + 2)], m_s, m_si)
            pltpu.async_copy(dst.at[sl(i + 2)], m_d, m_si)

    def body(i, carry):
        @pl.when(i % 2 == 0)
        def _():
            step(i, iA_s, iA_d, rowsA, gA, siA, iB_s, iB_d, rowsB, gB, siB)

        @pl.when(i % 2 == 1)
        def _():
            step(i, iB_s, iB_d, rowsB, gB, siB, iA_s, iA_d, rowsA, gA, siA)
        return carry

    lax.fori_loop(0, nchunk, body, 0)


def _seg_sum_edge_split(n_pad, e, w, c_chunk):
    nw = NC * NS
    e_per = e // nw
    nchunk = e_per // c_chunk
    rows_per_tile = n_pad // NS
    mesh = plsc.VectorSubcoreMesh(core_axis_name="c", subcore_axis_name="s")

    @functools.partial(
        pl.kernel,
        out_type=jax.ShapeDtypeStruct((NC, n_pad, w), jnp.float32),
        mesh=mesh,
        scratch_types=_scratch(c_chunk, w, n_pad),
        compiler_params=pltpu.CompilerParams(use_tc_tiling_on_sc=False),
    )
    def k(table, src, dst, zeros, out, iA_s, iA_d, rowsA, iB_s, iB_d, rowsB,
          acc, gA, gB, siA, siB):
        c = lax.axis_index("c")
        s = lax.axis_index("s")
        r0 = s * rows_per_tile
        pltpu.sync_copy(zeros, acc.at[pl.ds(r0, rows_per_tile)])
        plsc.subcore_barrier()
        base = (s * NC + c) * e_per
        _pipelined_agg(table, src, dst, acc, base, nchunk, c_chunk,
                       iA_s, iA_d, rowsA, iB_s, iB_d, rowsB, gA, gB, siA, siB)
        plsc.subcore_barrier()
        pltpu.sync_copy(acc.at[pl.ds(r0, rows_per_tile)],
                        out.at[c, pl.ds(r0, rows_per_tile)])

    return k


def _seg_sum_feat_split(n_pad, e, w2, c_chunk, dtype=jnp.float32):
    e_per = e // NS
    nchunk = e_per // c_chunk
    rows_per_tile = n_pad // NS
    mesh = plsc.VectorSubcoreMesh(core_axis_name="c", subcore_axis_name="s")

    @functools.partial(
        pl.kernel,
        out_type=jax.ShapeDtypeStruct((n_pad, 2 * w2), dtype),
        mesh=mesh,
        scratch_types=_scratch(c_chunk, w2, n_pad, dtype),
        compiler_params=pltpu.CompilerParams(use_tc_tiling_on_sc=False),
    )
    def k(table, src, dst, zeros, out, iA_s, iA_d, rowsA, iB_s, iB_d, rowsB,
          acc, gA, gB, siA, siB):
        c = lax.axis_index("c")
        s = lax.axis_index("s")
        r0 = s * rows_per_tile
        pltpu.sync_copy(zeros, acc.at[pl.ds(r0, rows_per_tile)])
        plsc.subcore_barrier()
        base = s * e_per
        _pipelined_agg(table.at[c], src, dst, acc, base, nchunk, c_chunk,
                       iA_s, iA_d, rowsA, iB_s, iB_d, rowsB, gA, gB, siA, siB)
        plsc.subcore_barrier()
        pltpu.sync_copy(acc.at[pl.ds(r0, rows_per_tile)],
                        out.at[pl.ds(r0, rows_per_tile), pl.ds(c * w2, w2)])

    return k


def _full(shape):
    return pl.BlockSpec(shape, lambda i: tuple(0 for _ in shape))


def _rows(b, w):
    return pl.BlockSpec((b, w), lambda i: (i, 0))


def _planes(nc, b, w):
    return pl.BlockSpec((nc, b, w), lambda i: (0, i, 0))


def kernel(x, edge_index, W1_l, b1, W1_r, W2_l, b2, W2_r, W3_l, b3, W3_r,
           W4_l, b4, W4_r):
    n, fin = x.shape
    e = edge_index.shape[1]
    h = W1_l.shape[0]
    fout = W4_l.shape[0]
    hw = h // 2
    w4 = 8
    bsz = 2000
    grid = (n // bsz,)
    f32 = jnp.float32
    bf16 = jnp.bfloat16
    n_pad = ((n + NS * 8 - 1) // (NS * 8)) * (NS * 8)

    src = edge_index[0]
    dst = edge_index[1]

    xpad = jnp.concatenate([x, jnp.ones((n, 1), f32),
                            jnp.zeros((n, w4 - fin - 1), f32)], axis=1)
    zeros4 = jnp.zeros((n_pad // NS, w4), f32)
    zeros32 = jnp.zeros((n_pad // NS, hw), bf16)

    W1l_t = jnp.zeros((w4, h), f32).at[:fin, :].set(W1_l.T)
    W1r_t = jnp.zeros((w4, h), f32).at[:fin, :].set(W1_r.T)
    W2l_t, W2r_t = W2_l.T, W2_r.T
    W3l_t, W3r_t = W3_l.T, W3_r.T
    W4l_t = jnp.zeros((h, w4), f32).at[:, :fout].set(W4_l.T)
    W4r_t = jnp.zeros((h, w4), f32).at[:, :fout].set(W4_r.T)
    b1r = b1.reshape(1, h)
    b2r = b2.reshape(1, h)
    b3r = b3.reshape(1, h)
    b4r = b4.reshape(1, fout)

    agg1 = _seg_sum_edge_split(n_pad, e, w4, 5000)(xpad, src, dst, zeros4)

    def tc1(xp, parts, w1l, b1_, w1r, w2l, w2r, p2_o, r2_o, ci_o):
        agg = parts[0] + parts[1]
        ci = 1.0 / jnp.maximum(agg[:, fin:fin + 1], 1.0)
        mean = agg * ci
        h1 = jnp.maximum(
            jnp.dot(mean, w1l[...], preferred_element_type=f32) + b1_[...]
            + jnp.dot(xp[...], w1r[...], preferred_element_type=f32), 0.0)
        p2 = jnp.dot(h1, w2l[...], preferred_element_type=f32)
        p2_o[0] = p2[:, :hw].astype(jnp.bfloat16)
        p2_o[1] = p2[:, hw:].astype(jnp.bfloat16)
        r2_o[...] = jnp.dot(h1, w2r[...], preferred_element_type=f32)
        ci_o[...] = ci

    p2, r2, cntinv = pl.pallas_call(
        tc1,
        grid=grid,
        in_specs=[_rows(bsz, w4), _planes(NC, bsz, w4), _full((w4, h)),
                  _full((1, h)), _full((w4, h)), _full((h, h)),
                  _full((h, h))],
        out_specs=[_planes(NC, bsz, hw), _rows(bsz, h), _rows(bsz, 1)],
        out_shape=[jax.ShapeDtypeStruct((NC, n, hw), bf16),
                   jax.ShapeDtypeStruct((n, h), f32),
                   jax.ShapeDtypeStruct((n, 1), f32)],
    )(xpad, agg1, W1l_t, b1r, W1r_t, W2l_t, W2r_t)

    agg2 = _seg_sum_feat_split(n_pad, e, hw, 2000, bf16)(p2, src, dst, zeros32)

    def tc2(agg, r_in, ci, b_, w3l, w3r, p3_o, r3_o):
        h2 = jnp.maximum(agg[...].astype(jnp.float32) * ci[...] + b_[...]
                         + r_in[...], 0.0)
        p3 = jnp.dot(h2, w3l[...], preferred_element_type=f32)
        p3_o[0] = p3[:, :hw].astype(jnp.bfloat16)
        p3_o[1] = p3[:, hw:].astype(jnp.bfloat16)
        r3_o[...] = jnp.dot(h2, w3r[...], preferred_element_type=f32)

    p3, r3 = pl.pallas_call(
        tc2,
        grid=grid,
        in_specs=[_rows(bsz, h), _rows(bsz, h), _rows(bsz, 1),
                  _full((1, h)), _full((h, h)), _full((h, h))],
        out_specs=[_planes(NC, bsz, hw), _rows(bsz, h)],
        out_shape=[jax.ShapeDtypeStruct((NC, n, hw), bf16),
                   jax.ShapeDtypeStruct((n, h), f32)],
    )(agg2, r2, cntinv, b2r, W3l_t, W3r_t)

    agg3 = _seg_sum_feat_split(n_pad, e, hw, 2000, bf16)(p3, src, dst, zeros32)

    def tc3(agg, r_in, ci, b_, w4l, w4r, p4_o, r4_o):
        h3 = jnp.maximum(agg[...].astype(jnp.float32) * ci[...] + b_[...]
                         + r_in[...], 0.0)
        p4_o[...] = jnp.dot(h3, w4l[...], preferred_element_type=f32)
        r4_o[...] = jnp.dot(h3, w4r[...], preferred_element_type=f32)

    p4, r4 = pl.pallas_call(
        tc3,
        grid=grid,
        in_specs=[_rows(bsz, h), _rows(bsz, h), _rows(bsz, 1),
                  _full((1, h)), _full((h, w4)), _full((h, w4))],
        out_specs=[_rows(bsz, w4), _rows(bsz, w4)],
        out_shape=[jax.ShapeDtypeStruct((n, w4), f32),
                   jax.ShapeDtypeStruct((n, w4), f32)],
    )(agg3, r3, cntinv, b3r, W4l_t, W4r_t)

    agg4 = _seg_sum_edge_split(n_pad, e, w4, 5000)(p4, src, dst, zeros4)

    def tc4(parts, r_in, ci, b_, out_o):
        agg = parts[0] + parts[1]
        o2 = agg[:, :fout] * ci[...] + b_[...] + r_in[:, :fout]
        m = jnp.max(o2, axis=1, keepdims=True)
        lse = m + jnp.log(jnp.sum(jnp.exp(o2 - m), axis=1, keepdims=True))
        out_o[...] = o2 - lse

    out = pl.pallas_call(
        tc4,
        grid=grid,
        in_specs=[_planes(NC, bsz, w4), _rows(bsz, w4), _rows(bsz, 1),
                  _full((1, fout))],
        out_specs=[_rows(bsz, fout)],
        out_shape=[jax.ShapeDtypeStruct((n, fout), f32)],
    )(agg4, r4, cntinv, b4r)[0]

    return out

# --- scband reference (transcript-rebuilt; emitter-appended) ---
"""Pipeline reference for scband-enhanced-gnnmodel-10462540333260 (READ-ONLY COPY).

The authoritative reference and input builder live on the scoring server;
editing this copy changes nothing except your own understanding.
"""

import jax, jax.numpy as jnp
import numpy as np

N = 50000
E = 800000
H = 64
IN_F = 3
OUT_F = 2


def setup_inputs(seed: int = 0) -> dict:
    key = jax.random.key(seed)
    ks = jax.random.split(key, 16)
    inp = {}
    inp["x"] = jax.random.normal(ks[0], (N, IN_F), dtype=jnp.float32)
    # int32 used for portability on default (non-x64) jax; values in [0, N)
    inp["edge_index"] = jax.random.randint(ks[1], (2, E), 0, N, dtype=jnp.int32)
    # SAGEConv params: out = mean_agg(x)[dst] @ W_l.T + b_l + x @ W_r.T (PyG convention)
    def glorot(k, shape):
        fan_in = shape[1]
        return jax.random.normal(k, shape, dtype=jnp.float32) * (1.0 / np.sqrt(fan_in))
    inp["W1_l"] = glorot(ks[2], (H, IN_F)); inp["b1"] = jnp.zeros((H,), jnp.float32); inp["W1_r"] = glorot(ks[3], (H, IN_F))
    inp["W2_l"] = glorot(ks[4], (H, H));    inp["b2"] = jnp.zeros((H,), jnp.float32); inp["W2_r"] = glorot(ks[5], (H, H))
    inp["W3_l"] = glorot(ks[6], (H, H));    inp["b3"] = jnp.zeros((H,), jnp.float32); inp["W3_r"] = glorot(ks[7], (H, H))
    inp["W4_l"] = glorot(ks[8], (OUT_F, H)); inp["b4"] = jnp.zeros((OUT_F,), jnp.float32); inp["W4_r"] = glorot(ks[9], (OUT_F, H))
    return inp


def _sage_conv(x, edge_index, W_l, b_l, W_r):
    # PyG SAGEConv with mean aggregation:
    # out[i] = lin_l(mean_{j in N(i)} x[j]) + lin_r(x[i])
    src = edge_index[0]
    dst = edge_index[1]
    n = x.shape[0]
    msg = jnp.take(x, src, axis=0)                      # gather (SparseCore)
    agg = jax.ops.segment_sum(msg, dst, num_segments=n) # scatter-add
    cnt = jax.ops.segment_sum(jnp.ones((edge_index.shape[1],), x.dtype), dst, num_segments=n)
    mean = agg / jnp.maximum(cnt, 1.0)[:, None]
    return mean @ W_l.T + b_l + x @ W_r.T


def reference(x, edge_index, W1_l, b1, W1_r, W2_l, b2, W2_r, W3_l, b3, W3_r, W4_l, b4, W4_r):
    # Dropout is identity in eval mode (deterministic reference)
    h = jax.nn.relu(_sage_conv(x, edge_index, W1_l, b1, W1_r))
    h = jax.nn.relu(_sage_conv(h, edge_index, W2_l, b2, W2_r))
    h = jax.nn.relu(_sage_conv(h, edge_index, W3_l, b3, W3_r))
    out = _sage_conv(h, edge_index, W4_l, b4, W4_r)
    return jax.nn.log_softmax(out, axis=1)

if __name__ == "__main__":
    import jax
    _d = setup_inputs()
    print(jax.jit(kernel)(*tuple(_d.values())))

</pallas_src>

<mosaic_0001>
#map = affine_map<(d0, d1) -> (0, 0)>
#map1 = affine_map<(d0, d1) -> (0)>
#map2 = affine_map<(d0, d1) -> (0, 0, 0)>
module attributes {stable_mosaic.version = 14 : i64} {
  func.func @k(%arg0: i32, %arg1: i32, %arg2: memref<50000x8xf32, #tpu.memory_space<hbm>>, %arg3: memref<800000xi32, #tpu.memory_space<hbm>>, %arg4: memref<800000xi32, #tpu.memory_space<hbm>>, %arg5: memref<3128x8xf32, #tpu.memory_space<hbm>>, %arg6: memref<2x50048x8xf32, #tpu.memory_space<hbm>>, %arg7: memref<5000xi32, #tpu.memory_space<vmem>>, %arg8: memref<5000xi32, #tpu.memory_space<vmem>>, %arg9: memref<5000x8xf32, #tpu.memory_space<vmem>>, %arg10: memref<5000xi32, #tpu.memory_space<vmem>>, %arg11: memref<5000xi32, #tpu.memory_space<vmem>>, %arg12: memref<5000x8xf32, #tpu.memory_space<vmem>>, %arg13: memref<50048x8xf32, #tpu.memory_space<vmem_shared>>, %arg14: memref<!tpu.dma_semaphore, #tpu.memory_space<semaphore_mem>>, %arg15: memref<!tpu.dma_semaphore, #tpu.memory_space<semaphore_mem>>, %arg16: memref<!tpu.dma_semaphore, #tpu.memory_space<semaphore_mem>>, %arg17: memref<!tpu.dma_semaphore, #tpu.memory_space<semaphore_mem>>) attributes {dimension_semantics = [#tpu.dimension_semantics<core_parallel>, #tpu.dimension_semantics<subcore_parallel>], iteration_bounds = array<i64: 2, 16>, scalar_prefetch = 0 : i64, scratch_operands = 11 : i64, tpu.core_type = #tpu.core_type<sc_vector_subcore>, window_params = [{transform_indices = #map}, {transform_indices = #map1}, {transform_indices = #map1}, {transform_indices = #map}, {transform_indices = #map2}]} {
    %mul3A = arith.constant 3128 : i32
    %mul3A_0 = arith.muli %arg1, %mul3A : i32
    "tpu.region"() ({
      %run_scoped3A = tpu.sem_alloc : memref<!tpu.dma_semaphore, #tpu.memory_space<semaphore_mem>>
      %dma_start3A_25 = arith.constant 0 : i32
      %dma_start3A_26 = tpu.memref_slice %arg13[%mul3A_0, %dma_start3A_25] : memref<50048x8xf32, #tpu.memory_space<vmem_shared>> -> memref<3128x8xf32, #tpu.memory_space<vmem_shared>>
      tpu.enqueue_dma source(%arg5 : memref<3128x8xf32, #tpu.memory_space<hbm>>) target(%dma_start3A_26 : memref<3128x8xf32, #tpu.memory_space<vmem_shared>>) target_semaphore(%run_scoped3A : memref<!tpu.dma_semaphore, #tpu.memory_space<semaphore_mem>>)
      %dma_wait3A = arith.constant 0 : i32
      %dma_wait3A_27 = tpu.memref_slice %arg13[%mul3A_0, %dma_wait3A] : memref<50048x8xf32, #tpu.memory_space<vmem_shared>> -> memref<3128x8xf32, #tpu.memory_space<vmem_shared>>
      tpu.wait_dma2 semaphore(%run_scoped3A : memref<!tpu.dma_semaphore, #tpu.memory_space<semaphore_mem>>) src(%arg5 : memref<3128x8xf32, #tpu.memory_space<hbm>>) dst(%dma_wait3A_27 : memref<3128x8xf32, #tpu.memory_space<vmem_shared>>)
      tpu.yield
    }) : () -> ()
    %barrier3A = arith.constant 0 : index
    tpu.barrier barrier_id(%barrier3A)
    %mul3A_1 = arith.constant 2 : i32
    %mul3A_2 = arith.muli %arg1, %mul3A_1 : i32
    %add3A = arith.addi %mul3A_2, %arg0 : i32
    %mul3A_3 = arith.constant 25000 : i32
    %mul3A_4 = arith.muli %add3A, %mul3A_3 : i32
    %add3A_5 = arith.constant 0 : i32
    %add3A_6 = arith.addi %mul3A_4, %add3A_5 : i32
    "tpu.region"() ({
      %run_scoped3A = tpu.sem_alloc : memref<!tpu.dma_semaphore, #tpu.memory_space<semaphore_mem>>
      %dma_start3A_25 = tpu.memref_slice %arg3[%add3A_6] : memref<800000xi32, #tpu.memory_space<hbm>> -> memref<5000xi32, #tpu.memory_space<hbm>>
      %dma_start3A_26 = tpu.memref_slice %arg3[%add3A_6] : memref<800000xi32, #tpu.memory_space<hbm>> -> memref<5000xi32, #tpu.memory_space<hbm>>
      tpu.enqueue_dma source(%dma_start3A_26 : memref<5000xi32, #tpu.memory_space<hbm>>) target(%arg7 : memref<5000xi32, #tpu.memory_space<vmem>>) target_semaphore(%run_scoped3A : memref<!tpu.dma_semaphore, #tpu.memory_space<semaphore_mem>>)
      %dma_wait3A = tpu.memref_slice %arg3[%add3A_6] : memref<800000xi32, #tpu.memory_space<hbm>> -> memref<5000xi32, #tpu.memory_space<hbm>>
      %dma_wait3A_27 = tpu.memref_slice %arg3[%add3A_6] : memref<800000xi32, #tpu.memory_space<hbm>> -> memref<5000xi32, #tpu.memory_space<hbm>>
      tpu.wait_dma2 semaphore(%run_scoped3A : memref<!tpu.dma_semaphore, #tpu.memory_space<semaphore_mem>>) src(%dma_wait3A_27 : memref<5000xi32, #tpu.memory_space<hbm>>) dst(%arg7 : memref<5000xi32, #tpu.memory_space<vmem>>)
      tpu.yield
    }) : () -> ()
    %add3A_7 = arith.constant 0 : i32
    %add3A_8 = arith.addi %mul3A_4, %add3A_7 : i32
    "tpu.region"() ({
      %run_scoped3A = tpu.sem_alloc : memref<!tpu.dma_semaphore, #tpu.memory_space<semaphore_mem>>
      %dma_start3A_25 = tpu.memref_slice %arg4[%add3A_8] : memref<800000xi32, #tpu.memory_space<hbm>> -> memref<5000xi32, #tpu.memory_space<hbm>>
      %dma_start3A_26 = tpu.memref_slice %arg4[%add3A_8] : memref<800000xi32, #tpu.memory_space<hbm>> -> memref<5000xi32, #tpu.memory_space<hbm>>
      tpu.enqueue_dma source(%dma_start3A_26 : memref<5000xi32, #tpu.memory_space<hbm>>) target(%arg8 : memref<5000xi32, #tpu.memory_space<vmem>>) target_semaphore(%run_scoped3A : memref<!tpu.dma_semaphore, #tpu.memory_space<semaphore_mem>>)
      %dma_wait3A = tpu.memref_slice %arg4[%add3A_8] : memref<800000xi32, #tpu.memory_space<hbm>> -> memref<5000xi32, #tpu.memory_space<hbm>>
      %dma_wait3A_27 = tpu.memref_slice %arg4[%add3A_8] : memref<800000xi32, #tpu.memory_space<hbm>> -> memref<5000xi32, #tpu.memory_space<hbm>>
      tpu.wait_dma2 semaphore(%run_scoped3A : memref<!tpu.dma_semaphore, #tpu.memory_space<semaphore_mem>>) src(%dma_wait3A_27 : memref<5000xi32, #tpu.memory_space<hbm>>) dst(%arg8 : memref<5000xi32, #tpu.memory_space<vmem>>)
      tpu.yield
    }) : () -> ()
    %dma_start3A = arith.constant 0 : i32
    %dma_start3A_9 = arith.constant 0 : i32
    %dma_start3A_10 = tpu.memref_slice %arg2[%dma_start3A, %dma_start3A_9] : memref<50000x8xf32, #tpu.memory_space<hbm>> -> memref<50000x8xf32, #tpu.memory_space<hbm>>
    tpu.enqueue_indirect_dma source(%dma_start3A_10 : memref<50000x8xf32, #tpu.memory_space<hbm>>) target(%arg9 : memref<5000x8xf32, #tpu.memory_space<vmem>>) offsets(%arg7 : memref<5000xi32, #tpu.memory_space<vmem>>) semaphore(%arg14 : memref<!tpu.dma_semaphore, #tpu.memory_space<semaphore_mem>>)
    %add3A_11 = arith.constant 5000 : i32
    %add3A_12 = arith.addi %mul3A_4, %add3A_11 : i32
    %dma_start3A_13 = tpu.memref_slice %arg3[%add3A_12] : memref<800000xi32, #tpu.memory_space<hbm>> -> memref<5000xi32, #tpu.memory_space<hbm>>
    %dma_start3A_14 = tpu.memref_slice %arg3[%add3A_12] : memref<800000xi32, #tpu.memory_space<hbm>> -> memref<5000xi32, #tpu.memory_space<hbm>>
    tpu.enqueue_dma source(%dma_start3A_14 : memref<5000xi32, #tpu.memory_space<hbm>>) target(%arg10 : memref<5000xi32, #tpu.memory_space<vmem>>) target_semaphore(%arg17 : memref<!tpu.dma_semaphore, #tpu.memory_space<semaphore_mem>>)
    %add3A_15 = arith.constant 5000 : i32
    %add3A_16 = arith.addi %mul3A_4, %add3A_15 : i32
    %dma_start3A_17 = tpu.memref_slice %arg4[%add3A_16] : memref<800000xi32, #tpu.memory_space<hbm>> -> memref<5000xi32, #tpu.memory_space<hbm>>
    %dma_start3A_18 = tpu.memref_slice %arg4[%add3A_16] : memref<800000xi32, #tpu.memory_space<hbm>> -> memref<5000xi32, #tpu.memory_space<hbm>>
    tpu.enqueue_dma source(%dma_start3A_18 : memref<5000xi32, #tpu.memory_space<hbm>>) target(%arg11 : memref<5000xi32, #tpu.memory_space<vmem>>) target_semaphore(%arg17 : memref<!tpu.dma_semaphore, #tpu.memory_space<semaphore_mem>>)
    %scan3A = arith.constant 0 : i32
    %scan3A_19 = arith.constant 0 : i32
    %scan3A_20 = arith.constant 5 : i32
    %scan3A_21 = arith.addi %scan3A_19, %scan3A_20 : i32
    %scan3A_22 = arith.constant 1 : i32
    scf.for %scan3A_25 = %scan3A_19 to %scan3A_21 step %scan3A_22  : i32 {
      %jit3A = arith.constant 2 : i32
      %eq3A = arith.constant 0 : i32
      %eq3A_26 = arith.cmpi eq, %jit3A, %eq3A : i32
      %jit3A_27 = arith.constant 1 : i32
      %select_n3A = arith.select %eq3A_26, %jit3A_27, %jit3A : i32
      %rem3A = arith.remsi %scan3A_25, %select_n3A : i32
      %ne3A = arith.constant 0 : i32
      %ne3A_28 = arith.cmpi ne, %rem3A, %ne3A : i32
      %lt3A = arith.constant 0 : i32
      %lt3A_29 = arith.cmpi slt, %rem3A, %lt3A : i32
      %lt3A_30 = arith.constant 0 : i32
      %lt3A_31 = arith.cmpi slt, %select_n3A, %lt3A_30 : i32
      %ne3A_32 = arith.xori %lt3A_29, %lt3A_31 : i1
      %and3A = arith.andi %ne3A_32, %ne3A_28 : i1
      %add3A_33 = arith.addi %rem3A, %select_n3A : i32
      %select_n3A_34 = arith.select %and3A, %add3A_33, %rem3A : i32
      %eq3A_35 = arith.constant 0 : i32
      %eq3A_36 = arith.cmpi eq, %select_n3A_34, %eq3A_35 : i32
      %convert_element_type3A = arith.extui %eq3A_36 : i1 to i32
      %cond3A = arith.constant 0 : i32
      %cond3A_37 = arith.cmpi ne, %convert_element_type3A, %cond3A : i32
      scf.if %cond3A_37 {
        %add3A_59 = arith.constant 1 : i32
        %add3A_60 = arith.addi %scan3A_25, %add3A_59 : i32
        %lt3A_61 = arith.constant 5 : i32
        %lt3A_62 = arith.cmpi slt, %add3A_60, %lt3A_61 : i32
        %convert_element_type3A_63 = arith.extui %lt3A_62 : i1 to i32
        %cond3A_64 = arith.constant 0 : i32
        %cond3A_65 = arith.cmpi ne, %convert_element_type3A_63, %cond3A_64 : i32
        scf.if %cond3A_65 {
          %add3A_82 = arith.constant 1 : i32
          %add3A_83 = arith.addi %scan3A_25, %add3A_82 : i32
          %mul3A_84 = arith.constant 5000 : i32
          %mul3A_85 = arith.muli %add3A_83, %mul3A_84 : i32
          %add3A_86 = arith.addi %mul3A_4, %mul3A_85 : i32
          %dma_wait3A_87 = tpu.memref_slice %arg3[%add3A_86] : memref<800000xi32, #tpu.memory_space<hbm>> -> memref<5000xi32, #tpu.memory_space<hbm>>
          %dma_wait3A_88 = tpu.memref_slice %arg3[%add3A_86] : memref<800000xi32, #tpu.memory_space<hbm>> -> memref<5000xi32, #tpu.memory_space<hbm>>
          tpu.wait_dma2 semaphore(%arg17 : memref<!tpu.dma_semaphore, #tpu.memory_space<semaphore_mem>>) src(%dma_wait3A_88 : memref<5000xi32, #tpu.memory_space<hbm>>) dst(%arg10 : memref<5000xi32, #tpu.memory_space<vmem>>)
          %add3A_89 = arith.constant 1 : i32
          %add3A_90 = arith.addi %scan3A_25, %add3A_89 : i32
          %mul3A_91 = arith.constant 5000 : i32
          %mul3A_92 = arith.muli %add3A_90, %mul3A_91 : i32
          %add3A_93 = arith.addi %mul3A_4, %mul3A_92 : i32
          %dma_wait3A_94 = tpu.memref_slice %arg4[%add3A_93] : memref<800000xi32, #tpu.memory_space<hbm>> -> memref<5000xi32, #tpu.memory_space<hbm>>
          %dma_wait3A_95 = tpu.memref_slice %arg4[%add3A_93] : memref<800000xi32, #tpu.memory_space<hbm>> -> memref<5000xi32, #tpu.memory_space<hbm>>
          tpu.wait_dma2 semaphore(%arg17 : memref<!tpu.dma_semaphore, #tpu.memory_space<semaphore_mem>>) src(%dma_wait3A_95 : memref<5000xi32, #tpu.memory_space<hbm>>) dst(%arg11 : memref<5000xi32, #tpu.memory_space<vmem>>)
        } else {
        }
        %dma_wait3A = arith.constant 0 : i32
        %dma_wait3A_66 = arith.constant 0 : i32
        %dma_wait3A_67 = tpu.memref_slice %arg2[%dma_wait3A, %dma_wait3A_66] : memref<50000x8xf32, #tpu.memory_space<hbm>> -> memref<50000x8xf32, #tpu.memory_space<hbm>>
        tpu.wait_indirect_dma semaphore(%arg14 : memref<!tpu.dma_semaphore, #tpu.memory_space<semaphore_mem>>) src(%dma_wait3A_67 : memref<50000x8xf32, #tpu.memory_space<hbm>>) dst(%arg9 : memref<5000x8xf32, #tpu.memory_space<vmem>>)
        %add3A_68 = arith.constant 1 : i32
        %add3A_69 = arith.addi %scan3A_25, %add3A_68 : i32
        %lt3A_70 = arith.constant 5 : i32
        %lt3A_71 = arith.cmpi slt, %add3A_69, %lt3A_70 : i32
        %convert_element_type3A_72 = arith.extui %lt3A_71 : i1 to i32
        %cond3A_73 = arith.constant 0 : i32
        %cond3A_74 = arith.cmpi ne, %convert_element_type3A_72, %cond3A_73 : i32
        scf.if %cond3A_74 {
          %dma_start3A_82 = arith.constant 0 : i32
          %dma_start3A_83 = arith.constant 0 : i32
          %dma_start3A_84 = tpu.memref_slice %arg2[%dma_start3A_82, %dma_start3A_83] : memref<50000x8xf32, #tpu.memory_space<hbm>> -> memref<50000x8xf32, #tpu.memory_space<hbm>>
          tpu.enqueue_indirect_dma source(%dma_start3A_84 : memref<50000x8xf32, #tpu.memory_space<hbm>>) target(%arg12 : memref<5000x8xf32, #tpu.memory_space<vmem>>) offsets(%arg10 : memref<5000xi32, #tpu.memory_space<vmem>>) semaphore(%arg15 : memref<!tpu.dma_semaphore, #tpu.memory_space<semaphore_mem>>)
        } else {
        }
        "tpu.region"() ({
          %run_scoped3A = tpu.sem_alloc : memref<!tpu.dma_semaphore, #tpu.memory_space<semaphore_mem>>
          %dma_start3A_82 = arith.constant 0 : i32
          %dma_start3A_83 = arith.constant 0 : i32
          %dma_start3A_84 = tpu.memref_slice %arg13[%dma_start3A_82, %dma_start3A_83] : memref<50048x8xf32, #tpu.memory_space<vmem_shared>> -> memref<50048x8xf32, #tpu.memory_space<vmem_shared>>
          tpu.enqueue_indirect_dma source(%arg9 : memref<5000x8xf32, #tpu.memory_space<vmem>>) target(%dma_start3A_84 : memref<50048x8xf32, #tpu.memory_space<vmem_shared>>) offsets(%arg8 : memref<5000xi32, #tpu.memory_space<vmem>>) semaphore(%run_scoped3A : memref<!tpu.dma_semaphore, #tpu.memory_space<semaphore_mem>>) {add = true}
          %dma_wait3A_85 = arith.constant 0 : i32
          %dma_wait3A_86 = arith.constant 0 : i32
          %dma_wait3A_87 = tpu.memref_slice %arg13[%dma_wait3A_85, %dma_wait3A_86] : memref<50048x8xf32, #tpu.memory_space<vmem_shared>> -> memref<50048x8xf32, #tpu.memory_space<vmem_shared>>
          tpu.wait_indirect_dma semaphore(%run_scoped3A : memref<!tpu.dma_semaphore, #tpu.memory_space<semaphore_mem>>) src(%arg9 : memref<5000x8xf32, #tpu.memory_space<vmem>>) dst(%dma_wait3A_87 : memref<50048x8xf32, #tpu.memory_space<vmem_shared>>)
          tpu.yield
        }) : () -> ()
        %add3A_75 = arith.constant 2 : i32
        %add3A_76 = arith.addi %scan3A_25, %add3A_75 : i32
        %lt3A_77 = arith.constant 5 : i32
        %lt3A_78 = arith.cmpi slt, %add3A_76, %lt3A_77 : i32
        %convert_element_type3A_79 = arith.extui %lt3A_78 : i1 to i32
        %cond3A_80 = arith.constant 0 : i32
        %cond3A_81 = arith.cmpi ne, %convert_element_type3A_79, %cond3A_80 : i32
        scf.if %cond3A_81 {
          %add3A_82 = arith.constant 2 : i32
          %add3A_83 = arith.addi %scan3A_25, %add3A_82 : i32
          %mul3A_84 = arith.constant 5000 : i32
          %mul3A_85 = arith.muli %add3A_83, %mul3A_84 : i32
          %add3A_86 = arith.addi %mul3A_4, %mul3A_85 : i32
          %dma_start3A_87 = tpu.memref_slice %arg3[%add3A_86] : memref<800000xi32, #tpu.memory_space<hbm>> -> memref<5000xi32, #tpu.memory_space<hbm>>
          %dma_start3A_88 = tpu.memref_slice %arg3[%add3A_86] : memref<800000xi32, #tpu.memory_space<hbm>> -> memref<5000xi32, #tpu.memory_space<hbm>>
          tpu.enqueue_dma source(%dma_start3A_88 : memref<5000xi32, #tpu.memory_space<hbm>>) target(%arg7 : memref<5000xi32, #tpu.memory_space<vmem>>) target_semaphore(%arg16 : memref<!tpu.dma_semaphore, #tpu.memory_space<semaphore_mem>>)
          %add3A_89 = arith.constant 2 : i32
          %add3A_90 = arith.addi %scan3A_25, %add3A_89 : i32
          %mul3A_91 = arith.constant 5000 : i32
          %mul3A_92 = arith.muli %add3A_90, %mul3A_91 : i32
          %add3A_93 = arith.addi %mul3A_4, %mul3A_92 : i32
          %dma_start3A_94 = tpu.memref_slice %arg4[%add3A_93] : memref<800000xi32, #tpu.memory_space<hbm>> -> memref<5000xi32, #tpu.memory_space<hbm>>
          %dma_start3A_95 = tpu.memref_slice %arg4[%add3A_93] : memref<800000xi32, #tpu.memory_space<hbm>> -> memref<5000xi32, #tpu.memory_space<hbm>>
          tpu.enqueue_dma source(%dma_start3A_95 : memref<5000xi32, #tpu.memory_space<hbm>>) target(%arg8 : memref<5000xi32, #tpu.memory_space<vmem>>) target_semaphore(%arg16 : memref<!tpu.dma_semaphore, #tpu.memory_space<semaphore_mem>>)
        } else {
        }
      } else {
      }
      %jit3A_38 = arith.constant 2 : i32
      %eq3A_39 = arith.constant 0 : i32
      %eq3A_40 = arith.cmpi eq, %jit3A_38, %eq3A_39 : i32
      %jit3A_41 = arith.constant 1 : i32
      %select_n3A_42 = arith.select %eq3A_40, %jit3A_41, %jit3A_38 : i32
      %rem3A_43 = arith.remsi %scan3A_25, %select_n3A_42 : i32
      %ne3A_44 = arith.constant 0 : i32
      %ne3A_45 = arith.cmpi ne, %rem3A_43, %ne3A_44 : i32
      %lt3A_46 = arith.constant 0 : i32
      %lt3A_47 = arith.cmpi slt, %rem3A_43, %lt3A_46 : i32
      %lt3A_48 = arith.constant 0 : i32
      %lt3A_49 = arith.cmpi slt, %select_n3A_42, %lt3A_48 : i32
      %ne3A_50 = arith.xori %lt3A_47, %lt3A_49 : i1
      %and3A_51 = arith.andi %ne3A_50, %ne3A_45 : i1
      %add3A_52 = arith.addi %rem3A_43, %select_n3A_42 : i32
      %select_n3A_53 = arith.select %and3A_51, %add3A_52, %rem3A_43 : i32
      %eq3A_54 = arith.constant 1 : i32
      %eq3A_55 = arith.cmpi eq, %select_n3A_53, %eq3A_54 : i32
      %convert_element_type3A_56 = arith.extui %eq3A_55 : i1 to i32
      %cond3A_57 = arith.constant 0 : i32
      %cond3A_58 = arith.cmpi ne, %convert_element_type3A_56, %cond3A_57 : i32
      scf.if %cond3A_58 {
        %add3A_59 = arith.constant 1 : i32
        %add3A_60 = arith.addi %scan3A_25, %add3A_59 : i32
        %lt3A_61 = arith.constant 5 : i32
        %lt3A_62 = arith.cmpi slt, %add3A_60, %lt3A_61 : i32
        %convert_element_type3A_63 = arith.extui %lt3A_62 : i1 to i32
        %cond3A_64 = arith.constant 0 : i32
        %cond3A_65 = arith.cmpi ne, %convert_element_type3A_63, %cond3A_64 : i32
        scf.if %cond3A_65 {
          %add3A_82 = arith.constant 1 : i32
          %add3A_83 = arith.addi %scan3A_25, %add3A_82 : i32
          %mul3A_84 = arith.constant 5000 : i32
          %mul3A_85 = arith.muli %add3A_83, %mul3A_84 : i32
          %add3A_86 = arith.addi %mul3A_4, %mul3A_85 : i32
          %dma_wait3A_87 = tpu.memref_slice %arg3[%add3A_86] : memref<800000xi32, #tpu.memory_space<hbm>> -> memref<5000xi32, #tpu.memory_space<hbm>>
          %dma_wait3A_88 = tpu.memref_slice %arg3[%add3A_86] : memref<800000xi32, #tpu.memory_space<hbm>> -> memref<5000xi32, #tpu.memory_space<hbm>>
          tpu.wait_dma2 semaphore(%arg16 : memref<!tpu.dma_semaphore, #tpu.memory_space<semaphore_mem>>) src(%dma_wait3A_88 : memref<5000xi32, #tpu.memory_space<hbm>>) dst(%arg7 : memref<5000xi32, #tpu.memory_space<vmem>>)
          %add3A_89 = arith.constant 1 : i32
          %add3A_90 = arith.addi %scan3A_25, %add3A_89 : i32
          %mul3A_91 = arith.constant 5000 : i32
          %mul3A_92 = arith.muli %add3A_90, %mul3A_91 : i32
          %add3A_93 = arith.addi %mul3A_4, %mul3A_92 : i32
          %dma_wait3A_94 = tpu.memref_slice %arg4[%add3A_93] : memref<800000xi32, #tpu.memory_space<hbm>> -> memref<5000xi32, #tpu.memory_space<hbm>>
          %dma_wait3A_95 = tpu.memref_slice %arg4[%add3A_93] : memref<800000xi32, #tpu.memory_space<hbm>> -> memref<5000xi32, #tpu.memory_space<hbm>>
          tpu.wait_dma2 semaphore(%arg16 : memref<!tpu.dma_semaphore, #tpu.memory_space<semaphore_mem>>) src(%dma_wait3A_95 : memref<5000xi32, #tpu.memory_space<hbm>>) dst(%arg8 : memref<5000xi32, #tpu.memory_space<vmem>>)
        } else {
        }
        %dma_wait3A = arith.constant 0 : i32
        %dma_wait3A_66 = arith.constant 0 : i32
        %dma_wait3A_67 = tpu.memref_slice %arg2[%dma_wait3A, %dma_wait3A_66] : memref<50000x8xf32, #tpu.memory_space<hbm>> -> memref<50000x8xf32, #tpu.memory_space<hbm>>
        tpu.wait_indirect_dma semaphore(%arg15 : memref<!tpu.dma_semaphore, #tpu.memory_space<semaphore_mem>>) src(%dma_wait3A_67 : memref<50000x8xf32, #tpu.memory_space<hbm>>) dst(%arg12 : memref<5000x8xf32, #tpu.memory_space<vmem>>)
        %add3A_68 = arith.constant 1 : i32
        %add3A_69 = arith.addi %scan3A_25, %add3A_68 : i32
        %lt3A_70 = arith.constant 5 : i32
        %lt3A_71 = arith.cmpi slt, %add3A_69, %lt3A_70 : i32
        %convert_element_type3A_72 = arith.extui %lt3A_71 : i1 to i32
        %cond3A_73 = arith.constant 0 : i32
        %cond3A_74 = arith.cmpi ne, %convert_element_type3A_72, %cond3A_73 : i32
        scf.if %cond3A_74 {
          %dma_start3A_82 = arith.constant 0 : i32
          %dma_start3A_83 = arith.constant 0 : i32
          %dma_start3A_84 = tpu.memref_slice %arg2[%dma_start3A_82, %dma_start3A_83] : memref<50000x8xf32, #tpu.memory_space<hbm>> -> memref<50000x8xf32, #tpu.memory_space<hbm>>
          tpu.enqueue_indirect_dma source(%dma_start3A_84 : memref<50000x8xf32, #tpu.memory_space<hbm>>) target(%arg9 : memref<5000x8xf32, #tpu.memory_space<vmem>>) offsets(%arg7 : memref<5000xi32, #tpu.memory_space<vmem>>) semaphore(%arg14 : memref<!tpu.dma_semaphore, #tpu.memory_space<semaphore_mem>>)
        } else {
        }
        "tpu.region"() ({
          %run_scoped3A = tpu.sem_alloc : memref<!tpu.dma_semaphore, #tpu.memory_space<semaphore_mem>>
          %dma_start3A_82 = arith.constant 0 : i32
          %dma_start3A_83 = arith.constant 0 : i32
          %dma_start3A_84 = tpu.memref_slice %arg13[%dma_start3A_82, %dma_start3A_83] : memref<50048x8xf32, #tpu.memory_space<vmem_shared>> -> memref<50048x8xf32, #tpu.memory_space<vmem_shared>>
          tpu.enqueue_indirect_dma source(%arg12 : memref<5000x8xf32, #tpu.memory_space<vmem>>) target(%dma_start3A_84 : memref<50048x8xf32, #tpu.memory_space<vmem_shared>>) offsets(%arg11 : memref<5000xi32, #tpu.memory_space<vmem>>) semaphore(%run_scoped3A : memref<!tpu.dma_semaphore, #tpu.memory_space<semaphore_mem>>) {add = true}
          %dma_wait3A_85 = arith.constant 0 : i32
          %dma_wait3A_86 = arith.constant 0 : i32
          %dma_wait3A_87 = tpu.memref_slice %arg13[%dma_wait3A_85, %dma_wait3A_86] : memref<50048x8xf32, #tpu.memory_space<vmem_shared>> -> memref<50048x8xf32, #tpu.memory_space<vmem_shared>>
          tpu.wait_indirect_dma semaphore(%run_scoped3A : memref<!tpu.dma_semaphore, #tpu.memory_space<semaphore_mem>>) src(%arg12 : memref<5000x8xf32, #tpu.memory_space<vmem>>) dst(%dma_wait3A_87 : memref<50048x8xf32, #tpu.memory_space<vmem_shared>>)
          tpu.yield
        }) : () -> ()
        %add3A_75 = arith.constant 2 : i32
        %add3A_76 = arith.addi %scan3A_25, %add3A_75 : i32
        %lt3A_77 = arith.constant 5 : i32
        %lt3A_78 = arith.cmpi slt, %add3A_76, %lt3A_77 : i32
        %convert_element_type3A_79 = arith.extui %lt3A_78 : i1 to i32
        %cond3A_80 = arith.constant 0 : i32
        %cond3A_81 = arith.cmpi ne, %convert_element_type3A_79, %cond3A_80 : i32
        scf.if %cond3A_81 {
          %add3A_82 = arith.constant 2 : i32
          %add3A_83 = arith.addi %scan3A_25, %add3A_82 : i32
          %mul3A_84 = arith.constant 5000 : i32
          %mul3A_85 = arith.muli %add3A_83, %mul3A_84 : i32
          %add3A_86 = arith.addi %mul3A_4, %mul3A_85 : i32
          %dma_start3A_87 = tpu.memref_slice %arg3[%add3A_86] : memref<800000xi32, #tpu.memory_space<hbm>> -> memref<5000xi32, #tpu.memory_space<hbm>>
          %dma_start3A_88 = tpu.memref_slice %arg3[%add3A_86] : memref<800000xi32, #tpu.memory_space<hbm>> -> memref<5000xi32, #tpu.memory_space<hbm>>
          tpu.enqueue_dma source(%dma_start3A_88 : memref<5000xi32, #tpu.memory_space<hbm>>) target(%arg10 : memref<5000xi32, #tpu.memory_space<vmem>>) target_semaphore(%arg17 : memref<!tpu.dma_semaphore, #tpu.memory_space<semaphore_mem>>)
          %add3A_89 = arith.constant 2 : i32
          %add3A_90 = arith.addi %scan3A_25, %add3A_89 : i32
          %mul3A_91 = arith.constant 5000 : i32
          %mul3A_92 = arith.muli %add3A_90, %mul3A_91 : i32
          %add3A_93 = arith.addi %mul3A_4, %mul3A_92 : i32
          %dma_start3A_94 = tpu.memref_slice %arg4[%add3A_93] : memref<800000xi32, #tpu.memory_space<hbm>> -> memref<5000xi32, #tpu.memory_space<hbm>>
          %dma_start3A_95 = tpu.memref_slice %arg4[%add3A_93] : memref<800000xi32, #tpu.memory_space<hbm>> -> memref<5000xi32, #tpu.memory_space<hbm>>
          tpu.enqueue_dma source(%dma_start3A_95 : memref<5000xi32, #tpu.memory_space<hbm>>) target(%arg11 : memref<5000xi32, #tpu.memory_space<vmem>>) target_semaphore(%arg17 : memref<!tpu.dma_semaphore, #tpu.memory_space<semaphore_mem>>)
        } else {
        }
      } else {
      }
    }
    %scan3A_23 = arith.constant 5 : i32
    %barrier3A_24 = arith.constant 0 : index
    tpu.barrier barrier_id(%barrier3A_24)
    "tpu.region"() ({
      %run_scoped3A = tpu.sem_alloc : memref<!tpu.dma_semaphore, #tpu.memory_space<semaphore_mem>>
      %dma_start3A_25 = arith.constant 0 : i32
      %dma_start3A_26 = tpu.memref_slice %arg6[%arg0, %mul3A_0, %dma_start3A_25] : memref<2x50048x8xf32, #tpu.memory_space<hbm>> -> memref<1x3128x8xf32, #tpu.memory_space<hbm>>
      %dma_start3A_27 = tpu.memref_squeeze %dma_start3A_26 : memref<1x3128x8xf32, #tpu.memory_space<hbm>> -> memref<3128x8xf32, #tpu.memory_space<hbm>>
      %dma_start3A_28 = arith.constant 0 : i32
      %dma_start3A_29 = tpu.memref_slice %arg13[%mul3A_0, %dma_start3A_28] : memref<50048x8xf32, #tpu.memory_space<vmem_shared>> -> memref<3128x8xf32, #tpu.memory_space<vmem_shared>>
      tpu.enqueue_dma source(%dma_start3A_29 : memref<3128x8xf32, #tpu.memory_space<vmem_shared>>) target(%dma_start3A_27 : memref<3128x8xf32, #tpu.memory_space<hbm>>) target_semaphore(%run_scoped3A : memref<!tpu.dma_semaphore, #tpu.memory_space<semaphore_mem>>)
      %dma_wait3A = arith.constant 0 : i32
      %dma_wait3A_30 = tpu.memref_slice %arg6[%arg0, %mul3A_0, %dma_wait3A] : memref<2x50048x8xf32, #tpu.memory_space<hbm>> -> memref<1x3128x8xf32, #tpu.memory_space<hbm>>
      %dma_wait3A_31 = tpu.memref_squeeze %dma_wait3A_30 : memref<1x3128x8xf32, #tpu.memory_space<hbm>> -> memref<3128x8xf32, #tpu.memory_space<hbm>>
      %dma_wait3A_32 = arith.constant 0 : i32
      %dma_wait3A_33 = tpu.memref_slice %arg13[%mul3A_0, %dma_wait3A_32] : memref<50048x8xf32, #tpu.memory_space<vmem_shared>> -> memref<3128x8xf32, #tpu.memory_space<vmem_shared>>
      tpu.wait_dma2 semaphore(%run_scoped3A : memref<!tpu.dma_semaphore, #tpu.memory_space<semaphore_mem>>) src(%dma_wait3A_33 : memref<3128x8xf32, #tpu.memory_space<vmem_shared>>) dst(%dma_wait3A_31 : memref<3128x8xf32, #tpu.memory_space<hbm>>)
      tpu.yield
    }) : () -> ()
    return
  }
}

#map = affine_map<(d0, d1) -> (0, 0, 0)>
#map1 = affine_map<(d0, d1) -> (0)>
#map2 = affine_map<(d0, d1) -> (0, 0)>
module attributes {stable_mosaic.version = 14 : i64} {
  func.func @k(%arg0: i32, %arg1: i32, %arg2: memref<2x50000x32xbf16, #tpu.memory_space<hbm>>, %arg3: memref<800000xi32, #tpu.memory_space<hbm>>, %arg4: memref<800000xi32, #tpu.memory_space<hbm>>, %arg5: memref<3128x32xbf16, #tpu.memory_space<hbm>>, %arg6: memref<50048x64xbf16, #tpu.memory_space<hbm>>, %arg7: memref<2000xi32, #tpu.memory_space<vmem>>, %arg8: memref<2000xi32, #tpu.memory_space<vmem>>, %arg9: memref<2000x32xbf16, #tpu.memory_space<vmem>>, %arg10: memref<2000xi32, #tpu.memory_space<vmem>>, %arg11: memref<2000xi32, #tpu.memory_space<vmem>>, %arg12: memref<2000x32xbf16, #tpu.memory_space<vmem>>, %arg13: memref<50048x32xbf16, #tpu.memory_space<vmem_shared>>, %arg14: memref<!tpu.dma_semaphore, #tpu.memory_space<semaphore_mem>>, %arg15: memref<!tpu.dma_semaphore, #tpu.memory_space<semaphore_mem>>, %arg16: memref<!tpu.dma_semaphore, #tpu.memory_space<semaphore_mem>>, %arg17: memref<!tpu.dma_semaphore, #tpu.memory_space<semaphore_mem>>) attributes {dimension_semantics = [#tpu.dimension_semantics<core_parallel>, #tpu.dimension_semantics<subcore_parallel>], iteration_bounds = array<i64: 2, 16>, scalar_prefetch = 0 : i64, scratch_operands = 11 : i64, tpu.core_type = #tpu.core_type<sc_vector_subcore>, window_params = [{transform_indices = #map}, {transform_indices = #map1}, {transform_indices = #map1}, {transform_indices = #map2}, {transform_indices = #map2}]} {
    %mul3A = arith.constant 3128 : i32
    %mul3A_0 = arith.muli %arg1, %mul3A : i32
    "tpu.region"() ({
      %run_scoped3A = tpu.sem_alloc : memref<!tpu.dma_semaphore, #tpu.memory_space<semaphore_mem>>
      %dma_start3A_28 = arith.constant 0 : i32
      %dma_start3A_29 = tpu.memref_slice %arg13[%mul3A_0, %dma_start3A_28] : memref<50048x32xbf16, #tpu.memory_space<vmem_shared>> -> memref<3128x32xbf16, #tpu.memory_space<vmem_shared>>
      tpu.enqueue_dma source(%arg5 : memref<3128x32xbf16, #tpu.memory_space<hbm>>) target(%dma_start3A_29 : memref<3128x32xbf16, #tpu.memory_space<vmem_shared>>) target_semaphore(%run_scoped3A : memref<!tpu.dma_semaphore, #tpu.memory_space<semaphore_mem>>)
      %dma_wait3A = arith.constant 0 : i32
      %dma_wait3A_30 = tpu.memref_slice %arg13[%mul3A_0, %dma_wait3A] : memref<50048x32xbf16, #tpu.memory_space<vmem_shared>> -> memref<3128x32xbf16, #tpu.memory_space<vmem_shared>>
      tpu.wait_dma2 semaphore(%run_scoped3A : memref<!tpu.dma_semaphore, #tpu.memory_space<semaphore_mem>>) src(%arg5 : memref<3128x32xbf16, #tpu.memory_space<hbm>>) dst(%dma_wait3A_30 : memref<3128x32xbf16, #tpu.memory_space<vmem_shared>>)
      tpu.yield
    }) : () -> ()
    %barrier3A = arith.constant 0 : index
    tpu.barrier barrier_id(%barrier3A)
    %mul3A_1 = arith.constant 50000 : i32
    %mul3A_2 = arith.muli %arg1, %mul3A_1 : i32
    %add3A = arith.constant 0 : i32
    %add3A_3 = arith.addi %mul3A_2, %add3A : i32
    "tpu.region"() ({
      %run_scoped3A = tpu.sem_alloc : memref<!tpu.dma_semaphore, #tpu.memory_space<semaphore_mem>>
      %dma_start3A_28 = tpu.memref_slice %arg3[%add3A_3] : memref<800000xi32, #tpu.memory_space<hbm>> -> memref<2000xi32, #tpu.memory_space<hbm>>
      %dma_start3A_29 = tpu.memref_slice %arg3[%add3A_3] : memref<800000xi32, #tpu.memory_space<hbm>> -> memref<2000xi32, #tpu.memory_space<hbm>>
      tpu.enqueue_dma source(%dma_start3A_29 : memref<2000xi32, #tpu.memory_space<hbm>>) target(%arg7 : memref<2000xi32, #tpu.memory_space<vmem>>) target_semaphore(%run_scoped3A : memref<!tpu.dma_semaphore, #tpu.memory_space<semaphore_mem>>)
      %dma_wait3A = tpu.memref_slice %arg3[%add3A_3] : memref<800000xi32, #tpu.memory_space<hbm>> -> memref<2000xi32, #tpu.memory_space<hbm>>
      %dma_wait3A_30 = tpu.memref_slice %arg3[%add3A_3] : memref<800000xi32, #tpu.memory_space<hbm>> -> memref<2000xi32, #tpu.memory_space<hbm>>
      tpu.wait_dma2 semaphore(%run_scoped3A : memref<!tpu.dma_semaphore, #tpu.memory_space<semaphore_mem>>) src(%dma_wait3A_30 : memref<2000xi32, #tpu.memory_space<hbm>>) dst(%arg7 : memref<2000xi32, #tpu.memory_space<vmem>>)
      tpu.yield
    }) : () -> ()
    %add3A_4 = arith.constant 0 : i32
    %add3A_5 = arith.addi %mul3A_2, %add3A_4 : i32
    "tpu.region"() ({
      %run_scoped3A = tpu.sem_alloc : memref<!tpu.dma_semaphore, #tpu.memory_space<semaphore_mem>>
      %dma_start3A_28 = tpu.memref_slice %arg4[%add3A_5] : memref<800000xi32, #tpu.memory_space<hbm>> -> memref<2000xi32, #tpu.memory_space<hbm>>
      %dma_start3A_29 = tpu.memref_slice %arg4[%add3A_5] : memref<800000xi32, #tpu.memory_space<hbm>> -> memref<2000xi32, #tpu.memory_space<hbm>>
      tpu.enqueue_dma source(%dma_start3A_29 : memref<2000xi32, #tpu.memory_space<hbm>>) target(%arg8 : memref<2000xi32, #tpu.memory_space<vmem>>) target_semaphore(%run_scoped3A : memref<!tpu.dma_semaphore, #tpu.memory_space<semaphore_mem>>)
      %dma_wait3A = tpu.memref_slice %arg4[%add3A_5] : memref<800000xi32, #tpu.memory_space<hbm>> -> memref<2000xi32, #tpu.memory_space<hbm>>
      %dma_wait3A_30 = tpu.memref_slice %arg4[%add3A_5] : memref<800000xi32, #tpu.memory_space<hbm>> -> memref<2000xi32, #tpu.memory_space<hbm>>
      tpu.wait_dma2 semaphore(%run_scoped3A : memref<!tpu.dma_semaphore, #tpu.memory_space<semaphore_mem>>) src(%dma_wait3A_30 : memref<2000xi32, #tpu.memory_space<hbm>>) dst(%arg8 : memref<2000xi32, #tpu.memory_space<vmem>>)
      tpu.yield
    }) : () -> ()
    %dma_start3A = arith.constant 0 : i32
    %dma_start3A_6 = arith.constant 0 : i32
    %dma_start3A_7 = tpu.memref_slice %arg2[%arg0, %dma_start3A, %dma_start3A_6] : memref<2x50000x32xbf16, #tpu.memory_space<hbm>> -> memref<1x50000x32xbf16, #tpu.memory_space<hbm>>
    %dma_start3A_8 = tpu.memref_squeeze %dma_start3A_7 : memref<1x50000x32xbf16, #tpu.memory_space<hbm>> -> memref<50000x32xbf16, #tpu.memory_space<hbm>>
    %dma_start3A_9 = arith.constant 0 : i32
    %dma_start3A_10 = arith.constant 0 : i32
    %dma_start3A_11 = tpu.memref_slice %dma_start3A_8[%dma_start3A_9, %dma_start3A_10] : memref<50000x32xbf16, #tpu.memory_space<hbm>> -> memref<50000x32xbf16, #tpu.memory_space<hbm>>
    tpu.enqueue_indirect_dma source(%dma_start3A_11 : memref<50000x32xbf16, #tpu.memory_space<hbm>>) target(%arg9 : memref<2000x32xbf16, #tpu.memory_space<vmem>>) offsets(%arg7 : memref<2000xi32, #tpu.memory_space<vmem>>) semaphore(%arg14 : memref<!tpu.dma_semaphore, #tpu.memory_space<semaphore_mem>>)
    %add3A_12 = arith.constant 2000 : i32
    %add3A_13 = arith.addi %mul3A_2, %add3A_12 : i32
    %dma_start3A_14 = tpu.memref_slice %arg3[%add3A_13] : memref<800000xi32, #tpu.memory_space<hbm>> -> memref<2000xi32, #tpu.memory_space<hbm>>
    %dma_start3A_15 = tpu.memref_slice %arg3[%add3A_13] : memref<800000xi32, #tpu.memory_space<hbm>> -> memref<2000xi32, #tpu.memory_space<hbm>>
    tpu.enqueue_dma source(%dma_start3A_15 : memref<2000xi32, #tpu.memory_space<hbm>>) target(%arg10 : memref<2000xi32, #tpu.memory_space<vmem>>) target_semaphore(%arg17 : memref<!tpu.dma_semaphore, #tpu.memory_space<semaphore_mem>>)
    %add3A_16 = arith.constant 2000 : i32
    %add3A_17 = arith.addi %mul3A_2, %add3A_16 : i32
    %dma_start3A_18 = tpu.memref_slice %arg4[%add3A_17] : memref<800000xi32, #tpu.memory_space<hbm>> -> memref<2000xi32, #tpu.memory_space<hbm>>
    %dma_start3A_19 = tpu.memref_slice %arg4[%add3A_17] : memref<800000xi32, #tpu.memory_space<hbm>> -> memref<2000xi32, #tpu.memory_space<hbm>>
    tpu.enqueue_dma source(%dma_start3A_19 : memref<2000xi32, #tpu.memory_space<hbm>>) target(%arg11 : memref<2000xi32, #tpu.memory_space<vmem>>) target_semaphore(%arg17 : memref<!tpu.dma_semaphore, #tpu.memory_space<semaphore_mem>>)
    %scan3A = arith.constant 0 : i32
    %scan3A_20 = arith.constant 0 : i32
    %scan3A_21 = arith.constant 25 : i32
    %scan3A_22 = arith.addi %scan3A_20, %scan3A_21 : i32
    %scan3A_23 = arith.constant 1 : i32
    scf.for %scan3A_28 = %scan3A_20 to %scan3A_22 step %scan3A_23  : i32 {
      %jit3A = arith.constant 2 : i32
      %eq3A = arith.constant 0 : i32
      %eq3A_29 = arith.cmpi eq, %jit3A, %eq3A : i32
      %jit3A_30 = arith.constant 1 : i32
      %select_n3A = arith.select %eq3A_29, %jit3A_30, %jit3A : i32
      %rem3A = arith.remsi %scan3A_28, %select_n3A : i32
      %ne3A = arith.constant 0 : i32
      %ne3A_31 = arith.cmpi ne, %rem3A, %ne3A : i32
      %lt3A = arith.constant 0 : i32
      %lt3A_32 = arith.cmpi slt, %rem3A, %lt3A : i32
      %lt3A_33 = arith.constant 0 : i32
      %lt3A_34 = arith.cmpi slt, %select_n3A, %lt3A_33 : i32
      %ne3A_35 = arith.xori %lt3A_32, %lt3A_34 : i1
      %and3A = arith.andi %ne3A_35, %ne3A_31 : i1
      %add3A_36 = arith.addi %rem3A, %select_n3A : i32
      %select_n3A_37 = arith.select %and3A, %add3A_36, %rem3A : i32
      %eq3A_38 = arith.constant 0 : i32
      %eq3A_39 = arith.cmpi eq, %select_n3A_37, %eq3A_38 : i32
      %convert_element_type3A = arith.extui %eq3A_39 : i1 to i32
      %cond3A = arith.constant 0 : i32
      %cond3A_40 = arith.cmpi ne, %convert_element_type3A, %cond3A : i32
      scf.if %cond3A_40 {
        %add3A_62 = arith.constant 1 : i32
        %add3A_63 = arith.addi %scan3A_28, %add3A_62 : i32
        %lt3A_64 = arith.constant 25 : i32
        %lt3A_65 = arith.cmpi slt, %add3A_63, %lt3A_64 : i32
        %convert_element_type3A_66 = arith.extui %lt3A_65 : i1 to i32
        %cond3A_67 = arith.constant 0 : i32
        %cond3A_68 = arith.cmpi ne, %convert_element_type3A_66, %cond3A_67 : i32
        scf.if %cond3A_68 {
          %add3A_89 = arith.constant 1 : i32
          %add3A_90 = arith.addi %scan3A_28, %add3A_89 : i32
          %mul3A_91 = arith.constant 2000 : i32
          %mul3A_92 = arith.muli %add3A_90, %mul3A_91 : i32
          %add3A_93 = arith.addi %mul3A_2, %mul3A_92 : i32
          %dma_wait3A_94 = tpu.memref_slice %arg3[%add3A_93] : memref<800000xi32, #tpu.memory_space<hbm>> -> memref<2000xi32, #tpu.memory_space<hbm>>
          %dma_wait3A_95 = tpu.memref_slice %arg3[%add3A_93] : memref<800000xi32, #tpu.memory_space<hbm>> -> memref<2000xi32, #tpu.memory_space<hbm>>
          tpu.wait_dma2 semaphore(%arg17 : memref<!tpu.dma_semaphore, #tpu.memory_space<semaphore_mem>>) src(%dma_wait3A_95 : memref<2000xi32, #tpu.memory_space<hbm>>) dst(%arg10 : memref<2000xi32, #tpu.memory_space<vmem>>)
          %add3A_96 = arith.constant 1 : i32
          %add3A_97 = arith.addi %scan3A_28, %add3A_96 : i32
          %mul3A_98 = arith.constant 2000 : i32
          %mul3A_99 = arith.muli %add3A_97, %mul3A_98 : i32
          %add3A_100 = arith.addi %mul3A_2, %mul3A_99 : i32
          %dma_wait3A_101 = tpu.memref_slice %arg4[%add3A_100] : memref<800000xi32, #tpu.memory_space<hbm>> -> memref<2000xi32, #tpu.memory_space<hbm>>
          %dma_wait3A_102 = tpu.memref_slice %arg4[%add3A_100] : memref<800000xi32, #tpu.memory_space<hbm>> -> memref<2000xi32, #tpu.memory_space<hbm>>
          tpu.wait_dma2 semaphore(%arg17 : memref<!tpu.dma_semaphore, #tpu.memory_space<semaphore_mem>>) src(%dma_wait3A_102 : memref<2000xi32, #tpu.memory_space<hbm>>) dst(%arg11 : memref<2000xi32, #tpu.memory_space<vmem>>)
        } else {
        }
        %dma_wait3A = arith.constant 0 : i32
        %dma_wait3A_69 = arith.constant 0 : i32
        %dma_wait3A_70 = tpu.memref_slice %arg2[%arg0, %dma_wait3A, %dma_wait3A_69] : memref<2x50000x32xbf16, #tpu.memory_space<hbm>> -> memref<1x50000x32xbf16, #tpu.memory_space<hbm>>
        %dma_wait3A_71 = tpu.memref_squeeze %dma_wait3A_70 : memref<1x50000x32xbf16, #tpu.memory_space<hbm>> -> memref<50000x32xbf16, #tpu.memory_space<hbm>>
        %dma_wait3A_72 = arith.constant 0 : i32
        %dma_wait3A_73 = arith.constant 0 : i32
        %dma_wait3A_74 = tpu.memref_slice %dma_wait3A_71[%dma_wait3A_72, %dma_wait3A_73] : memref<50000x32xbf16, #tpu.memory_space<hbm>> -> memref<50000x32xbf16, #tpu.memory_space<hbm>>
        tpu.wait_indirect_dma semaphore(%arg14 : memref<!tpu.dma_semaphore, #tpu.memory_space<semaphore_mem>>) src(%dma_wait3A_74 : memref<50000x32xbf16, #tpu.memory_space<hbm>>) dst(%arg9 : memref<2000x32xbf16, #tpu.memory_space<vmem>>)
        %add3A_75 = arith.constant 1 : i32
        %add3A_76 = arith.addi %scan3A_28, %add3A_75 : i32
        %lt3A_77 = arith.constant 25 : i32
        %lt3A_78 = arith.cmpi slt, %add3A_76, %lt3A_77 : i32
        %convert_element_type3A_79 = arith.extui %lt3A_78 : i1 to i32
        %cond3A_80 = arith.constant 0 : i32
        %cond3A_81 = arith.cmpi ne, %convert_element_type3A_79, %cond3A_80 : i32
        scf.if %cond3A_81 {
          %dma_start3A_89 = arith.constant 0 : i32
          %dma_start3A_90 = arith.constant 0 : i32
          %dma_start3A_91 = tpu.memref_slice %arg2[%arg0, %dma_start3A_89, %dma_start3A_90] : memref<2x50000x32xbf16, #tpu.memory_space<hbm>> -> memref<1x50000x32xbf16, #tpu.memory_space<hbm>>
          %dma_start3A_92 = tpu.memref_squeeze %dma_start3A_91 : memref<1x50000x32xbf16, #tpu.memory_space<hbm>> -> memref<50000x32xbf16, #tpu.memory_space<hbm>>
          %dma_start3A_93 = arith.constant 0 : i32
          %dma_start3A_94 = arith.constant 0 : i32
          %dma_start3A_95 = tpu.memref_slice %dma_start3A_92[%dma_start3A_93, %dma_start3A_94] : memref<50000x32xbf16, #tpu.memory_space<hbm>> -> memref<50000x32xbf16, #tpu.memory_space<hbm>>
          tpu.enqueue_indirect_dma source(%dma_start3A_95 : memref<50000x32xbf16, #tpu.memory_space<hbm>>) target(%arg12 : memref<2000x32xbf16, #tpu.memory_space<vmem>>) offsets(%arg10 : memref<2000xi32, #tpu.memory_space<vmem>>) semaphore(%arg15 : memref<!tpu.dma_semaphore, #tpu.memory_space<semaphore_mem>>)
        } else {
        }
        "tpu.region"() ({
          %run_scoped3A = tpu.sem_alloc : memref<!tpu.dma_semaphore, #tpu.memory_space<semaphore_mem>>
          %dma_start3A_89 = arith.constant 0 : i32
          %dma_start3A_90 = arith.constant 0 : i32
          %dma_start3A_91 = tpu.memref_slice %arg13[%dma_start3A_89, %dma_start3A_90] : memref<50048x32xbf16, #tpu.memory_space<vmem_shared>> -> memref<50048x32xbf16, #tpu.memory_space<vmem_shared>>
          tpu.enqueue_indirect_dma source(%arg9 : memref<2000x32xbf16, #tpu.memory_space<vmem>>) target(%dma_start3A_91 : memref<50048x32xbf16, #tpu.memory_space<vmem_shared>>) offsets(%arg8 : memref<2000xi32, #tpu.memory_space<vmem>>) semaphore(%run_scoped3A : memref<!tpu.dma_semaphore, #tpu.memory_space<semaphore_mem>>) {add = true}
          %dma_wait3A_92 = arith.constant 0 : i32
          %dma_wait3A_93 = arith.constant 0 : i32
          %dma_wait3A_94 = tpu.memref_slice %arg13[%dma_wait3A_92, %dma_wait3A_93] : memref<50048x32xbf16, #tpu.memory_space<vmem_shared>> -> memref<50048x32xbf16, #tpu.memory_space<vmem_shared>>
          tpu.wait_indirect_dma semaphore(%run_scoped3A : memref<!tpu.dma_semaphore, #tpu.memory_space<semaphore_mem>>) src(%arg9 : memref<2000x32xbf16, #tpu.memory_space<vmem>>) dst(%dma_wait3A_94 : memref<50048x32xbf16, #tpu.memory_space<vmem_shared>>)
          tpu.yield
        }) : () -> ()
        %add3A_82 = arith.constant 2 : i32
        %add3A_83 = arith.addi %scan3A_28, %add3A_82 : i32
        %lt3A_84 = arith.constant 25 : i32
        %lt3A_85 = arith.cmpi slt, %add3A_83, %lt3A_84 : i32
        %convert_element_type3A_86 = arith.extui %lt3A_85 : i1 to i32
        %cond3A_87 = arith.constant 0 : i32
        %cond3A_88 = arith.cmpi ne, %convert_element_type3A_86, %cond3A_87 : i32
        scf.if %cond3A_88 {
          %add3A_89 = arith.constant 2 : i32
          %add3A_90 = arith.addi %scan3A_28, %add3A_89 : i32
          %mul3A_91 = arith.constant 2000 : i32
          %mul3A_92 = arith.muli %add3A_90, %mul3A_91 : i32
          %add3A_93 = arith.addi %mul3A_2, %mul3A_92 : i32
          %dma_start3A_94 = tpu.memref_slice %arg3[%add3A_93] : memref<800000xi32, #tpu.memory_space<hbm>> -> memref<2000xi32, #tpu.memory_space<hbm>>
          %dma_start3A_95 = tpu.memref_slice %arg3[%add3A_93] : memref<800000xi32, #tpu.memory_space<hbm>> -> memref<2000xi32, #tpu.memory_space<hbm>>
          tpu.enqueue_dma source(%dma_start3A_95 : memref<2000xi32, #tpu.memory_space<hbm>>) target(%arg7 : memref<2000xi32, #tpu.memory_space<vmem>>) target_semaphore(%arg16 : memref<!tpu.dma_semaphore, #tpu.memory_space<semaphore_mem>>)
          %add3A_96 = arith.constant 2 : i32
          %add3A_97 = arith.addi %scan3A_28, %add3A_96 : i32
          %mul3A_98 = arith.constant 2000 : i32
          %mul3A_99 = arith.muli %add3A_97, %mul3A_98 : i32
          %add3A_100 = arith.addi %mul3A_2, %mul3A_99 : i32
          %dma_start3A_101 = tpu.memref_slice %arg4[%add3A_100] : memref<800000xi32, #tpu.memory_space<hbm>> -> memref<2000xi32, #tpu.memory_space<hbm>>
          %dma_start3A_102 = tpu.memref_slice %arg4[%add3A_100] : memref<800000xi32, #tpu.memory_space<hbm>> -> memref<2000xi32, #tpu.memory_space<hbm>>
          tpu.enqueue_dma source(%dma_start3A_102 : memref<2000xi32, #tpu.memory_space<hbm>>) target(%arg8 : memref<2000xi32, #tpu.memory_space<vmem>>) target_semaphore(%arg16 : memref<!tpu.dma_semaphore, #tpu.memory_space<semaphore_mem>>)
        } else {
        }
      } else {
      }
      %jit3A_41 = arith.constant 2 : i32
      %eq3A_42 = arith.constant 0 : i32
      %eq3A_43 = arith.cmpi eq, %jit3A_41, %eq3A_42 : i32
      %jit3A_44 = arith.constant 1 : i32
      %select_n3A_45 = arith.select %eq3A_43, %jit3A_44, %jit3A_41 : i32
      %rem3A_46 = arith.remsi %scan3A_28, %select_n3A_45 : i32
      %ne3A_47 = arith.constant 0 : i32
      %ne3A_48 = arith.cmpi ne, %rem3A_46, %ne3A_47 : i32
      %lt3A_49 = arith.constant 0 : i32
      %lt3A_50 = arith.cmpi slt, %rem3A_46, %lt3A_49 : i32
      %lt3A_51 = arith.constant 0 : i32
      %lt3A_52 = arith.cmpi slt, %select_n3A_45, %lt3A_51 : i32
      %ne3A_53 = arith.xori %lt3A_50, %lt3A_52 : i1
      %and3A_54 = arith.andi %ne3A_53, %ne3A_48 : i1
      %add3A_55 = arith.addi %rem3A_46, %select_n3A_45 : i32
      %select_n3A_56 = arith.select %and3A_54, %add3A_55, %rem3A_46 : i32
      %eq3A_57 = arith.constant 1 : i32
      %eq3A_58 = arith.cmpi eq, %select_n3A_56, %eq3A_57 : i32
      %convert_element_type3A_59 = arith.extui %eq3A_58 : i1 to i32
      %cond3A_60 = arith.constant 0 : i32
      %cond3A_61 = arith.cmpi ne, %convert_element_type3A_59, %cond3A_60 : i32
      scf.if %cond3A_61 {
        %add3A_62 = arith.constant 1 : i32
        %add3A_63 = arith.addi %scan3A_28, %add3A_62 : i32
        %lt3A_64 = arith.constant 25 : i32
        %lt3A_65 = arith.cmpi slt, %add3A_63, %lt3A_64 : i32
        %convert_element_type3A_66 = arith.extui %lt3A_65 : i1 to i32
        %cond3A_67 = arith.constant 0 : i32
        %cond3A_68 = arith.cmpi ne, %convert_element_type3A_66, %cond3A_67 : i32
        scf.if %cond3A_68 {
          %add3A_89 = arith.constant 1 : i32
          %add3A_90 = arith.addi %scan3A_28, %add3A_89 : i32
          %mul3A_91 = arith.constant 2000 : i32
          %mul3A_92 = arith.muli %add3A_90, %mul3A_91 : i32
          %add3A_93 = arith.addi %mul3A_2, %mul3A_92 : i32
          %dma_wait3A_94 = tpu.memref_slice %arg3[%add3A_93] : memref<800000xi32, #tpu.memory_space<hbm>> -> memref<2000xi32, #tpu.memory_space<hbm>>
          %dma_wait3A_95 = tpu.memref_slice %arg3[%add3A_93] : memref<800000xi32, #tpu.memory_space<hbm>> -> memref<2000xi32, #tpu.memory_space<hbm>>
          tpu.wait_dma2 semaphore(%arg16 : memref<!tpu.dma_semaphore, #tpu.memory_space<semaphore_mem>>) src(%dma_wait3A_95 : memref<2000xi32, #tpu.memory_space<hbm>>) dst(%arg7 : memref<2000xi32, #tpu.memory_space<vmem>>)
          %add3A_96 = arith.constant 1 : i32
          %add3A_97 = arith.addi %scan3A_28, %add3A_96 : i32
          %mul3A_98 = arith.constant 2000 : i32
          %mul3A_99 = arith.muli %add3A_97, %mul3A_98 : i32
          %add3A_100 = arith.addi %mul3A_2, %mul3A_99 : i32
          %dma_wait3A_101 = tpu.memref_slice %arg4[%add3A_100] : memref<800000xi32, #tpu.memory_space<hbm>> -> memref<2000xi32, #tpu.memory_space<hbm>>
          %dma_wait3A_102 = tpu.memref_slice %arg4[%add3A_100] : memref<800000xi32, #tpu.memory_space<hbm>> -> memref<2000xi32, #tpu.memory_space<hbm>>
          tpu.wait_dma2 semaphore(%arg16 : memref<!tpu.dma_semaphore, #tpu.memory_space<semaphore_mem>>) src(%dma_wait3A_102 : memref<2000xi32, #tpu.memory_space<hbm>>) dst(%arg8 : memref<2000xi32, #tpu.memory_space<vmem>>)
        } else {
        }
        %dma_wait3A = arith.constant 0 : i32
        %dma_wait3A_69 = arith.constant 0 : i32
        %dma_wait3A_70 = tpu.memref_slice %arg2[%arg0, %dma_wait3A, %dma_wait3A_69] : memref<2x50000x32xbf16, #tpu.memory_space<hbm>> -> memref<1x50000x32xbf16, #tpu.memory_space<hbm>>
        %dma_wait3A_71 = tpu.memref_squeeze %dma_wait3A_70 : memref<1x50000x32xbf16, #tpu.memory_space<hbm>> -> memref<50000x32xbf16, #tpu.memory_space<hbm>>
        %dma_wait3A_72 = arith.constant 0 : i32
        %dma_wait3A_73 = arith.constant 0 : i32
        %dma_wait3A_74 = tpu.memref_slice %dma_wait3A_71[%dma_wait3A_72, %dma_wait3A_73] : memref<50000x32xbf16, #tpu.memory_space<hbm>> -> memref<50000x32xbf16, #tpu.memory_space<hbm>>
        tpu.wait_indirect_dma semaphore(%arg15 : memref<!tpu.dma_semaphore, #tpu.memory_space<semaphore_mem>>) src(%dma_wait3A_74 : memref<50000x32xbf16, #tpu.memory_space<hbm>>) dst(%arg12 : memref<2000x32xbf16, #tpu.memory_space<vmem>>)
        %add3A_75 = arith.constant 1 : i32
        %add3A_76 = arith.addi %scan3A_28, %add3A_75 : i32
        %lt3A_77 = arith.constant 25 : i32
        %lt3A_78 = arith.cmpi slt, %add3A_76, %lt3A_77 : i32
        %convert_element_type3A_79 = arith.extui %lt3A_78 : i1 to i32
        %cond3A_80 = arith.constant 0 : i32
        %cond3A_81 = arith.cmpi ne, %convert_element_type3A_79, %cond3A_80 : i32
        scf.if %cond3A_81 {
          %dma_start3A_89 = arith.constant 0 : i32
          %dma_start3A_90 = arith.constant 0 : i32
          %dma_start3A_91 = tpu.memref_slice %arg2[%arg0, %dma_start3A_89, %dma_start3A_90] : memref<2x50000x32xbf16, #tpu.memory_space<hbm>> -> memref<1x50000x32xbf16, #tpu.memory_space<hbm>>
          %dma_start3A_92 = tpu.memref_squeeze %dma_start3A_91 : memref<1x50000x32xbf16, #tpu.memory_space<hbm>> -> memref<50000x32xbf16, #tpu.memory_space<hbm>>
          %dma_start3A_93 = arith.constant 0 : i32
          %dma_start3A_94 = arith.constant 0 : i32
          %dma_start3A_95 = tpu.memref_slice %dma_start3A_92[%dma_start3A_93, %dma_start3A_94] : memref<50000x32xbf16, #tpu.memory_space<hbm>> -> memref<50000x32xbf16, #tpu.memory_space<hbm>>
          tpu.enqueue_indirect_dma source(%dma_start3A_95 : memref<50000x32xbf16, #tpu.memory_space<hbm>>) target(%arg9 : memref<2000x32xbf16, #tpu.memory_space<vmem>>) offsets(%arg7 : memref<2000xi32, #tpu.memory_space<vmem>>) semaphore(%arg14 : memref<!tpu.dma_semaphore, #tpu.memory_space<semaphore_mem>>)
        } else {
        }
        "tpu.region"() ({
          %run_scoped3A = tpu.sem_alloc : memref<!tpu.dma_semaphore, #tpu.memory_space<semaphore_mem>>
          %dma_start3A_89 = arith.constant 0 : i32
          %dma_start3A_90 = arith.constant 0 : i32
          %dma_start3A_91 = tpu.memref_slice %arg13[%dma_start3A_89, %dma_start3A_90] : memref<50048x32xbf16, #tpu.memory_space<vmem_shared>> -> memref<50048x32xbf16, #tpu.memory_space<vmem_shared>>
          tpu.enqueue_indirect_dma source(%arg12 : memref<2000x32xbf16, #tpu.memory_space<vmem>>) target(%dma_start3A_91 : memref<50048x32xbf16, #tpu.memory_space<vmem_shared>>) offsets(%arg11 : memref<2000xi32, #tpu.memory_space<vmem>>) semaphore(%run_scoped3A : memref<!tpu.dma_semaphore, #tpu.memory_space<semaphore_mem>>) {add = true}
          %dma_wait3A_92 = arith.constant 0 : i32
          %dma_wait3A_93 = arith.constant 0 : i32
          %dma_wait3A_94 = tpu.memref_slice %arg13[%dma_wait3A_92, %dma_wait3A_93] : memref<50048x32xbf16, #tpu.memory_space<vmem_shared>> -> memref<50048x32xbf16, #tpu.memory_space<vmem_shared>>
          tpu.wait_indirect_dma semaphore(%run_scoped3A : memref<!tpu.dma_semaphore, #tpu.memory_space<semaphore_mem>>) src(%arg12 : memref<2000x32xbf16, #tpu.memory_space<vmem>>) dst(%dma_wait3A_94 : memref<50048x32xbf16, #tpu.memory_space<vmem_shared>>)
          tpu.yield
        }) : () -> ()
        %add3A_82 = arith.constant 2 : i32
        %add3A_83 = arith.addi %scan3A_28, %add3A_82 : i32
        %lt3A_84 = arith.constant 25 : i32
        %lt3A_85 = arith.cmpi slt, %add3A_83, %lt3A_84 : i32
        %convert_element_type3A_86 = arith.extui %lt3A_85 : i1 to i32
        %cond3A_87 = arith.constant 0 : i32
        %cond3A_88 = arith.cmpi ne, %convert_element_type3A_86, %cond3A_87 : i32
        scf.if %cond3A_88 {
          %add3A_89 = arith.constant 2 : i32
          %add3A_90 = arith.addi %scan3A_28, %add3A_89 : i32
          %mul3A_91 = arith.constant 2000 : i32
          %mul3A_92 = arith.muli %add3A_90, %mul3A_91 : i32
          %add3A_93 = arith.addi %mul3A_2, %mul3A_92 : i32
          %dma_start3A_94 = tpu.memref_slice %arg3[%add3A_93] : memref<800000xi32, #tpu.memory_space<hbm>> -> memref<2000xi32, #tpu.memory_space<hbm>>
          %dma_start3A_95 = tpu.memref_slice %arg3[%add3A_93] : memref<800000xi32, #tpu.memory_space<hbm>> -> memref<2000xi32, #tpu.memory_space<hbm>>
          tpu.enqueue_dma source(%dma_start3A_95 : memref<2000xi32, #tpu.memory_space<hbm>>) target(%arg10 : memref<2000xi32, #tpu.memory_space<vmem>>) target_semaphore(%arg17 : memref<!tpu.dma_semaphore, #tpu.memory_space<semaphore_mem>>)
          %add3A_96 = arith.constant 2 : i32
          %add3A_97 = arith.addi %scan3A_28, %add3A_96 : i32
          %mul3A_98 = arith.constant 2000 : i32
          %mul3A_99 = arith.muli %add3A_97, %mul3A_98 : i32
          %add3A_100 = arith.addi %mul3A_2, %mul3A_99 : i32
          %dma_start3A_101 = tpu.memref_slice %arg4[%add3A_100] : memref<800000xi32, #tpu.memory_space<hbm>> -> memref<2000xi32, #tpu.memory_space<hbm>>
          %dma_start3A_102 = tpu.memref_slice %arg4[%add3A_100] : memref<800000xi32, #tpu.memory_space<hbm>> -> memref<2000xi32, #tpu.memory_space<hbm>>
          tpu.enqueue_dma source(%dma_start3A_102 : memref<2000xi32, #tpu.memory_space<hbm>>) target(%arg11 : memref<2000xi32, #tpu.memory_space<vmem>>) target_semaphore(%arg17 : memref<!tpu.dma_semaphore, #tpu.memory_space<semaphore_mem>>)
        } else {
        }
      } else {
      }
    }
    %scan3A_24 = arith.constant 25 : i32
    %barrier3A_25 = arith.constant 0 : index
    tpu.barrier barrier_id(%barrier3A_25)
    %mul3A_26 = arith.constant 32 : i32
    %mul3A_27 = arith.muli %arg0, %mul3A_26 : i32
    "tpu.region"() ({
      %run_scoped3A = tpu.sem_alloc : memref<!tpu.dma_semaphore, #tpu.memory_space<semaphore_mem>>
      %dma_start3A_28 = tpu.memref_slice %arg6[%mul3A_0, %mul3A_27] : memref<50048x64xbf16, #tpu.memory_space<hbm>> -> memref<3128x32xbf16, #tpu.memory_space<hbm>>
      %dma_start3A_29 = arith.constant 0 : i32
      %dma_start3A_30 = tpu.memref_slice %arg13[%mul3A_0, %dma_start3A_29] : memref<50048x32xbf16, #tpu.memory_space<vmem_shared>> -> memref<3128x32xbf16, #tpu.memory_space<vmem_shared>>
      tpu.enqueue_dma source(%dma_start3A_30 : memref<3128x32xbf16, #tpu.memory_space<vmem_shared>>) target(%dma_start3A_28 : memref<3128x32xbf16, #tpu.memory_space<hbm>>) target_semaphore(%run_scoped3A : memref<!tpu.dma_semaphore, #tpu.memory_space<semaphore_mem>>)
      %dma_wait3A = tpu.memref_slice %arg6[%mul3A_0, %mul3A_27] : memref<50048x64xbf16, #tpu.memory_space<hbm>> -> memref<3128x32xbf16, #tpu.memory_space<hbm>>
      %dma_wait3A_31 = arith.constant 0 : i32
      %dma_wait3A_32 = tpu.memref_slice %arg13[%mul3A_0, %dma_wait3A_31] : memref<50048x32xbf16, #tpu.memory_space<vmem_shared>> -> memref<3128x32xbf16, #tpu.memory_space<vmem_shared>>
      tpu.wait_dma2 semaphore(%run_scoped3A : memref<!tpu.dma_semaphore, #tpu.memory_space<semaphore_mem>>) src(%dma_wait3A_32 : memref<3128x32xbf16, #tpu.memory_space<vmem_shared>>) dst(%dma_wait3A : memref<3128x32xbf16, #tpu.memory_space<hbm>>)
      tpu.yield
    }) : () -> ()
    return
  }
}

#map = affine_map<(d0, d1) -> (0, 0, 0)>
#map1 = affine_map<(d0, d1) -> (0)>
#map2 = affine_map<(d0, d1) -> (0, 0)>
module attributes {stable_mosaic.version = 14 : i64} {
  func.func @k(%arg0: i32, %arg1: i32, %arg2: memref<2x50000x32xbf16, #tpu.memory_space<hbm>>, %arg3: memref<800000xi32, #tpu.memory_space<hbm>>, %arg4: memref<800000xi32, #tpu.memory_space<hbm>>, %arg5: memref<3128x32xbf16, #tpu.memory_space<hbm>>, %arg6: memref<50048x64xbf16, #tpu.memory_space<hbm>>, %arg7: memref<2000xi32, #tpu.memory_space<vmem>>, %arg8: memref<2000xi32, #tpu.memory_space<vmem>>, %arg9: memref<2000x32xbf16, #tpu.memory_space<vmem>>, %arg10: memref<2000xi32, #tpu.memory_space<vmem>>, %arg11: memref<2000xi32, #tpu.memory_space<vmem>>, %arg12: memref<2000x32xbf16, #tpu.memory_space<vmem>>, %arg13: memref<50048x32xbf16, #tpu.memory_space<vmem_shared>>, %arg14: memref<!tpu.dma_semaphore, #tpu.memory_space<semaphore_mem>>, %arg15: memref<!tpu.dma_semaphore, #tpu.memory_space<semaphore_mem>>, %arg16: memref<!tpu.dma_semaphore, #tpu.memory_space<semaphore_mem>>, %arg17: memref<!tpu.dma_semaphore, #tpu.memory_space<semaphore_mem>>) attributes {dimension_semantics = [#tpu.dimension_semantics<core_parallel>, #tpu.dimension_semantics<subcore_parallel>], iteration_bounds = array<i64: 2, 16>, scalar_prefetch = 0 : i64, scratch_operands = 11 : i64, tpu.core_type = #tpu.core_type<sc_vector_subcore>, window_params = [{transform_indices = #map}, {transform_indices = #map1}, {transform_indices = #map1}, {transform_indices = #map2}, {transform_indices = #map2}]} {
    %mul3A = arith.constant 3128 : i32
    %mul3A_0 = arith.muli %arg1, %mul3A : i32
    "tpu.region"() ({
      %run_scoped3A = tpu.sem_alloc : memref<!tpu.dma_semaphore, #tpu.memory_space<semaphore_mem>>
      %dma_start3A_28 = arith.constant 0 : i32
      %dma_start3A_29 = tpu.memref_slice %arg13[%mul3A_0, %dma_start3A_28] : memref<50048x32xbf16, #tpu.memory_space<vmem_shared>> -> memref<3128x32xbf16, #tpu.memory_space<vmem_shared>>
      tpu.enqueue_dma source(%arg5 : memref<3128x32xbf16, #tpu.memory_space<hbm>>) target(%dma_start3A_29 : memref<3128x32xbf16, #tpu.memory_space<vmem_shared>>) target_semaphore(%run_scoped3A : memref<!tpu.dma_semaphore, #tpu.memory_space<semaphore_mem>>)
      %dma_wait3A = arith.constant 0 : i32
      %dma_wait3A_30 = tpu.memref_slice %arg13[%mul3A_0, %dma_wait3A] : memref<50048x32xbf16, #tpu.memory_space<vmem_shared>> -> memref<3128x32xbf16, #tpu.memory_space<vmem_shared>>
      tpu.wait_dma2 semaphore(%run_scoped3A : memref<!tpu.dma_semaphore, #tpu.memory_space<semaphore_mem>>) src(%arg5 : memref<3128x32xbf16, #tpu.memory_space<hbm>>) dst(%dma_wait3A_30 : memref<3128x32xbf16, #tpu.memory_space<vmem_shared>>)
      tpu.yield
    }) : () -> ()
    %barrier3A = arith.constant 0 : index
    tpu.barrier barrier_id(%barrier3A)
    %mul3A_1 = arith.constant 50000 : i32
    %mul3A_2 = arith.muli %arg1, %mul3A_1 : i32
    %add3A = arith.constant 0 : i32
    %add3A_3 = arith.addi %mul3A_2, %add3A : i32
    "tpu.region"() ({
      %run_scoped3A = tpu.sem_alloc : memref<!tpu.dma_semaphore, #tpu.memory_space<semaphore_mem>>
      %dma_start3A_28 = tpu.memref_slice %arg3[%add3A_3] : memref<800000xi32, #tpu.memory_space<hbm>> -> memref<2000xi32, #tpu.memory_space<hbm>>
      %dma_start3A_29 = tpu.memref_slice %arg3[%add3A_3] : memref<800000xi32, #tpu.memory_space<hbm>> -> memref<2000xi32, #tpu.memory_space<hbm>>
      tpu.enqueue_dma source(%dma_start3A_29 : memref<2000xi32, #tpu.memory_space<hbm>>) target(%arg7 : memref<2000xi32, #tpu.memory_space<vmem>>) target_semaphore(%run_scoped3A : memref<!tpu.dma_semaphore, #tpu.memory_space<semaphore_mem>>)
      %dma_wait3A = tpu.memref_slice %arg3[%add3A_3] : memref<800000xi32, #tpu.memory_space<hbm>> -> memref<2000xi32, #tpu.memory_space<hbm>>
      %dma_wait3A_30 = tpu.memref_slice %arg3[%add3A_3] : memref<800000xi32, #tpu.memory_space<hbm>> -> memref<2000xi32, #tpu.memory_space<hbm>>
      tpu.wait_dma2 semaphore(%run_scoped3A : memref<!tpu.dma_semaphore, #tpu.memory_space<semaphore_mem>>) src(%dma_wait3A_30 : memref<2000xi32, #tpu.memory_space<hbm>>) dst(%arg7 : memref<2000xi32, #tpu.memory_space<vmem>>)
      tpu.yield
    }) : () -> ()
    %add3A_4 = arith.constant 0 : i32
    %add3A_5 = arith.addi %mul3A_2, %add3A_4 : i32
    "tpu.region"() ({
      %run_scoped3A = tpu.sem_alloc : memref<!tpu.dma_semaphore, #tpu.memory_space<semaphore_mem>>
      %dma_start3A_28 = tpu.memref_slice %arg4[%add3A_5] : memref<800000xi32, #tpu.memory_space<hbm>> -> memref<2000xi32, #tpu.memory_space<hbm>>
      %dma_start3A_29 = tpu.memref_slice %arg4[%add3A_5] : memref<800000xi32, #tpu.memory_space<hbm>> -> memref<2000xi32, #tpu.memory_space<hbm>>
      tpu.enqueue_dma source(%dma_start3A_29 : memref<2000xi32, #tpu.memory_space<hbm>>) target(%arg8 : memref<2000xi32, #tpu.memory_space<vmem>>) target_semaphore(%run_scoped3A : memref<!tpu.dma_semaphore, #tpu.memory_space<semaphore_mem>>)
      %dma_wait3A = tpu.memref_slice %arg4[%add3A_5] : memref<800000xi32, #tpu.memory_space<hbm>> -> memref<2000xi32, #tpu.memory_space<hbm>>
      %dma_wait3A_30 = tpu.memref_slice %arg4[%add3A_5] : memref<800000xi32, #tpu.memory_space<hbm>> -> memref<2000xi32, #tpu.memory_space<hbm>>
      tpu.wait_dma2 semaphore(%run_scoped3A : memref<!tpu.dma_semaphore, #tpu.memory_space<semaphore_mem>>) src(%dma_wait3A_30 : memref<2000xi32, #tpu.memory_space<hbm>>) dst(%arg8 : memref<2000xi32, #tpu.memory_space<vmem>>)
      tpu.yield
    }) : () -> ()
    %dma_start3A = arith.constant 0 : i32
    %dma_start3A_6 = arith.constant 0 : i32
    %dma_start3A_7 = tpu.memref_slice %arg2[%arg0, %dma_start3A, %dma_start3A_6] : memref<2x50000x32xbf16, #tpu.memory_space<hbm>> -> memref<1x50000x32xbf16, #tpu.memory_space<hbm>>
    %dma_start3A_8 = tpu.memref_squeeze %dma_start3A_7 : memref<1x50000x32xbf16, #tpu.memory_space<hbm>> -> memref<50000x32xbf16, #tpu.memory_space<hbm>>
    %dma_start3A_9 = arith.constant 0 : i32
    %dma_start3A_10 = arith.constant 0 : i32
    %dma_start3A_11 = tpu.memref_slice %dma_start3A_8[%dma_start3A_9, %dma_start3A_10] : memref<50000x32xbf16, #tpu.memory_space<hbm>> -> memref<50000x32xbf16, #tpu.memory_space<hbm>>
    tpu.enqueue_indirect_dma source(%dma_start3A_11 : memref<50000x32xbf16, #tpu.memory_space<hbm>>) target(%arg9 : memref<2000x32xbf16, #tpu.memory_space<vmem>>) offsets(%arg7 : memref<2000xi32, #tpu.memory_space<vmem>>) semaphore(%arg14 : memref<!tpu.dma_semaphore, #tpu.memory_space<semaphore_mem>>)
    %add3A_12 = arith.constant 2000 : i32
    %add3A_13 = arith.addi %mul3A_2, %add3A_12 : i32
    %dma_start3A_14 = tpu.memref_slice %arg3[%add3A_13] : memref<800000xi32, #tpu.memory_space<hbm>> -> memref<2000xi32, #tpu.memory_space<hbm>>
    %dma_start3A_15 = tpu.memref_slice %arg3[%add3A_13] : memref<800000xi32, #tpu.memory_space<hbm>> -> memref<2000xi32, #tpu.memory_space<hbm>>
    tpu.enqueue_dma source(%dma_start3A_15 : memref<2000xi32, #tpu.memory_space<hbm>>) target(%arg10 : memref<2000xi32, #tpu.memory_space<vmem>>) target_semaphore(%arg17 : memref<!tpu.dma_semaphore, #tpu.memory_space<semaphore_mem>>)
    %add3A_16 = arith.constant 2000 : i32
    %add3A_17 = arith.addi %mul3A_2, %add3A_16 : i32
    %dma_start3A_18 = tpu.memref_slice %arg4[%add3A_17] : memref<800000xi32, #tpu.memory_space<hbm>> -> memref<2000xi32, #tpu.memory_space<hbm>>
    %dma_start3A_19 = tpu.memref_slice %arg4[%add3A_17] : memref<800000xi32, #tpu.memory_space<hbm>> -> memref<2000xi32, #tpu.memory_space<hbm>>
    tpu.enqueue_dma source(%dma_start3A_19 : memref<2000xi32, #tpu.memory_space<hbm>>) target(%arg11 : memref<2000xi32, #tpu.memory_space<vmem>>) target_semaphore(%arg17 : memref<!tpu.dma_semaphore, #tpu.memory_space<semaphore_mem>>)
    %scan3A = arith.constant 0 : i32
    %scan3A_20 = arith.constant 0 : i32
    %scan3A_21 = arith.constant 25 : i32
    %scan3A_22 = arith.addi %scan3A_20, %scan3A_21 : i32
    %scan3A_23 = arith.constant 1 : i32
    scf.for %scan3A_28 = %scan3A_20 to %scan3A_22 step %scan3A_23  : i32 {
      %jit3A = arith.constant 2 : i32
      %eq3A = arith.constant 0 : i32
      %eq3A_29 = arith.cmpi eq, %jit3A, %eq3A : i32
      %jit3A_30 = arith.constant 1 : i32
      %select_n3A = arith.select %eq3A_29, %jit3A_30, %jit3A : i32
      %rem3A = arith.remsi %scan3A_28, %select_n3A : i32
      %ne3A = arith.constant 0 : i32
      %ne3A_31 = arith.cmpi ne, %rem3A, %ne3A : i32
      %lt3A = arith.constant 0 : i32
      %lt3A_32 = arith.cmpi slt, %rem3A, %lt3A : i32
      %lt3A_33 = arith.constant 0 : i32
      %lt3A_34 = arith.cmpi slt, %select_n3A, %lt3A_33 : i32
      %ne3A_35 = arith.xori %lt3A_32, %lt3A_34 : i1
      %and3A = arith.andi %ne3A_35, %ne3A_31 : i1
      %add3A_36 = arith.addi %rem3A, %select_n3A : i32
      %select_n3A_37 = arith.select %and3A, %add3A_36, %rem3A : i32
      %eq3A_38 = arith.constant 0 : i32
      %eq3A_39 = arith.cmpi eq, %select_n3A_37, %eq3A_38 : i32
      %convert_element_type3A = arith.extui %eq3A_39 : i1 to i32
      %cond3A = arith.constant 0 : i32
      %cond3A_40 = arith.cmpi ne, %convert_element_type3A, %cond3A : i32
      scf.if %cond3A_40 {
        %add3A_62 = arith.constant 1 : i32
        %add3A_63 = arith.addi %scan3A_28, %add3A_62 : i32
        %lt3A_64 = arith.constant 25 : i32
        %lt3A_65 = arith.cmpi slt, %add3A_63, %lt3A_64 : i32
        %convert_element_type3A_66 = arith.extui %lt3A_65 : i1 to i32
        %cond3A_67 = arith.constant 0 : i32
        %cond3A_68 = arith.cmpi ne, %convert_element_type3A_66, %cond3A_67 : i32
        scf.if %cond3A_68 {
          %add3A_89 = arith.constant 1 : i32
          %add3A_90 = arith.addi %scan3A_28, %add3A_89 : i32
          %mul3A_91 = arith.constant 2000 : i32
          %mul3A_92 = arith.muli %add3A_90, %mul3A_91 : i32
          %add3A_93 = arith.addi %mul3A_2, %mul3A_92 : i32
          %dma_wait3A_94 = tpu.memref_slice %arg3[%add3A_93] : memref<800000xi32, #tpu.memory_space<hbm>> -> memref<2000xi32, #tpu.memory_space<hbm>>
          %dma_wait3A_95 = tpu.memref_slice %arg3[%add3A_93] : memref<800000xi32, #tpu.memory_space<hbm>> -> memref<2000xi32, #tpu.memory_space<hbm>>
          tpu.wait_dma2 semaphore(%arg17 : memref<!tpu.dma_semaphore, #tpu.memory_space<semaphore_mem>>) src(%dma_wait3A_95 : memref<2000xi32, #tpu.memory_space<hbm>>) dst(%arg10 : memref<2000xi32, #tpu.memory_space<vmem>>)
          %add3A_96 = arith.constant 1 : i32
          %add3A_97 = arith.addi %scan3A_28, %add3A_96 : i32
          %mul3A_98 = arith.constant 2000 : i32
          %mul3A_99 = arith.muli %add3A_97, %mul3A_98 : i32
          %add3A_100 = arith.addi %mul3A_2, %mul3A_99 : i32
          %dma_wait3A_101 = tpu.memref_slice %arg4[%add3A_100] : memref<800000xi32, #tpu.memory_space<hbm>> -> memref<2000xi32, #tpu.memory_space<hbm>>
          %dma_wait3A_102 = tpu.memref_slice %arg4[%add3A_100] : memref<800000xi32, #tpu.memory_space<hbm>> -> memref<2000xi32, #tpu.memory_space<hbm>>
          tpu.wait_dma2 semaphore(%arg17 : memref<!tpu.dma_semaphore, #tpu.memory_space<semaphore_mem>>) src(%dma_wait3A_102 : memref<2000xi32, #tpu.memory_space<hbm>>) dst(%arg11 : memref<2000xi32, #tpu.memory_space<vmem>>)
        } else {
        }
        %dma_wait3A = arith.constant 0 : i32
        %dma_wait3A_69 = arith.constant 0 : i32
        %dma_wait3A_70 = tpu.memref_slice %arg2[%arg0, %dma_wait3A, %dma_wait3A_69] : memref<2x50000x32xbf16, #tpu.memory_space<hbm>> -> memref<1x50000x32xbf16, #tpu.memory_space<hbm>>
        %dma_wait3A_71 = tpu.memref_squeeze %dma_wait3A_70 : memref<1x50000x32xbf16, #tpu.memory_space<hbm>> -> memref<50000x32xbf16, #tpu.memory_space<hbm>>
        %dma_wait3A_72 = arith.constant 0 : i32
        %dma_wait3A_73 = arith.constant 0 : i32
        %dma_wait3A_74 = tpu.memref_slice %dma_wait3A_71[%dma_wait3A_72, %dma_wait3A_73] : memref<50000x32xbf16, #tpu.memory_space<hbm>> -> memref<50000x32xbf16, #tpu.memory_space<hbm>>
        tpu.wait_indirect_dma semaphore(%arg14 : memref<!tpu.dma_semaphore, #tpu.memory_space<semaphore_mem>>) src(%dma_wait3A_74 : memref<50000x32xbf16, #tpu.memory_space<hbm>>) dst(%arg9 : memref<2000x32xbf16, #tpu.memory_space<vmem>>)
        %add3A_75 = arith.constant 1 : i32
        %add3A_76 = arith.addi %scan3A_28, %add3A_75 : i32
        %lt3A_77 = arith.constant 25 : i32
        %lt3A_78 = arith.cmpi slt, %add3A_76, %lt3A_77 : i32
        %convert_element_type3A_79 = arith.extui %lt3A_78 : i1 to i32
        %cond3A_80 = arith.constant 0 : i32
        %cond3A_81 = arith.cmpi ne, %convert_element_type3A_79, %cond3A_80 : i32
        scf.if %cond3A_81 {
          %dma_start3A_89 = arith.constant 0 : i32
          %dma_start3A_90 = arith.constant 0 : i32
          %dma_start3A_91 = tpu.memref_slice %arg2[%arg0, %dma_start3A_89, %dma_start3A_90] : memref<2x50000x32xbf16, #tpu.memory_space<hbm>> -> memref<1x50000x32xbf16, #tpu.memory_space<hbm>>
          %dma_start3A_92 = tpu.memref_squeeze %dma_start3A_91 : memref<1x50000x32xbf16, #tpu.memory_space<hbm>> -> memref<50000x32xbf16, #tpu.memory_space<hbm>>
          %dma_start3A_93 = arith.constant 0 : i32
          %dma_start3A_94 = arith.constant 0 : i32
          %dma_start3A_95 = tpu.memref_slice %dma_start3A_92[%dma_start3A_93, %dma_start3A_94] : memref<50000x32xbf16, #tpu.memory_space<hbm>> -> memref<50000x32xbf16, #tpu.memory_space<hbm>>
          tpu.enqueue_indirect_dma source(%dma_start3A_95 : memref<50000x32xbf16, #tpu.memory_space<hbm>>) target(%arg12 : memref<2000x32xbf16, #tpu.memory_space<vmem>>) offsets(%arg10 : memref<2000xi32, #tpu.memory_space<vmem>>) semaphore(%arg15 : memref<!tpu.dma_semaphore, #tpu.memory_space<semaphore_mem>>)
        } else {
        }
        "tpu.region"() ({
          %run_scoped3A = tpu.sem_alloc : memref<!tpu.dma_semaphore, #tpu.memory_space<semaphore_mem>>
          %dma_start3A_89 = arith.constant 0 : i32
          %dma_start3A_90 = arith.constant 0 : i32
          %dma_start3A_91 = tpu.memref_slice %arg13[%dma_start3A_89, %dma_start3A_90] : memref<50048x32xbf16, #tpu.memory_space<vmem_shared>> -> memref<50048x32xbf16, #tpu.memory_space<vmem_shared>>
          tpu.enqueue_indirect_dma source(%arg9 : memref<2000x32xbf16, #tpu.memory_space<vmem>>) target(%dma_start3A_91 : memref<50048x32xbf16, #tpu.memory_space<vmem_shared>>) offsets(%arg8 : memref<2000xi32, #tpu.memory_space<vmem>>) semaphore(%run_scoped3A : memref<!tpu.dma_semaphore, #tpu.memory_space<semaphore_mem>>) {add = true}
          %dma_wait3A_92 = arith.constant 0 : i32
          %dma_wait3A_93 = arith.constant 0 : i32
          %dma_wait3A_94 = tpu.memref_slice %arg13[%dma_wait3A_92, %dma_wait3A_93] : memref<50048x32xbf16, #tpu.memory_space<vmem_shared>> -> memref<50048x32xbf16, #tpu.memory_space<vmem_shared>>
          tpu.wait_indirect_dma semaphore(%run_scoped3A : memref<!tpu.dma_semaphore, #tpu.memory_space<semaphore_mem>>) src(%arg9 : memref<2000x32xbf16, #tpu.memory_space<vmem>>) dst(%dma_wait3A_94 : memref<50048x32xbf16, #tpu.memory_space<vmem_shared>>)
          tpu.yield
        }) : () -> ()
        %add3A_82 = arith.constant 2 : i32
        %add3A_83 = arith.addi %scan3A_28, %add3A_82 : i32
        %lt3A_84 = arith.constant 25 : i32
        %lt3A_85 = arith.cmpi slt, %add3A_83, %lt3A_84 : i32
        %convert_element_type3A_86 = arith.extui %lt3A_85 : i1 to i32
        %cond3A_87 = arith.constant 0 : i32
        %cond3A_88 = arith.cmpi ne, %convert_element_type3A_86, %cond3A_87 : i32
        scf.if %cond3A_88 {
          %add3A_89 = arith.constant 2 : i32
          %add3A_90 = arith.addi %scan3A_28, %add3A_89 : i32
          %mul3A_91 = arith.constant 2000 : i32
          %mul3A_92 = arith.muli %add3A_90, %mul3A_91 : i32
          %add3A_93 = arith.addi %mul3A_2, %mul3A_92 : i32
          %dma_start3A_94 = tpu.memref_slice %arg3[%add3A_93] : memref<800000xi32, #tpu.memory_space<hbm>> -> memref<2000xi32, #tpu.memory_space<hbm>>
          %dma_start3A_95 = tpu.memref_slice %arg3[%add3A_93] : memref<800000xi32, #tpu.memory_space<hbm>> -> memref<2000xi32, #tpu.memory_space<hbm>>
          tpu.enqueue_dma source(%dma_start3A_95 : memref<2000xi32, #tpu.memory_space<hbm>>) target(%arg7 : memref<2000xi32, #tpu.memory_space<vmem>>) target_semaphore(%arg16 : memref<!tpu.dma_semaphore, #tpu.memory_space<semaphore_mem>>)
          %add3A_96 = arith.constant 2 : i32
          %add3A_97 = arith.addi %scan3A_28, %add3A_96 : i32
          %mul3A_98 = arith.constant 2000 : i32
          %mul3A_99 = arith.muli %add3A_97, %mul3A_98 : i32
          %add3A_100 = arith.addi %mul3A_2, %mul3A_99 : i32
          %dma_start3A_101 = tpu.memref_slice %arg4[%add3A_100] : memref<800000xi32, #tpu.memory_space<hbm>> -> memref<2000xi32, #tpu.memory_space<hbm>>
          %dma_start3A_102 = tpu.memref_slice %arg4[%add3A_100] : memref<800000xi32, #tpu.memory_space<hbm>> -> memref<2000xi32, #tpu.memory_space<hbm>>
          tpu.enqueue_dma source(%dma_start3A_102 : memref<2000xi32, #tpu.memory_space<hbm>>) target(%arg8 : memref<2000xi32, #tpu.memory_space<vmem>>) target_semaphore(%arg16 : memref<!tpu.dma_semaphore, #tpu.memory_space<semaphore_mem>>)
        } else {
        }
      } else {
      }
      %jit3A_41 = arith.constant 2 : i32
      %eq3A_42 = arith.constant 0 : i32
      %eq3A_43 = arith.cmpi eq, %jit3A_41, %eq3A_42 : i32
      %jit3A_44 = arith.constant 1 : i32
      %select_n3A_45 = arith.select %eq3A_43, %jit3A_44, %jit3A_41 : i32
      %rem3A_46 = arith.remsi %scan3A_28, %select_n3A_45 : i32
      %ne3A_47 = arith.constant 0 : i32
      %ne3A_48 = arith.cmpi ne, %rem3A_46, %ne3A_47 : i32
      %lt3A_49 = arith.constant 0 : i32
      %lt3A_50 = arith.cmpi slt, %rem3A_46, %lt3A_49 : i32
      %lt3A_51 = arith.constant 0 : i32
      %lt3A_52 = arith.cmpi slt, %select_n3A_45, %lt3A_51 : i32
      %ne3A_53 = arith.xori %lt3A_50, %lt3A_52 : i1
      %and3A_54 = arith.andi %ne3A_53, %ne3A_48 : i1
      %add3A_55 = arith.addi %rem3A_46, %select_n3A_45 : i32
      %select_n3A_56 = arith.select %and3A_54, %add3A_55, %rem3A_46 : i32
      %eq3A_57 = arith.constant 1 : i32
      %eq3A_58 = arith.cmpi eq, %select_n3A_56, %eq3A_57 : i32
      %convert_element_type3A_59 = arith.extui %eq3A_58 : i1 to i32
      %cond3A_60 = arith.constant 0 : i32
      %cond3A_61 = arith.cmpi ne, %convert_element_type3A_59, %cond3A_60 : i32
      scf.if %cond3A_61 {
        %add3A_62 = arith.constant 1 : i32
        %add3A_63 = arith.addi %scan3A_28, %add3A_62 : i32
        %lt3A_64 = arith.constant 25 : i32
        %lt3A_65 = arith.cmpi slt, %add3A_63, %lt3A_64 : i32
        %convert_element_type3A_66 = arith.extui %lt3A_65 : i1 to i32
        %cond3A_67 = arith.constant 0 : i32
        %cond3A_68 = arith.cmpi ne, %convert_element_type3A_66, %cond3A_67 : i32
        scf.if %cond3A_68 {
          %add3A_89 = arith.constant 1 : i32
          %add3A_90 = arith.addi %scan3A_28, %add3A_89 : i32
          %mul3A_91 = arith.constant 2000 : i32
          %mul3A_92 = arith.muli %add3A_90, %mul3A_91 : i32
          %add3A_93 = arith.addi %mul3A_2, %mul3A_92 : i32
          %dma_wait3A_94 = tpu.memref_slice %arg3[%add3A_93] : memref<800000xi32, #tpu.memory_space<hbm>> -> memref<2000xi32, #tpu.memory_space<hbm>>
          %dma_wait3A_95 = tpu.memref_slice %arg3[%add3A_93] : memref<800000xi32, #tpu.memory_space<hbm>> -> memref<2000xi32, #tpu.memory_space<hbm>>
          tpu.wait_dma2 semaphore(%arg16 : memref<!tpu.dma_semaphore, #tpu.memory_space<semaphore_mem>>) src(%dma_wait3A_95 : memref<2000xi32, #tpu.memory_space<hbm>>) dst(%arg7 : memref<2000xi32, #tpu.memory_space<vmem>>)
          %add3A_96 = arith.constant 1 : i32
          %add3A_97 = arith.addi %scan3A_28, %add3A_96 : i32
          %mul3A_98 = arith.constant 2000 : i32
          %mul3A_99 = arith.muli %add3A_97, %mul3A_98 : i32
          %add3A_100 = arith.addi %mul3A_2, %mul3A_99 : i32
          %dma_wait3A_101 = tpu.memref_slice %arg4[%add3A_100] : memref<800000xi32, #tpu.memory_space<hbm>> -> memref<2000xi32, #tpu.memory_space<hbm>>
          %dma_wait3A_102 = tpu.memref_slice %arg4[%add3A_100] : memref<800000xi32, #tpu.memory_space<hbm>> -> memref<2000xi32, #tpu.memory_space<hbm>>
          tpu.wait_dma2 semaphore(%arg16 : memref<!tpu.dma_semaphore, #tpu.memory_space<semaphore_mem>>) src(%dma_wait3A_102 : memref<2000xi32, #tpu.memory_space<hbm>>) dst(%arg8 : memref<2000xi32, #tpu.memory_space<vmem>>)
        } else {
        }
        %dma_wait3A = arith.constant 0 : i32
        %dma_wait3A_69 = arith.constant 0 : i32
        %dma_wait3A_70 = tpu.memref_slice %arg2[%arg0, %dma_wait3A, %dma_wait3A_69] : memref<2x50000x32xbf16, #tpu.memory_space<hbm>> -> memref<1x50000x32xbf16, #tpu.memory_space<hbm>>
        %dma_wait3A_71 = tpu.memref_squeeze %dma_wait3A_70 : memref<1x50000x32xbf16, #tpu.memory_space<hbm>> -> memref<50000x32xbf16, #tpu.memory_space<hbm>>
        %dma_wait3A_72 = arith.constant 0 : i32
        %dma_wait3A_73 = arith.constant 0 : i32
        %dma_wait3A_74 = tpu.memref_slice %dma_wait3A_71[%dma_wait3A_72, %dma_wait3A_73] : memref<50000x32xbf16, #tpu.memory_space<hbm>> -> memref<50000x32xbf16, #tpu.memory_space<hbm>>
        tpu.wait_indirect_dma semaphore(%arg15 : memref<!tpu.dma_semaphore, #tpu.memory_space<semaphore_mem>>) src(%dma_wait3A_74 : memref<50000x32xbf16, #tpu.memory_space<hbm>>) dst(%arg12 : memref<2000x32xbf16, #tpu.memory_space<vmem>>)
        %add3A_75 = arith.constant 1 : i32
        %add3A_76 = arith.addi %scan3A_28, %add3A_75 : i32
        %lt3A_77 = arith.constant 25 : i32
        %lt3A_78 = arith.cmpi slt, %add3A_76, %lt3A_77 : i32
        %convert_element_type3A_79 = arith.extui %lt3A_78 : i1 to i32
        %cond3A_80 = arith.constant 0 : i32
        %cond3A_81 = arith.cmpi ne, %convert_element_type3A_79, %cond3A_80 : i32
        scf.if %cond3A_81 {
          %dma_start3A_89 = arith.constant 0 : i32
          %dma_start3A_90 = arith.constant 0 : i32
          %dma_start3A_91 = tpu.memref_slice %arg2[%arg0, %dma_start3A_89, %dma_start3A_90] : memref<2x50000x32xbf16, #tpu.memory_space<hbm>> -> memref<1x50000x32xbf16, #tpu.memory_space<hbm>>
          %dma_start3A_92 = tpu.memref_squeeze %dma_start3A_91 : memref<1x50000x32xbf16, #tpu.memory_space<hbm>> -> memref<50000x32xbf16, #tpu.memory_space<hbm>>
          %dma_start3A_93 = arith.constant 0 : i32
          %dma_start3A_94 = arith.constant 0 : i32
          %dma_start3A_95 = tpu.memref_slice %dma_start3A_92[%dma_start3A_93, %dma_start3A_94] : memref<50000x32xbf16, #tpu.memory_space<hbm>> -> memref<50000x32xbf16, #tpu.memory_space<hbm>>
          tpu.enqueue_indirect_dma source(%dma_start3A_95 : memref<50000x32xbf16, #tpu.memory_space<hbm>>) target(%arg9 : memref<2000x32xbf16, #tpu.memory_space<vmem>>) offsets(%arg7 : memref<2000xi32, #tpu.memory_space<vmem>>) semaphore(%arg14 : memref<!tpu.dma_semaphore, #tpu.memory_space<semaphore_mem>>)
        } else {
        }
        "tpu.region"() ({
          %run_scoped3A = tpu.sem_alloc : memref<!tpu.dma_semaphore, #tpu.memory_space<semaphore_mem>>
          %dma_start3A_89 = arith.constant 0 : i32
          %dma_start3A_90 = arith.constant 0 : i32
          %dma_start3A_91 = tpu.memref_slice %arg13[%dma_start3A_89, %dma_start3A_90] : memref<50048x32xbf16, #tpu.memory_space<vmem_shared>> -> memref<50048x32xbf16, #tpu.memory_space<vmem_shared>>
          tpu.enqueue_indirect_dma source(%arg12 : memref<2000x32xbf16, #tpu.memory_space<vmem>>) target(%dma_start3A_91 : memref<50048x32xbf16, #tpu.memory_space<vmem_shared>>) offsets(%arg11 : memref<2000xi32, #tpu.memory_space<vmem>>) semaphore(%run_scoped3A : memref<!tpu.dma_semaphore, #tpu.memory_space<semaphore_mem>>) {add = true}
          %dma_wait3A_92 = arith.constant 0 : i32
          %dma_wait3A_93 = arith.constant 0 : i32
          %dma_wait3A_94 = tpu.memref_slice %arg13[%dma_wait3A_92, %dma_wait3A_93] : memref<50048x32xbf16, #tpu.memory_space<vmem_shared>> -> memref<50048x32xbf16, #tpu.memory_space<vmem_shared>>
          tpu.wait_indirect_dma semaphore(%run_scoped3A : memref<!tpu.dma_semaphore, #tpu.memory_space<semaphore_mem>>) src(%arg12 : memref<2000x32xbf16, #tpu.memory_space<vmem>>) dst(%dma_wait3A_94 : memref<50048x32xbf16, #tpu.memory_space<vmem_shared>>)
          tpu.yield
        }) : () -> ()
        %add3A_82 = arith.constant 2 : i32
        %add3A_83 = arith.addi %scan3A_28, %add3A_82 : i32
        %lt3A_84 = arith.constant 25 : i32
        %lt3A_85 = arith.cmpi slt, %add3A_83, %lt3A_84 : i32
        %convert_element_type3A_86 = arith.extui %lt3A_85 : i1 to i32
        %cond3A_87 = arith.constant 0 : i32
        %cond3A_88 = arith.cmpi ne, %convert_element_type3A_86, %cond3A_87 : i32
        scf.if %cond3A_88 {
          %add3A_89 = arith.constant 2 : i32
          %add3A_90 = arith.addi %scan3A_28, %add3A_89 : i32
          %mul3A_91 = arith.constant 2000 : i32
          %mul3A_92 = arith.muli %add3A_90, %mul3A_91 : i32
          %add3A_93 = arith.addi %mul3A_2, %mul3A_92 : i32
          %dma_start3A_94 = tpu.memref_slice %arg3[%add3A_93] : memref<800000xi32, #tpu.memory_space<hbm>> -> memref<2000xi32, #tpu.memory_space<hbm>>
          %dma_start3A_95 = tpu.memref_slice %arg3[%add3A_93] : memref<800000xi32, #tpu.memory_space<hbm>> -> memref<2000xi32, #tpu.memory_space<hbm>>
          tpu.enqueue_dma source(%dma_start3A_95 : memref<2000xi32, #tpu.memory_space<hbm>>) target(%arg10 : memref<2000xi32, #tpu.memory_space<vmem>>) target_semaphore(%arg17 : memref<!tpu.dma_semaphore, #tpu.memory_space<semaphore_mem>>)
          %add3A_96 = arith.constant 2 : i32
          %add3A_97 = arith.addi %scan3A_28, %add3A_96 : i32
          %mul3A_98 = arith.constant 2000 : i32
          %mul3A_99 = arith.muli %add3A_97, %mul3A_98 : i32
          %add3A_100 = arith.addi %mul3A_2, %mul3A_99 : i32
          %dma_start3A_101 = tpu.memref_slice %arg4[%add3A_100] : memref<800000xi32, #tpu.memory_space<hbm>> -> memref<2000xi32, #tpu.memory_space<hbm>>
          %dma_start3A_102 = tpu.memref_slice %arg4[%add3A_100] : memref<800000xi32, #tpu.memory_space<hbm>> -> memref<2000xi32, #tpu.memory_space<hbm>>
          tpu.enqueue_dma source(%dma_start3A_102 : memref<2000xi32, #tpu.memory_space<hbm>>) target(%arg11 : memref<2000xi32, #tpu.memory_space<vmem>>) target_semaphore(%arg17 : memref<!tpu.dma_semaphore, #tpu.memory_space<semaphore_mem>>)
        } else {
        }
      } else {
      }
    }
    %scan3A_24 = arith.constant 25 : i32
    %barrier3A_25 = arith.constant 0 : index
    tpu.barrier barrier_id(%barrier3A_25)
    %mul3A_26 = arith.constant 32 : i32
    %mul3A_27 = arith.muli %arg0, %mul3A_26 : i32
    "tpu.region"() ({
      %run_scoped3A = tpu.sem_alloc : memref<!tpu.dma_semaphore, #tpu.memory_space<semaphore_mem>>
      %dma_start3A_28 = tpu.memref_slice %arg6[%mul3A_0, %mul3A_27] : memref<50048x64xbf16, #tpu.memory_space<hbm>> -> memref<3128x32xbf16, #tpu.memory_space<hbm>>
      %dma_start3A_29 = arith.constant 0 : i32
      %dma_start3A_30 = tpu.memref_slice %arg13[%mul3A_0, %dma_start3A_29] : memref<50048x32xbf16, #tpu.memory_space<vmem_shared>> -> memref<3128x32xbf16, #tpu.memory_space<vmem_shared>>
      tpu.enqueue_dma source(%dma_start3A_30 : memref<3128x32xbf16, #tpu.memory_space<vmem_shared>>) target(%dma_start3A_28 : memref<3128x32xbf16, #tpu.memory_space<hbm>>) target_semaphore(%run_scoped3A : memref<!tpu.dma_semaphore, #tpu.memory_space<semaphore_mem>>)
      %dma_wait3A = tpu.memref_slice %arg6[%mul3A_0, %mul3A_27] : memref<50048x64xbf16, #tpu.memory_space<hbm>> -> memref<3128x32xbf16, #tpu.memory_space<hbm>>
      %dma_wait3A_31 = arith.constant 0 : i32
      %dma_wait3A_32 = tpu.memref_slice %arg13[%mul3A_0, %dma_wait3A_31] : memref<50048x32xbf16, #tpu.memory_space<vmem_shared>> -> memref<3128x32xbf16, #tpu.memory_space<vmem_shared>>
      tpu.wait_dma2 semaphore(%run_scoped3A : memref<!tpu.dma_semaphore, #tpu.memory_space<semaphore_mem>>) src(%dma_wait3A_32 : memref<3128x32xbf16, #tpu.memory_space<vmem_shared>>) dst(%dma_wait3A : memref<3128x32xbf16, #tpu.memory_space<hbm>>)
      tpu.yield
    }) : () -> ()
    return
  }
}

#map = affine_map<(d0, d1) -> (0, 0)>
#map1 = affine_map<(d0, d1) -> (0)>
#map2 = affine_map<(d0, d1) -> (0, 0, 0)>
module attributes {stable_mosaic.version = 14 : i64} {
  func.func @k(%arg0: i32, %arg1: i32, %arg2: memref<50000x8xf32, #tpu.memory_space<hbm>>, %arg3: memref<800000xi32, #tpu.memory_space<hbm>>, %arg4: memref<800000xi32, #tpu.memory_space<hbm>>, %arg5: memref<3128x8xf32, #tpu.memory_space<hbm>>, %arg6: memref<2x50048x8xf32, #tpu.memory_space<hbm>>, %arg7: memref<5000xi32, #tpu.memory_space<vmem>>, %arg8: memref<5000xi32, #tpu.memory_space<vmem>>, %arg9: memref<5000x8xf32, #tpu.memory_space<vmem>>, %arg10: memref<5000xi32, #tpu.memory_space<vmem>>, %arg11: memref<5000xi32, #tpu.memory_space<vmem>>, %arg12: memref<5000x8xf32, #tpu.memory_space<vmem>>, %arg13: memref<50048x8xf32, #tpu.memory_space<vmem_shared>>, %arg14: memref<!tpu.dma_semaphore, #tpu.memory_space<semaphore_mem>>, %arg15: memref<!tpu.dma_semaphore, #tpu.memory_space<semaphore_mem>>, %arg16: memref<!tpu.dma_semaphore, #tpu.memory_space<semaphore_mem>>, %arg17: memref<!tpu.dma_semaphore, #tpu.memory_space<semaphore_mem>>) attributes {dimension_semantics = [#tpu.dimension_semantics<core_parallel>, #tpu.dimension_semantics<subcore_parallel>], iteration_bounds = array<i64: 2, 16>, scalar_prefetch = 0 : i64, scratch_operands = 11 : i64, tpu.core_type = #tpu.core_type<sc_vector_subcore>, window_params = [{transform_indices = #map}, {transform_indices = #map1}, {transform_indices = #map1}, {transform_indices = #map}, {transform_indices = #map2}]} {
    %mul3A = arith.constant 3128 : i32
    %mul3A_0 = arith.muli %arg1, %mul3A : i32
    "tpu.region"() ({
      %run_scoped3A = tpu.sem_alloc : memref<!tpu.dma_semaphore, #tpu.memory_space<semaphore_mem>>
      %dma_start3A_25 = arith.constant 0 : i32
      %dma_start3A_26 = tpu.memref_slice %arg13[%mul3A_0, %dma_start3A_25] : memref<50048x8xf32, #tpu.memory_space<vmem_shared>> -> memref<3128x8xf32, #tpu.memory_space<vmem_shared>>
      tpu.enqueue_dma source(%arg5 : memref<3128x8xf32, #tpu.memory_space<hbm>>) target(%dma_start3A_26 : memref<3128x8xf32, #tpu.memory_space<vmem_shared>>) target_semaphore(%run_scoped3A : memref<!tpu.dma_semaphore, #tpu.memory_space<semaphore_mem>>)
      %dma_wait3A = arith.constant 0 : i32
      %dma_wait3A_27 = tpu.memref_slice %arg13[%mul3A_0, %dma_wait3A] : memref<50048x8xf32, #tpu.memory_space<vmem_shared>> -> memref<3128x8xf32, #tpu.memory_space<vmem_shared>>
      tpu.wait_dma2 semaphore(%run_scoped3A : memref<!tpu.dma_semaphore, #tpu.memory_space<semaphore_mem>>) src(%arg5 : memref<3128x8xf32, #tpu.memory_space<hbm>>) dst(%dma_wait3A_27 : memref<3128x8xf32, #tpu.memory_space<vmem_shared>>)
      tpu.yield
    }) : () -> ()
    %barrier3A = arith.constant 0 : index
    tpu.barrier barrier_id(%barrier3A)
    %mul3A_1 = arith.constant 2 : i32
    %mul3A_2 = arith.muli %arg1, %mul3A_1 : i32
    %add3A = arith.addi %mul3A_2, %arg0 : i32
    %mul3A_3 = arith.constant 25000 : i32
    %mul3A_4 = arith.muli %add3A, %mul3A_3 : i32
    %add3A_5 = arith.constant 0 : i32
    %add3A_6 = arith.addi %mul3A_4, %add3A_5 : i32
    "tpu.region"() ({
      %run_scoped3A = tpu.sem_alloc : memref<!tpu.dma_semaphore, #tpu.memory_space<semaphore_mem>>
      %dma_start3A_25 = tpu.memref_slice %arg3[%add3A_6] : memref<800000xi32, #tpu.memory_space<hbm>> -> memref<5000xi32, #tpu.memory_space<hbm>>
      %dma_start3A_26 = tpu.memref_slice %arg3[%add3A_6] : memref<800000xi32, #tpu.memory_space<hbm>> -> memref<5000xi32, #tpu.memory_space<hbm>>
      tpu.enqueue_dma source(%dma_start3A_26 : memref<5000xi32, #tpu.memory_space<hbm>>) target(%arg7 : memref<5000xi32, #tpu.memory_space<vmem>>) target_semaphore(%run_scoped3A : memref<!tpu.dma_semaphore, #tpu.memory_space<semaphore_mem>>)
      %dma_wait3A = tpu.memref_slice %arg3[%add3A_6] : memref<800000xi32, #tpu.memory_space<hbm>> -> memref<5000xi32, #tpu.memory_space<hbm>>
      %dma_wait3A_27 = tpu.memref_slice %arg3[%add3A_6] : memref<800000xi32, #tpu.memory_space<hbm>> -> memref<5000xi32, #tpu.memory_space<hbm>>
      tpu.wait_dma2 semaphore(%run_scoped3A : memref<!tpu.dma_semaphore, #tpu.memory_space<semaphore_mem>>) src(%dma_wait3A_27 : memref<5000xi32, #tpu.memory_space<hbm>>) dst(%arg7 : memref<5000xi32, #tpu.memory_space<vmem>>)
      tpu.yield
    }) : () -> ()
    %add3A_7 = arith.constant 0 : i32
    %add3A_8 = arith.addi %mul3A_4, %add3A_7 : i32
    "tpu.region"() ({
      %run_scoped3A = tpu.sem_alloc : memref<!tpu.dma_semaphore, #tpu.memory_space<semaphore_mem>>
      %dma_start3A_25 = tpu.memref_slice %arg4[%add3A_8] : memref<800000xi32, #tpu.memory_space<hbm>> -> memref<5000xi32, #tpu.memory_space<hbm>>
      %dma_start3A_26 = tpu.memref_slice %arg4[%add3A_8] : memref<800000xi32, #tpu.memory_space<hbm>> -> memref<5000xi32, #tpu.memory_space<hbm>>
      tpu.enqueue_dma source(%dma_start3A_26 : memref<5000xi32, #tpu.memory_space<hbm>>) target(%arg8 : memref<5000xi32, #tpu.memory_space<vmem>>) target_semaphore(%run_scoped3A : memref<!tpu.dma_semaphore, #tpu.memory_space<semaphore_mem>>)
      %dma_wait3A = tpu.memref_slice %arg4[%add3A_8] : memref<800000xi32, #tpu.memory_space<hbm>> -> memref<5000xi32, #tpu.memory_space<hbm>>
      %dma_wait3A_27 = tpu.memref_slice %arg4[%add3A_8] : memref<800000xi32, #tpu.memory_space<hbm>> -> memref<5000xi32, #tpu.memory_space<hbm>>
      tpu.wait_dma2 semaphore(%run_scoped3A : memref<!tpu.dma_semaphore, #tpu.memory_space<semaphore_mem>>) src(%dma_wait3A_27 : memref<5000xi32, #tpu.memory_space<hbm>>) dst(%arg8 : memref<5000xi32, #tpu.memory_space<vmem>>)
      tpu.yield
    }) : () -> ()
    %dma_start3A = arith.constant 0 : i32
    %dma_start3A_9 = arith.constant 0 : i32
    %dma_start3A_10 = tpu.memref_slice %arg2[%dma_start3A, %dma_start3A_9] : memref<50000x8xf32, #tpu.memory_space<hbm>> -> memref<50000x8xf32, #tpu.memory_space<hbm>>
    tpu.enqueue_indirect_dma source(%dma_start3A_10 : memref<50000x8xf32, #tpu.memory_space<hbm>>) target(%arg9 : memref<5000x8xf32, #tpu.memory_space<vmem>>) offsets(%arg7 : memref<5000xi32, #tpu.memory_space<vmem>>) semaphore(%arg14 : memref<!tpu.dma_semaphore, #tpu.memory_space<semaphore_mem>>)
    %add3A_11 = arith.constant 5000 : i32
    %add3A_12 = arith.addi %mul3A_4, %add3A_11 : i32
    %dma_start3A_13 = tpu.memref_slice %arg3[%add3A_12] : memref<800000xi32, #tpu.memory_space<hbm>> -> memref<5000xi32, #tpu.memory_space<hbm>>
    %dma_start3A_14 = tpu.memref_slice %arg3[%add3A_12] : memref<800000xi32, #tpu.memory_space<hbm>> -> memref<5000xi32, #tpu.memory_space<hbm>>
    tpu.enqueue_dma source(%dma_start3A_14 : memref<5000xi32, #tpu.memory_space<hbm>>) target(%arg10 : memref<5000xi32, #tpu.memory_space<vmem>>) target_semaphore(%arg17 : memref<!tpu.dma_semaphore, #tpu.memory_space<semaphore_mem>>)
    %add3A_15 = arith.constant 5000 : i32
    %add3A_16 = arith.addi %mul3A_4, %add3A_15 : i32
    %dma_start3A_17 = tpu.memref_slice %arg4[%add3A_16] : memref<800000xi32, #tpu.memory_space<hbm>> -> memref<5000xi32, #tpu.memory_space<hbm>>
    %dma_start3A_18 = tpu.memref_slice %arg4[%add3A_16] : memref<800000xi32, #tpu.memory_space<hbm>> -> memref<5000xi32, #tpu.memory_space<hbm>>
    tpu.enqueue_dma source(%dma_start3A_18 : memref<5000xi32, #tpu.memory_space<hbm>>) target(%arg11 : memref<5000xi32, #tpu.memory_space<vmem>>) target_semaphore(%arg17 : memref<!tpu.dma_semaphore, #tpu.memory_space<semaphore_mem>>)
    %scan3A = arith.constant 0 : i32
    %scan3A_19 = arith.constant 0 : i32
    %scan3A_20 = arith.constant 5 : i32
    %scan3A_21 = arith.addi %scan3A_19, %scan3A_20 : i32
    %scan3A_22 = arith.constant 1 : i32
    scf.for %scan3A_25 = %scan3A_19 to %scan3A_21 step %scan3A_22  : i32 {
      %jit3A = arith.constant 2 : i32
      %eq3A = arith.constant 0 : i32
      %eq3A_26 = arith.cmpi eq, %jit3A, %eq3A : i32
      %jit3A_27 = arith.constant 1 : i32
      %select_n3A = arith.select %eq3A_26, %jit3A_27, %jit3A : i32
      %rem3A = arith.remsi %scan3A_25, %select_n3A : i32
      %ne3A = arith.constant 0 : i32
      %ne3A_28 = arith.cmpi ne, %rem3A, %ne3A : i32
      %lt3A = arith.constant 0 : i32
      %lt3A_29 = arith.cmpi slt, %rem3A, %lt3A : i32
      %lt3A_30 = arith.constant 0 : i32
      %lt3A_31 = arith.cmpi slt, %select_n3A, %lt3A_30 : i32
      %ne3A_32 = arith.xori %lt3A_29, %lt3A_31 : i1
      %and3A = arith.andi %ne3A_32, %ne3A_28 : i1
      %add3A_33 = arith.addi %rem3A, %select_n3A : i32
      %select_n3A_34 = arith.select %and3A, %add3A_33, %rem3A : i32
      %eq3A_35 = arith.constant 0 : i32
      %eq3A_36 = arith.cmpi eq, %select_n3A_34, %eq3A_35 : i32
      %convert_element_type3A = arith.extui %eq3A_36 : i1 to i32
      %cond3A = arith.constant 0 : i32
      %cond3A_37 = arith.cmpi ne, %convert_element_type3A, %cond3A : i32
      scf.if %cond3A_37 {
        %add3A_59 = arith.constant 1 : i32
        %add3A_60 = arith.addi %scan3A_25, %add3A_59 : i32
        %lt3A_61 = arith.constant 5 : i32
        %lt3A_62 = arith.cmpi slt, %add3A_60, %lt3A_61 : i32
        %convert_element_type3A_63 = arith.extui %lt3A_62 : i1 to i32
        %cond3A_64 = arith.constant 0 : i32
        %cond3A_65 = arith.cmpi ne, %convert_element_type3A_63, %cond3A_64 : i32
        scf.if %cond3A_65 {
          %add3A_82 = arith.constant 1 : i32
          %add3A_83 = arith.addi %scan3A_25, %add3A_82 : i32
          %mul3A_84 = arith.constant 5000 : i32
          %mul3A_85 = arith.muli %add3A_83, %mul3A_84 : i32
          %add3A_86 = arith.addi %mul3A_4, %mul3A_85 : i32
          %dma_wait3A_87 = tpu.memref_slice %arg3[%add3A_86] : memref<800000xi32, #tpu.memory_space<hbm>> -> memref<5000xi32, #tpu.memory_space<hbm>>
          %dma_wait3A_88 = tpu.memref_slice %arg3[%add3A_86] : memref<800000xi32, #tpu.memory_space<hbm>> -> memref<5000xi32, #tpu.memory_space<hbm>>
          tpu.wait_dma2 semaphore(%arg17 : memref<!tpu.dma_semaphore, #tpu.memory_space<semaphore_mem>>) src(%dma_wait3A_88 : memref<5000xi32, #tpu.memory_space<hbm>>) dst(%arg10 : memref<5000xi32, #tpu.memory_space<vmem>>)
          %add3A_89 = arith.constant 1 : i32
          %add3A_90 = arith.addi %scan3A_25, %add3A_89 : i32
          %mul3A_91 = arith.constant 5000 : i32
          %mul3A_92 = arith.muli %add3A_90, %mul3A_91 : i32
          %add3A_93 = arith.addi %mul3A_4, %mul3A_92 : i32
          %dma_wait3A_94 = tpu.memref_slice %arg4[%add3A_93] : memref<800000xi32, #tpu.memory_space<hbm>> -> memref<5000xi32, #tpu.memory_space<hbm>>
          %dma_wait3A_95 = tpu.memref_slice %arg4[%add3A_93] : memref<800000xi32, #tpu.memory_space<hbm>> -> memref<5000xi32, #tpu.memory_space<hbm>>
          tpu.wait_dma2 semaphore(%arg17 : memref<!tpu.dma_semaphore, #tpu.memory_space<semaphore_mem>>) src(%dma_wait3A_95 : memref<5000xi32, #tpu.memory_space<hbm>>) dst(%arg11 : memref<5000xi32, #tpu.memory_space<vmem>>)
        } else {
        }
        %dma_wait3A = arith.constant 0 : i32
        %dma_wait3A_66 = arith.constant 0 : i32
        %dma_wait3A_67 = tpu.memref_slice %arg2[%dma_wait3A, %dma_wait3A_66] : memref<50000x8xf32, #tpu.memory_space<hbm>> -> memref<50000x8xf32, #tpu.memory_space<hbm>>
        tpu.wait_indirect_dma semaphore(%arg14 : memref<!tpu.dma_semaphore, #tpu.memory_space<semaphore_mem>>) src(%dma_wait3A_67 : memref<50000x8xf32, #tpu.memory_space<hbm>>) dst(%arg9 : memref<5000x8xf32, #tpu.memory_space<vmem>>)
        %add3A_68 = arith.constant 1 : i32
        %add3A_69 = arith.addi %scan3A_25, %add3A_68 : i32
        %lt3A_70 = arith.constant 5 : i32
        %lt3A_71 = arith.cmpi slt, %add3A_69, %lt3A_70 : i32
        %convert_element_type3A_72 = arith.extui %lt3A_71 : i1 to i32
        %cond3A_73 = arith.constant 0 : i32
        %cond3A_74 = arith.cmpi ne, %convert_element_type3A_72, %cond3A_73 : i32
        scf.if %cond3A_74 {
          %dma_start3A_82 = arith.constant 0 : i32
          %dma_start3A_83 = arith.constant 0 : i32
          %dma_start3A_84 = tpu.memref_slice %arg2[%dma_start3A_82, %dma_start3A_83] : memref<50000x8xf32, #tpu.memory_space<hbm>> -> memref<50000x8xf32, #tpu.memory_space<hbm>>
          tpu.enqueue_indirect_dma source(%dma_start3A_84 : memref<50000x8xf32, #tpu.memory_space<hbm>>) target(%arg12 : memref<5000x8xf32, #tpu.memory_space<vmem>>) offsets(%arg10 : memref<5000xi32, #tpu.memory_space<vmem>>) semaphore(%arg15 : memref<!tpu.dma_semaphore, #tpu.memory_space<semaphore_mem>>)
        } else {
        }
        "tpu.region"() ({
          %run_scoped3A = tpu.sem_alloc : memref<!tpu.dma_semaphore, #tpu.memory_space<semaphore_mem>>
          %dma_start3A_82 = arith.constant 0 : i32
          %dma_start3A_83 = arith.constant 0 : i32
          %dma_start3A_84 = tpu.memref_slice %arg13[%dma_start3A_82, %dma_start3A_83] : memref<50048x8xf32, #tpu.memory_space<vmem_shared>> -> memref<50048x8xf32, #tpu.memory_space<vmem_shared>>
          tpu.enqueue_indirect_dma source(%arg9 : memref<5000x8xf32, #tpu.memory_space<vmem>>) target(%dma_start3A_84 : memref<50048x8xf32, #tpu.memory_space<vmem_shared>>) offsets(%arg8 : memref<5000xi32, #tpu.memory_space<vmem>>) semaphore(%run_scoped3A : memref<!tpu.dma_semaphore, #tpu.memory_space<semaphore_mem>>) {add = true}
          %dma_wait3A_85 = arith.constant 0 : i32
          %dma_wait3A_86 = arith.constant 0 : i32
          %dma_wait3A_87 = tpu.memref_slice %arg13[%dma_wait3A_85, %dma_wait3A_86] : memref<50048x8xf32, #tpu.memory_space<vmem_shared>> -> memref<50048x8xf32, #tpu.memory_space<vmem_shared>>
          tpu.wait_indirect_dma semaphore(%run_scoped3A : memref<!tpu.dma_semaphore, #tpu.memory_space<semaphore_mem>>) src(%arg9 : memref<5000x8xf32, #tpu.memory_space<vmem>>) dst(%dma_wait3A_87 : memref<50048x8xf32, #tpu.memory_space<vmem_shared>>)
          tpu.yield
        }) : () -> ()
        %add3A_75 = arith.constant 2 : i32
        %add3A_76 = arith.addi %scan3A_25, %add3A_75 : i32
        %lt3A_77 = arith.constant 5 : i32
        %lt3A_78 = arith.cmpi slt, %add3A_76, %lt3A_77 : i32
        %convert_element_type3A_79 = arith.extui %lt3A_78 : i1 to i32
        %cond3A_80 = arith.constant 0 : i32
        %cond3A_81 = arith.cmpi ne, %convert_element_type3A_79, %cond3A_80 : i32
        scf.if %cond3A_81 {
          %add3A_82 = arith.constant 2 : i32
          %add3A_83 = arith.addi %scan3A_25, %add3A_82 : i32
          %mul3A_84 = arith.constant 5000 : i32
          %mul3A_85 = arith.muli %add3A_83, %mul3A_84 : i32
          %add3A_86 = arith.addi %mul3A_4, %mul3A_85 : i32
          %dma_start3A_87 = tpu.memref_slice %arg3[%add3A_86] : memref<800000xi32, #tpu.memory_space<hbm>> -> memref<5000xi32, #tpu.memory_space<hbm>>
          %dma_start3A_88 = tpu.memref_slice %arg3[%add3A_86] : memref<800000xi32, #tpu.memory_space<hbm>> -> memref<5000xi32, #tpu.memory_space<hbm>>
          tpu.enqueue_dma source(%dma_start3A_88 : memref<5000xi32, #tpu.memory_space<hbm>>) target(%arg7 : memref<5000xi32, #tpu.memory_space<vmem>>) target_semaphore(%arg16 : memref<!tpu.dma_semaphore, #tpu.memory_space<semaphore_mem>>)
          %add3A_89 = arith.constant 2 : i32
          %add3A_90 = arith.addi %scan3A_25, %add3A_89 : i32
          %mul3A_91 = arith.constant 5000 : i32
          %mul3A_92 = arith.muli %add3A_90, %mul3A_91 : i32
          %add3A_93 = arith.addi %mul3A_4, %mul3A_92 : i32
          %dma_start3A_94 = tpu.memref_slice %arg4[%add3A_93] : memref<800000xi32, #tpu.memory_space<hbm>> -> memref<5000xi32, #tpu.memory_space<hbm>>
          %dma_start3A_95 = tpu.memref_slice %arg4[%add3A_93] : memref<800000xi32, #tpu.memory_space<hbm>> -> memref<5000xi32, #tpu.memory_space<hbm>>
          tpu.enqueue_dma source(%dma_start3A_95 : memref<5000xi32, #tpu.memory_space<hbm>>) target(%arg8 : memref<5000xi32, #tpu.memory_space<vmem>>) target_semaphore(%arg16 : memref<!tpu.dma_semaphore, #tpu.memory_space<semaphore_mem>>)
        } else {
        }
      } else {
      }
      %jit3A_38 = arith.constant 2 : i32
      %eq3A_39 = arith.constant 0 : i32
      %eq3A_40 = arith.cmpi eq, %jit3A_38, %eq3A_39 : i32
      %jit3A_41 = arith.constant 1 : i32
      %select_n3A_42 = arith.select %eq3A_40, %jit3A_41, %jit3A_38 : i32
      %rem3A_43 = arith.remsi %scan3A_25, %select_n3A_42 : i32
      %ne3A_44 = arith.constant 0 : i32
      %ne3A_45 = arith.cmpi ne, %rem3A_43, %ne3A_44 : i32
      %lt3A_46 = arith.constant 0 : i32
      %lt3A_47 = arith.cmpi slt, %rem3A_43, %lt3A_46 : i32
      %lt3A_48 = arith.constant 0 : i32
      %lt3A_49 = arith.cmpi slt, %select_n3A_42, %lt3A_48 : i32
      %ne3A_50 = arith.xori %lt3A_47, %lt3A_49 : i1
      %and3A_51 = arith.andi %ne3A_50, %ne3A_45 : i1
      %add3A_52 = arith.addi %rem3A_43, %select_n3A_42 : i32
      %select_n3A_53 = arith.select %and3A_51, %add3A_52, %rem3A_43 : i32
      %eq3A_54 = arith.constant 1 : i32
      %eq3A_55 = arith.cmpi eq, %select_n3A_53, %eq3A_54 : i32
      %convert_element_type3A_56 = arith.extui %eq3A_55 : i1 to i32
      %cond3A_57 = arith.constant 0 : i32
      %cond3A_58 = arith.cmpi ne, %convert_element_type3A_56, %cond3A_57 : i32
      scf.if %cond3A_58 {
        %add3A_59 = arith.constant 1 : i32
        %add3A_60 = arith.addi %scan3A_25, %add3A_59 : i32
        %lt3A_61 = arith.constant 5 : i32
        %lt3A_62 = arith.cmpi slt, %add3A_60, %lt3A_61 : i32
        %convert_element_type3A_63 = arith.extui %lt3A_62 : i1 to i32
        %cond3A_64 = arith.constant 0 : i32
        %cond3A_65 = arith.cmpi ne, %convert_element_type3A_63, %cond3A_64 : i32
        scf.if %cond3A_65 {
          %add3A_82 = arith.constant 1 : i32
          %add3A_83 = arith.addi %scan3A_25, %add3A_82 : i32
          %mul3A_84 = arith.constant 5000 : i32
          %mul3A_85 = arith.muli %add3A_83, %mul3A_84 : i32
          %add3A_86 = arith.addi %mul3A_4, %mul3A_85 : i32
          %dma_wait3A_87 = tpu.memref_slice %arg3[%add3A_86] : memref<800000xi32, #tpu.memory_space<hbm>> -> memref<5000xi32, #tpu.memory_space<hbm>>
          %dma_wait3A_88 = tpu.memref_slice %arg3[%add3A_86] : memref<800000xi32, #tpu.memory_space<hbm>> -> memref<5000xi32, #tpu.memory_space<hbm>>
          tpu.wait_dma2 semaphore(%arg16 : memref<!tpu.dma_semaphore, #tpu.memory_space<semaphore_mem>>) src(%dma_wait3A_88 : memref<5000xi32, #tpu.memory_space<hbm>>) dst(%arg7 : memref<5000xi32, #tpu.memory_space<vmem>>)
          %add3A_89 = arith.constant 1 : i32
          %add3A_90 = arith.addi %scan3A_25, %add3A_89 : i32
          %mul3A_91 = arith.constant 5000 : i32
          %mul3A_92 = arith.muli %add3A_90, %mul3A_91 : i32
          %add3A_93 = arith.addi %mul3A_4, %mul3A_92 : i32
          %dma_wait3A_94 = tpu.memref_slice %arg4[%add3A_93] : memref<800000xi32, #tpu.memory_space<hbm>> -> memref<5000xi32, #tpu.memory_space<hbm>>
          %dma_wait3A_95 = tpu.memref_slice %arg4[%add3A_93] : memref<800000xi32, #tpu.memory_space<hbm>> -> memref<5000xi32, #tpu.memory_space<hbm>>
          tpu.wait_dma2 semaphore(%arg16 : memref<!tpu.dma_semaphore, #tpu.memory_space<semaphore_mem>>) src(%dma_wait3A_95 : memref<5000xi32, #tpu.memory_space<hbm>>) dst(%arg8 : memref<5000xi32, #tpu.memory_space<vmem>>)
        } else {
        }
        %dma_wait3A = arith.constant 0 : i32
        %dma_wait3A_66 = arith.constant 0 : i32
        %dma_wait3A_67 = tpu.memref_slice %arg2[%dma_wait3A, %dma_wait3A_66] : memref<50000x8xf32, #tpu.memory_space<hbm>> -> memref<50000x8xf32, #tpu.memory_space<hbm>>
        tpu.wait_indirect_dma semaphore(%arg15 : memref<!tpu.dma_semaphore, #tpu.memory_space<semaphore_mem>>) src(%dma_wait3A_67 : memref<50000x8xf32, #tpu.memory_space<hbm>>) dst(%arg12 : memref<5000x8xf32, #tpu.memory_space<vmem>>)
        %add3A_68 = arith.constant 1 : i32
        %add3A_69 = arith.addi %scan3A_25, %add3A_68 : i32
        %lt3A_70 = arith.constant 5 : i32
        %lt3A_71 = arith.cmpi slt, %add3A_69, %lt3A_70 : i32
        %convert_element_type3A_72 = arith.extui %lt3A_71 : i1 to i32
        %cond3A_73 = arith.constant 0 : i32
        %cond3A_74 = arith.cmpi ne, %convert_element_type3A_72, %cond3A_73 : i32
        scf.if %cond3A_74 {
          %dma_start3A_82 = arith.constant 0 : i32
          %dma_start3A_83 = arith.constant 0 : i32
          %dma_start3A_84 = tpu.memref_slice %arg2[%dma_start3A_82, %dma_start3A_83] : memref<50000x8xf32, #tpu.memory_space<hbm>> -> memref<50000x8xf32, #tpu.memory_space<hbm>>
          tpu.enqueue_indirect_dma source(%dma_start3A_84 : memref<50000x8xf32, #tpu.memory_space<hbm>>) target(%arg9 : memref<5000x8xf32, #tpu.memory_space<vmem>>) offsets(%arg7 : memref<5000xi32, #tpu.memory_space<vmem>>) semaphore(%arg14 : memref<!tpu.dma_semaphore, #tpu.memory_space<semaphore_mem>>)
        } else {
        }
        "tpu.region"() ({
          %run_scoped3A = tpu.sem_alloc : memref<!tpu.dma_semaphore, #tpu.memory_space<semaphore_mem>>
          %dma_start3A_82 = arith.constant 0 : i32
          %dma_start3A_83 = arith.constant 0 : i32
          %dma_start3A_84 = tpu.memref_slice %arg13[%dma_start3A_82, %dma_start3A_83] : memref<50048x8xf32, #tpu.memory_space<vmem_shared>> -> memref<50048x8xf32, #tpu.memory_space<vmem_shared>>
          tpu.enqueue_indirect_dma source(%arg12 : memref<5000x8xf32, #tpu.memory_space<vmem>>) target(%dma_start3A_84 : memref<50048x8xf32, #tpu.memory_space<vmem_shared>>) offsets(%arg11 : memref<5000xi32, #tpu.memory_space<vmem>>) semaphore(%run_scoped3A : memref<!tpu.dma_semaphore, #tpu.memory_space<semaphore_mem>>) {add = true}
          %dma_wait3A_85 = arith.constant 0 : i32
          %dma_wait3A_86 = arith.constant 0 : i32
          %dma_wait3A_87 = tpu.memref_slice %arg13[%dma_wait3A_85, %dma_wait3A_86] : memref<50048x8xf32, #tpu.memory_space<vmem_shared>> -> memref<50048x8xf32, #tpu.memory_space<vmem_shared>>
          tpu.wait_indirect_dma semaphore(%run_scoped3A : memref<!tpu.dma_semaphore, #tpu.memory_space<semaphore_mem>>) src(%arg12 : memref<5000x8xf32, #tpu.memory_space<vmem>>) dst(%dma_wait3A_87 : memref<50048x8xf32, #tpu.memory_space<vmem_shared>>)
          tpu.yield
        }) : () -> ()
        %add3A_75 = arith.constant 2 : i32
        %add3A_76 = arith.addi %scan3A_25, %add3A_75 : i32
        %lt3A_77 = arith.constant 5 : i32
        %lt3A_78 = arith.cmpi slt, %add3A_76, %lt3A_77 : i32
        %convert_element_type3A_79 = arith.extui %lt3A_78 : i1 to i32
        %cond3A_80 = arith.constant 0 : i32
        %cond3A_81 = arith.cmpi ne, %convert_element_type3A_79, %cond3A_80 : i32
        scf.if %cond3A_81 {
          %add3A_82 = arith.constant 2 : i32
          %add3A_83 = arith.addi %scan3A_25, %add3A_82 : i32
          %mul3A_84 = arith.constant 5000 : i32
          %mul3A_85 = arith.muli %add3A_83, %mul3A_84 : i32
          %add3A_86 = arith.addi %mul3A_4, %mul3A_85 : i32
          %dma_start3A_87 = tpu.memref_slice %arg3[%add3A_86] : memref<800000xi32, #tpu.memory_space<hbm>> -> memref<5000xi32, #tpu.memory_space<hbm>>
          %dma_start3A_88 = tpu.memref_slice %arg3[%add3A_86] : memref<800000xi32, #tpu.memory_space<hbm>> -> memref<5000xi32, #tpu.memory_space<hbm>>
          tpu.enqueue_dma source(%dma_start3A_88 : memref<5000xi32, #tpu.memory_space<hbm>>) target(%arg10 : memref<5000xi32, #tpu.memory_space<vmem>>) target_semaphore(%arg17 : memref<!tpu.dma_semaphore, #tpu.memory_space<semaphore_mem>>)
          %add3A_89 = arith.constant 2 : i32
          %add3A_90 = arith.addi %scan3A_25, %add3A_89 : i32
          %mul3A_91 = arith.constant 5000 : i32
          %mul3A_92 = arith.muli %add3A_90, %mul3A_91 : i32
          %add3A_93 = arith.addi %mul3A_4, %mul3A_92 : i32
          %dma_start3A_94 = tpu.memref_slice %arg4[%add3A_93] : memref<800000xi32, #tpu.memory_space<hbm>> -> memref<5000xi32, #tpu.memory_space<hbm>>
          %dma_start3A_95 = tpu.memref_slice %arg4[%add3A_93] : memref<800000xi32, #tpu.memory_space<hbm>> -> memref<5000xi32, #tpu.memory_space<hbm>>
          tpu.enqueue_dma source(%dma_start3A_95 : memref<5000xi32, #tpu.memory_space<hbm>>) target(%arg11 : memref<5000xi32, #tpu.memory_space<vmem>>) target_semaphore(%arg17 : memref<!tpu.dma_semaphore, #tpu.memory_space<semaphore_mem>>)
        } else {
        }
      } else {
      }
    }
    %scan3A_23 = arith.constant 5 : i32
    %barrier3A_24 = arith.constant 0 : index
    tpu.barrier barrier_id(%barrier3A_24)
    "tpu.region"() ({
      %run_scoped3A = tpu.sem_alloc : memref<!tpu.dma_semaphore, #tpu.memory_space<semaphore_mem>>
      %dma_start3A_25 = arith.constant 0 : i32
      %dma_start3A_26 = tpu.memref_slice %arg6[%arg0, %mul3A_0, %dma_start3A_25] : memref<2x50048x8xf32, #tpu.memory_space<hbm>> -> memref<1x3128x8xf32, #tpu.memory_space<hbm>>
      %dma_start3A_27 = tpu.memref_squeeze %dma_start3A_26 : memref<1x3128x8xf32, #tpu.memory_space<hbm>> -> memref<3128x8xf32, #tpu.memory_space<hbm>>
      %dma_start3A_28 = arith.constant 0 : i32
      %dma_start3A_29 = tpu.memref_slice %arg13[%mul3A_0, %dma_start3A_28] : memref<50048x8xf32, #tpu.memory_space<vmem_shared>> -> memref<3128x8xf32, #tpu.memory_space<vmem_shared>>
      tpu.enqueue_dma source(%dma_start3A_29 : memref<3128x8xf32, #tpu.memory_space<vmem_shared>>) target(%dma_start3A_27 : memref<3128x8xf32, #tpu.memory_space<hbm>>) target_semaphore(%run_scoped3A : memref<!tpu.dma_semaphore, #tpu.memory_space<semaphore_mem>>)
      %dma_wait3A = arith.constant 0 : i32
      %dma_wait3A_30 = tpu.memref_slice %arg6[%arg0, %mul3A_0, %dma_wait3A] : memref<2x50048x8xf32, #tpu.memory_space<hbm>> -> memref<1x3128x8xf32, #tpu.memory_space<hbm>>
      %dma_wait3A_31 = tpu.memref_squeeze %dma_wait3A_30 : memref<1x3128x8xf32, #tpu.memory_space<hbm>> -> memref<3128x8xf32, #tpu.memory_space<hbm>>
      %dma_wait3A_32 = arith.constant 0 : i32
      %dma_wait3A_33 = tpu.memref_slice %arg13[%mul3A_0, %dma_wait3A_32] : memref<50048x8xf32, #tpu.memory_space<vmem_shared>> -> memref<3128x8xf32, #tpu.memory_space<vmem_shared>>
      tpu.wait_dma2 semaphore(%run_scoped3A : memref<!tpu.dma_semaphore, #tpu.memory_space<semaphore_mem>>) src(%dma_wait3A_33 : memref<3128x8xf32, #tpu.memory_space<vmem_shared>>) dst(%dma_wait3A_31 : memref<3128x8xf32, #tpu.memory_space<hbm>>)
      tpu.yield
    }) : () -> ()
    return
  }
}

module attributes {stable_mosaic.version = 14 : i64} {
  func.func @tc1(%arg0: i32, %arg1: memref<2000x8xf32, #tpu.memory_space<vmem>>, %arg2: memref<2x2000x8xf32, #tpu.memory_space<vmem>>, %arg3: memref<8x64xf32, #tpu.memory_space<vmem>>, %arg4: memref<1x64xf32, #tpu.memory_space<vmem>>, %arg5: memref<8x64xf32, #tpu.memory_space<vmem>>, %arg6: memref<64x64xf32, #tpu.memory_space<vmem>>, %arg7: memref<64x64xf32, #tpu.memory_space<vmem>>, %arg8: memref<2x2000x32xbf16, #tpu.memory_space<vmem>>, %arg9: memref<2000x64xf32, #tpu.memory_space<vmem>>, %arg10: memref<2000x1xf32, #tpu.memory_space<vmem>>) attributes {dimension_semantics = [#tpu.dimension_semantics<arbitrary>], iteration_bounds = array<i64: 25>, scalar_prefetch = 0 : i64, scratch_operands = 0 : i64, tpu.core_type = #tpu.core_type<tc>, window_params = [{transform_indices = @transform_0, window_bounds = array<i64: 2000, 8>}, {transform_indices = @transform_1, window_bounds = array<i64: 2, 2000, 8>}, {pipeline_mode = #tpu.pipeline_mode<synchronous>, transform_indices = @transform_2, window_bounds = array<i64: 8, 64>}, {pipeline_mode = #tpu.pipeline_mode<synchronous>, transform_indices = @transform_3, window_bounds = array<i64: 1, 64>}, {pipeline_mode = #tpu.pipeline_mode<synchronous>, transform_indices = @transform_4, window_bounds = array<i64: 8, 64>}, {pipeline_mode = #tpu.pipeline_mode<synchronous>, transform_indices = @transform_5, window_bounds = array<i64: 64, 64>}, {pipeline_mode = #tpu.pipeline_mode<synchronous>, transform_indices = @transform_6, window_bounds = array<i64: 64, 64>}, {transform_indices = @transform_7, window_bounds = array<i64: 2, 2000, 32>}, {transform_indices = @transform_8, window_bounds = array<i64: 2000, 64>}, {transform_indices = @transform_9, window_bounds = array<i64: 2000, 1>}]} {
    %get3A = arith.constant 0 : index
    %get3A_0 = arith.constant 0 : index
    %get3A_1 = arith.constant 0 : index
    %get3A_2 = vector.load %arg2[%get3A, %get3A_0, %get3A_1] : memref<2x2000x8xf32, #tpu.memory_space<vmem>>, vector<1x2000x8xf32>
    %get3A_3 = vector.shape_cast %get3A_2 : vector<1x2000x8xf32> to vector<2000x8xf32>
    %get3A_4 = arith.constant 1 : index
    %get3A_5 = arith.constant 0 : index
    %get3A_6 = arith.constant 0 : index
    %get3A_7 = vector.load %arg2[%get3A_4, %get3A_5, %get3A_6] : memref<2x2000x8xf32, #tpu.memory_space<vmem>>, vector<1x2000x8xf32>
    %get3A_8 = vector.shape_cast %get3A_7 : vector<1x2000x8xf32> to vector<2000x8xf32>
    %add3A = arith.addf %get3A_3, %get3A_8 : vector<2000x8xf32>
    %slice3A = vector.extract_strided_slice %add3A {offsets = [0, 3], sizes = [2000, 1], strides = [1, 1]} : vector<2000x8xf32> to vector<2000x1xf32>
    %max3A = arith.constant 1.000000e+00 : f32
    %max3A_9 = vector.broadcast %max3A : f32 to vector<2000x1xf32>
    %max3A_10 = arith.maximumf %slice3A, %max3A_9 : vector<2000x1xf32>
    %div3A = arith.constant 1.000000e+00 : f32
    %div3A_11 = vector.broadcast %div3A : f32 to vector<2000x1xf32>
    %div3A_12 = arith.divf %div3A_11, %max3A_10 : vector<2000x1xf32>
    %mul3A = vector.broadcast %div3A_12 : vector<2000x1xf32> to vector<2000x8xf32>
    %mul3A_13 = arith.mulf %add3A, %mul3A : vector<2000x8xf32>
    %get3A_14 = arith.constant 0 : index
    %get3A_15 = arith.constant 0 : index
    %get3A_16 = vector.load %arg3[%get3A_14, %get3A_15] : memref<8x64xf32, #tpu.memory_space<vmem>>, vector<8x64xf32>
    %dot_general3A = arith.constant dense<0.000000e+00> : vector<2000x64xf32>
    %dot_general3A_17 = tpu.matmul %mul3A_13, %get3A_16, %dot_general3A {dimension_numbers = #tpu.dot_dimension_numbers<[1], [0], [0], [1], [0, 0, 1, 1], [], []>, transpose_lhs_hint = false} : vector<2000x8xf32>, vector<8x64xf32>, vector<2000x64xf32> -> vector<2000x64xf32>
    %get3A_18 = arith.constant 0 : index
    %get3A_19 = arith.constant 0 : index
    %get3A_20 = vector.load %arg4[%get3A_18, %get3A_19] : memref<1x64xf32, #tpu.memory_space<vmem>>, vector<1x64xf32>
    %add3A_21 = vector.broadcast %get3A_20 : vector<1x64xf32> to vector<2000x64xf32>
    %add3A_22 = arith.addf %dot_general3A_17, %add3A_21 : vector<2000x64xf32>
    %get3A_23 = arith.constant 0 : index
    %get3A_24 = arith.constant 0 : index
    %get3A_25 = vector.load %arg1[%get3A_23, %get3A_24] : memref<2000x8xf32, #tpu.memory_space<vmem>>, vector<2000x8xf32>
    %get3A_26 = arith.constant 0 : index
    %get3A_27 = arith.constant 0 : index
    %get3A_28 = vector.load %arg5[%get3A_26, %get3A_27] : memref<8x64xf32, #tpu.memory_space<vmem>>, vector<8x64xf32>
    %dot_general3A_29 = arith.constant dense<0.000000e+00> : vector<2000x64xf32>
    %dot_general3A_30 = tpu.matmul %get3A_25, %get3A_28, %dot_general3A_29 {dimension_numbers = #tpu.dot_dimension_numbers<[1], [0], [0], [1], [0, 0, 1, 1], [], []>, transpose_lhs_hint = false} : vector<2000x8xf32>, vector<8x64xf32>, vector<2000x64xf32> -> vector<2000x64xf32>
    %add3A_31 = arith.addf %add3A_22, %dot_general3A_30 : vector<2000x64xf32>
    %max3A_32 = arith.constant 0.000000e+00 : f32
    %max3A_33 = vector.broadcast %max3A_32 : f32 to vector<2000x64xf32>
    %max3A_34 = arith.maximumf %add3A_31, %max3A_33 : vector<2000x64xf32>
    %get3A_35 = arith.constant 0 : index
    %get3A_36 = arith.constant 0 : index
    %get3A_37 = vector.load %arg6[%get3A_35, %get3A_36] : memref<64x64xf32, #tpu.memory_space<vmem>>, vector<64x64xf32>
    %dot_general3A_38 = arith.constant dense<0.000000e+00> : vector<2000x64xf32>
    %dot_general3A_39 = tpu.matmul %max3A_34, %get3A_37, %dot_general3A_38 {dimension_numbers = #tpu.dot_dimension_numbers<[1], [0], [0], [1], [0, 0, 1, 1], [], []>, transpose_lhs_hint = false} : vector<2000x64xf32>, vector<64x64xf32>, vector<2000x64xf32> -> vector<2000x64xf32>
    %slice3A_40 = vector.extract_strided_slice %dot_general3A_39 {offsets = [0, 0], sizes = [2000, 32], strides = [1, 1]} : vector<2000x64xf32> to vector<2000x32xf32>
    %convert_element_type3A = arith.truncf %slice3A_40 : vector<2000x32xf32> to vector<2000x32xbf16>
    %swap3A = arith.constant 0 : index
    %swap3A_41 = arith.constant 0 : index
    %swap3A_42 = arith.constant 0 : index
    %swap3A_43 = vector.load %arg8[%swap3A, %swap3A_41, %swap3A_42] : memref<2x2000x32xbf16, #tpu.memory_space<vmem>>, vector<1x2000x32xbf16>
    %swap3A_44 = vector.shape_cast %swap3A_43 : vector<1x2000x32xbf16> to vector<2000x32xbf16>
    %swap3A_45 = vector.shape_cast %convert_element_type3A : vector<2000x32xbf16> to vector<1x2000x32xbf16>
    tpu.vector_store %arg8[%swap3A, %swap3A_41, %swap3A_42], %swap3A_45 {strides = array<i32>} : memref<2x2000x32xbf16, #tpu.memory_space<vmem>>, vector<1x2000x32xbf16>,
    %slice3A_46 = vector.extract_strided_slice %dot_general3A_39 {offsets = [0, 32], sizes = [2000, 32], strides = [1, 1]} : vector<2000x64xf32> to vector<2000x32xf32>
    %convert_element_type3A_47 = arith.truncf %slice3A_46 : vector<2000x32xf32> to vector<2000x32xbf16>
    %swap3A_48 = arith.constant 1 : index
    %swap3A_49 = arith.constant 0 : index
    %swap3A_50 = arith.constant 0 : index
    %swap3A_51 = vector.load %arg8[%swap3A_48, %swap3A_49, %swap3A_50] : memref<2x2000x32xbf16, #tpu.memory_space<vmem>>, vector<1x2000x32xbf16>
    %swap3A_52 = vector.shape_cast %swap3A_51 : vector<1x2000x32xbf16> to vector<2000x32xbf16>
    %swap3A_53 = vector.shape_cast %convert_element_type3A_47 : vector<2000x32xbf16> to vector<1x2000x32xbf16>
    tpu.vector_store %arg8[%swap3A_48, %swap3A_49, %swap3A_50], %swap3A_53 {strides = array<i32>} : memref<2x2000x32xbf16, #tpu.memory_space<vmem>>, vector<1x2000x32xbf16>,
    %get3A_54 = arith.constant 0 : index
    %get3A_55 = arith.constant 0 : index
    %get3A_56 = vector.load %arg7[%get3A_54, %get3A_55] : memref<64x64xf32, #tpu.memory_space<vmem>>, vector<64x64xf32>
    %dot_general3A_57 = arith.constant dense<0.000000e+00> : vector<2000x64xf32>
    %dot_general3A_58 = tpu.matmul %max3A_34, %get3A_56, %dot_general3A_57 {dimension_numbers = #tpu.dot_dimension_numbers<[1], [0], [0], [1], [0, 0, 1, 1], [], []>, transpose_lhs_hint = false} : vector<2000x64xf32>, vector<64x64xf32>, vector<2000x64xf32> -> vector<2000x64xf32>
    %swap3A_59 = arith.constant 0 : index
    %swap3A_60 = arith.constant 0 : index
    %swap3A_61 = vector.load %arg9[%swap3A_59, %swap3A_60] : memref<2000x64xf32, #tpu.memory_space<vmem>>, vector<2000x64xf32>
    tpu.vector_store %arg9[%swap3A_59, %swap3A_60], %dot_general3A_58 {strides = array<i32>} : memref<2000x64xf32, #tpu.memory_space<vmem>>, vector<2000x64xf32>,
    %swap3A_62 = arith.constant 0 : index
    %swap3A_63 = arith.constant 0 : index
    %swap3A_64 = vector.load %arg10[%swap3A_62, %swap3A_63] : memref<2000x1xf32, #tpu.memory_space<vmem>>, vector<2000x1xf32>
    tpu.vector_store %arg10[%swap3A_62, %swap3A_63], %div3A_12 {strides = array<i32>} : memref<2000x1xf32, #tpu.memory_space<vmem>>, vector<2000x1xf32>,
    return
  }
  func.func @transform_0(%arg0: i32) -> (i32, i32) {
    %c0_i32 = arith.constant 0 : i32
    %c0_i32_0 = arith.constant 0 : i32
    return %arg0, %c0_i32 : i32, i32
  }
  func.func @transform_1(%arg0: i32) -> (i32, i32, i32) {
    %c0_i32 = arith.constant 0 : i32
    %c0_i32_0 = arith.constant 0 : i32
    %c0_i32_1 = arith.constant 0 : i32
    return %c0_i32, %arg0, %c0_i32_0 : i32, i32, i32
  }
  func.func @transform_2(%arg0: i32) -> (i32, i32) {
    %c0_i32 = arith.constant 0 : i32
    %c0_i32_0 = arith.constant 0 : i32
    %c0_i32_1 = arith.constant 0 : i32
    return %c0_i32, %c0_i32_0 : i32, i32
  }
  func.func @transform_3(%arg0: i32) -> (i32, i32) {
    %c0_i32 = arith.constant 0 : i32
    %c0_i32_0 = arith.constant 0 : i32
    %c0_i32_1 = arith.constant 0 : i32
    return %c0_i32, %c0_i32_0 : i32, i32
  }
  func.func @transform_4(%arg0: i32) -> (i32, i32) {
    %c0_i32 = arith.constant 0 : i32
    %c0_i32_0 = arith.constant 0 : i32
    %c0_i32_1 = arith.constant 0 : i32
    return %c0_i32, %c0_i32_0 : i32, i32
  }
  func.func @transform_5(%arg0: i32) -> (i32, i32) {
    %c0_i32 = arith.constant 0 : i32
    %c0_i32_0 = arith.constant 0 : i32
    %c0_i32_1 = arith.constant 0 : i32
    return %c0_i32, %c0_i32_0 : i32, i32
  }
  func.func @transform_6(%arg0: i32) -> (i32, i32) {
    %c0_i32 = arith.constant 0 : i32
    %c0_i32_0 = arith.constant 0 : i32
    %c0_i32_1 = arith.constant 0 : i32
    return %c0_i32, %c0_i32_0 : i32, i32
  }
  func.func @transform_7(%arg0: i32) -> (i32, i32, i32) {
    %c0_i32 = arith.constant 0 : i32
    %c0_i32_0 = arith.constant 0 : i32
    %c0_i32_1 = arith.constant 0 : i32
    return %c0_i32, %arg0, %c0_i32_0 : i32, i32, i32
  }
  func.func @transform_8(%arg0: i32) -> (i32, i32) {
    %c0_i32 = arith.constant 0 : i32
    %c0_i32_0 = arith.constant 0 : i32
    return %arg0, %c0_i32 : i32, i32
  }
  func.func @transform_9(%arg0: i32) -> (i32, i32) {
    %c0_i32 = arith.constant 0 : i32
    %c0_i32_0 = arith.constant 0 : i32
    return %arg0, %c0_i32 : i32, i32
  }
}

module attributes {stable_mosaic.version = 14 : i64} {
  func.func @tc2(%arg0: i32, %arg1: memref<2000x64xbf16, #tpu.memory_space<vmem>>, %arg2: memref<2000x64xf32, #tpu.memory_space<vmem>>, %arg3: memref<2000x1xf32, #tpu.memory_space<vmem>>, %arg4: memref<1x64xf32, #tpu.memory_space<vmem>>, %arg5: memref<64x64xf32, #tpu.memory_space<vmem>>, %arg6: memref<64x64xf32, #tpu.memory_space<vmem>>, %arg7: memref<2x2000x32xbf16, #tpu.memory_space<vmem>>, %arg8: memref<2000x64xf32, #tpu.memory_space<vmem>>) attributes {dimension_semantics = [#tpu.dimension_semantics<arbitrary>], iteration_bounds = array<i64: 25>, scalar_prefetch = 0 : i64, scratch_operands = 0 : i64, tpu.core_type = #tpu.core_type<tc>, window_params = [{transform_indices = @transform_0, window_bounds = array<i64: 2000, 64>}, {transform_indices = @transform_1, window_bounds = array<i64: 2000, 64>}, {transform_indices = @transform_2, window_bounds = array<i64: 2000, 1>}, {pipeline_mode = #tpu.pipeline_mode<synchronous>, transform_indices = @transform_3, window_bounds = array<i64: 1, 64>}, {pipeline_mode = #tpu.pipeline_mode<synchronous>, transform_indices = @transform_4, window_bounds = array<i64: 64, 64>}, {pipeline_mode = #tpu.pipeline_mode<synchronous>, transform_indices = @transform_5, window_bounds = array<i64: 64, 64>}, {transform_indices = @transform_6, window_bounds = array<i64: 2, 2000, 32>}, {transform_indices = @transform_7, window_bounds = array<i64: 2000, 64>}]} {
    %get3A = arith.constant 0 : index
    %get3A_0 = arith.constant 0 : index
    %get3A_1 = vector.load %arg1[%get3A, %get3A_0] : memref<2000x64xbf16, #tpu.memory_space<vmem>>, vector<2000x64xbf16>
    %convert_element_type3A = arith.extf %get3A_1 : vector<2000x64xbf16> to vector<2000x64xf32>
    %get3A_2 = arith.constant 0 : index
    %get3A_3 = arith.constant 0 : index
    %get3A_4 = vector.load %arg3[%get3A_2, %get3A_3] : memref<2000x1xf32, #tpu.memory_space<vmem>>, vector<2000x1xf32>
    %mul3A = vector.broadcast %get3A_4 : vector<2000x1xf32> to vector<2000x64xf32>
    %mul3A_5 = arith.mulf %convert_element_type3A, %mul3A : vector<2000x64xf32>
    %get3A_6 = arith.constant 0 : index
    %get3A_7 = arith.constant 0 : index
    %get3A_8 = vector.load %arg4[%get3A_6, %get3A_7] : memref<1x64xf32, #tpu.memory_space<vmem>>, vector<1x64xf32>
    %add3A = vector.broadcast %get3A_8 : vector<1x64xf32> to vector<2000x64xf32>
    %add3A_9 = arith.addf %mul3A_5, %add3A : vector<2000x64xf32>
    %get3A_10 = arith.constant 0 : index
    %get3A_11 = arith.constant 0 : index
    %get3A_12 = vector.load %arg2[%get3A_10, %get3A_11] : memref<2000x64xf32, #tpu.memory_space<vmem>>, vector<2000x64xf32>
    %add3A_13 = arith.addf %add3A_9, %get3A_12 : vector<2000x64xf32>
    %max3A = arith.constant 0.000000e+00 : f32
    %max3A_14 = vector.broadcast %max3A : f32 to vector<2000x64xf32>
    %max3A_15 = arith.maximumf %add3A_13, %max3A_14 : vector<2000x64xf32>
    %get3A_16 = arith.constant 0 : index
    %get3A_17 = arith.constant 0 : index
    %get3A_18 = vector.load %arg5[%get3A_16, %get3A_17] : memref<64x64xf32, #tpu.memory_space<vmem>>, vector<64x64xf32>
    %dot_general3A = arith.constant dense<0.000000e+00> : vector<2000x64xf32>
    %dot_general3A_19 = tpu.matmul %max3A_15, %get3A_18, %dot_general3A {dimension_numbers = #tpu.dot_dimension_numbers<[1], [0], [0], [1], [0, 0, 1, 1], [], []>, transpose_lhs_hint = false} : vector<2000x64xf32>, vector<64x64xf32>, vector<2000x64xf32> -> vector<2000x64xf32>
    %slice3A = vector.extract_strided_slice %dot_general3A_19 {offsets = [0, 0], sizes = [2000, 32], strides = [1, 1]} : vector<2000x64xf32> to vector<2000x32xf32>
    %convert_element_type3A_20 = arith.truncf %slice3A : vector<2000x32xf32> to vector<2000x32xbf16>
    %swap3A = arith.constant 0 : index
    %swap3A_21 = arith.constant 0 : index
    %swap3A_22 = arith.constant 0 : index
    %swap3A_23 = vector.load %arg7[%swap3A, %swap3A_21, %swap3A_22] : memref<2x2000x32xbf16, #tpu.memory_space<vmem>>, vector<1x2000x32xbf16>
    %swap3A_24 = vector.shape_cast %swap3A_23 : vector<1x2000x32xbf16> to vector<2000x32xbf16>
    %swap3A_25 = vector.shape_cast %convert_element_type3A_20 : vector<2000x32xbf16> to vector<1x2000x32xbf16>
    tpu.vector_store %arg7[%swap3A, %swap3A_21, %swap3A_22], %swap3A_25 {strides = array<i32>} : memref<2x2000x32xbf16, #tpu.memory_space<vmem>>, vector<1x2000x32xbf16>,
    %slice3A_26 = vector.extract_strided_slice %dot_general3A_19 {offsets = [0, 32], sizes = [2000, 32], strides = [1, 1]} : vector<2000x64xf32> to vector<2000x32xf32>
    %convert_element_type3A_27 = arith.truncf %slice3A_26 : vector<2000x32xf32> to vector<2000x32xbf16>
    %swap3A_28 = arith.constant 1 : index
    %swap3A_29 = arith.constant 0 : index
    %swap3A_30 = arith.constant 0 : index
    %swap3A_31 = vector.load %arg7[%swap3A_28, %swap3A_29, %swap3A_30] : memref<2x2000x32xbf16, #tpu.memory_space<vmem>>, vector<1x2000x32xbf16>
    %swap3A_32 = vector.shape_cast %swap3A_31 : vector<1x2000x32xbf16> to vector<2000x32xbf16>
    %swap3A_33 = vector.shape_cast %convert_element_type3A_27 : vector<2000x32xbf16> to vector<1x2000x32xbf16>
    tpu.vector_store %arg7[%swap3A_28, %swap3A_29, %swap3A_30], %swap3A_33 {strides = array<i32>} : memref<2x2000x32xbf16, #tpu.memory_space<vmem>>, vector<1x2000x32xbf16>,
    %get3A_34 = arith.constant 0 : index
    %get3A_35 = arith.constant 0 : index
    %get3A_36 = vector.load %arg6[%get3A_34, %get3A_35] : memref<64x64xf32, #tpu.memory_space<vmem>>, vector<64x64xf32>
    %dot_general3A_37 = arith.constant dense<0.000000e+00> : vector<2000x64xf32>
    %dot_general3A_38 = tpu.matmul %max3A_15, %get3A_36, %dot_general3A_37 {dimension_numbers = #tpu.dot_dimension_numbers<[1], [0], [0], [1], [0, 0, 1, 1], [], []>, transpose_lhs_hint = false} : vector<2000x64xf32>, vector<64x64xf32>, vector<2000x64xf32> -> vector<2000x64xf32>
    %swap3A_39 = arith.constant 0 : index
    %swap3A_40 = arith.constant 0 : index
    %swap3A_41 = vector.load %arg8[%swap3A_39, %swap3A_40] : memref<2000x64xf32, #tpu.memory_space<vmem>>, vector<2000x64xf32>
    tpu.vector_store %arg8[%swap3A_39, %swap3A_40], %dot_general3A_38 {strides = array<i32>} : memref<2000x64xf32, #tpu.memory_space<vmem>>, vector<2000x64xf32>,
    return
  }
  func.func @transform_0(%arg0: i32) -> (i32, i32) {
    %c0_i32 = arith.constant 0 : i32
    %c0_i32_0 = arith.constant 0 : i32
    return %arg0, %c0_i32 : i32, i32
  }
  func.func @transform_1(%arg0: i32) -> (i32, i32) {
    %c0_i32 = arith.constant 0 : i32
    %c0_i32_0 = arith.constant 0 : i32
    return %arg0, %c0_i32 : i32, i32
  }
  func.func @transform_2(%arg0: i32) -> (i32, i32) {
    %c0_i32 = arith.constant 0 : i32
    %c0_i32_0 = arith.constant 0 : i32
    return %arg0, %c0_i32 : i32, i32
  }
  func.func @transform_3(%arg0: i32) -> (i32, i32) {
    %c0_i32 = arith.constant 0 : i32
    %c0_i32_0 = arith.constant 0 : i32
    %c0_i32_1 = arith.constant 0 : i32
    return %c0_i32, %c0_i32_0 : i32, i32
  }
  func.func @transform_4(%arg0: i32) -> (i32, i32) {
    %c0_i32 = arith.constant 0 : i32
    %c0_i32_0 = arith.constant 0 : i32
    %c0_i32_1 = arith.constant 0 : i32
    return %c0_i32, %c0_i32_0 : i32, i32
  }
  func.func @transform_5(%arg0: i32) -> (i32, i32) {
    %c0_i32 = arith.constant 0 : i32
    %c0_i32_0 = arith.constant 0 : i32
    %c0_i32_1 = arith.constant 0 : i32
    return %c0_i32, %c0_i32_0 : i32, i32
  }
  func.func @transform_6(%arg0: i32) -> (i32, i32, i32) {
    %c0_i32 = arith.constant 0 : i32
    %c0_i32_0 = arith.constant 0 : i32
    %c0_i32_1 = arith.constant 0 : i32
    return %c0_i32, %arg0, %c0_i32_0 : i32, i32, i32
  }
  func.func @transform_7(%arg0: i32) -> (i32, i32) {
    %c0_i32 = arith.constant 0 : i32
    %c0_i32_0 = arith.constant 0 : i32
    return %arg0, %c0_i32 : i32, i32
  }
}

module attributes {stable_mosaic.version = 14 : i64} {
  func.func @tc3(%arg0: i32, %arg1: memref<2000x64xbf16, #tpu.memory_space<vmem>>, %arg2: memref<2000x64xf32, #tpu.memory_space<vmem>>, %arg3: memref<2000x1xf32, #tpu.memory_space<vmem>>, %arg4: memref<1x64xf32, #tpu.memory_space<vmem>>, %arg5: memref<64x8xf32, #tpu.memory_space<vmem>>, %arg6: memref<64x8xf32, #tpu.memory_space<vmem>>, %arg7: memref<2000x8xf32, #tpu.memory_space<vmem>>, %arg8: memref<2000x8xf32, #tpu.memory_space<vmem>>) attributes {dimension_semantics = [#tpu.dimension_semantics<arbitrary>], iteration_bounds = array<i64: 25>, scalar_prefetch = 0 : i64, scratch_operands = 0 : i64, tpu.core_type = #tpu.core_type<tc>, window_params = [{transform_indices = @transform_0, window_bounds = array<i64: 2000, 64>}, {transform_indices = @transform_1, window_bounds = array<i64: 2000, 64>}, {transform_indices = @transform_2, window_bounds = array<i64: 2000, 1>}, {pipeline_mode = #tpu.pipeline_mode<synchronous>, transform_indices = @transform_3, window_bounds = array<i64: 1, 64>}, {pipeline_mode = #tpu.pipeline_mode<synchronous>, transform_indices = @transform_4, window_bounds = array<i64: 64, 8>}, {pipeline_mode = #tpu.pipeline_mode<synchronous>, transform_indices = @transform_5, window_bounds = array<i64: 64, 8>}, {transform_indices = @transform_6, window_bounds = array<i64: 2000, 8>}, {transform_indices = @transform_7, window_bounds = array<i64: 2000, 8>}]} {
    %get3A = arith.constant 0 : index
    %get3A_0 = arith.constant 0 : index
    %get3A_1 = vector.load %arg1[%get3A, %get3A_0] : memref<2000x64xbf16, #tpu.memory_space<vmem>>, vector<2000x64xbf16>
    %convert_element_type3A = arith.extf %get3A_1 : vector<2000x64xbf16> to vector<2000x64xf32>
    %get3A_2 = arith.constant 0 : index
    %get3A_3 = arith.constant 0 : index
    %get3A_4 = vector.load %arg3[%get3A_2, %get3A_3] : memref<2000x1xf32, #tpu.memory_space<vmem>>, vector<2000x1xf32>
    %mul3A = vector.broadcast %get3A_4 : vector<2000x1xf32> to vector<2000x64xf32>
    %mul3A_5 = arith.mulf %convert_element_type3A, %mul3A : vector<2000x64xf32>
    %get3A_6 = arith.constant 0 : index
    %get3A_7 = arith.constant 0 : index
    %get3A_8 = vector.load %arg4[%get3A_6, %get3A_7] : memref<1x64xf32, #tpu.memory_space<vmem>>, vector<1x64xf32>
    %add3A = vector.broadcast %get3A_8 : vector<1x64xf32> to vector<2000x64xf32>
    %add3A_9 = arith.addf %mul3A_5, %add3A : vector<2000x64xf32>
    %get3A_10 = arith.constant 0 : index
    %get3A_11 = arith.constant 0 : index
    %get3A_12 = vector.load %arg2[%get3A_10, %get3A_11] : memref<2000x64xf32, #tpu.memory_space<vmem>>, vector<2000x64xf32>
    %add3A_13 = arith.addf %add3A_9, %get3A_12 : vector<2000x64xf32>
    %max3A = arith.constant 0.000000e+00 : f32
    %max3A_14 = vector.broadcast %max3A : f32 to vector<2000x64xf32>
    %max3A_15 = arith.maximumf %add3A_13, %max3A_14 : vector<2000x64xf32>
    %get3A_16 = arith.constant 0 : index
    %get3A_17 = arith.constant 0 : index
    %get3A_18 = vector.load %arg5[%get3A_16, %get3A_17] : memref<64x8xf32, #tpu.memory_space<vmem>>, vector<64x8xf32>
    %dot_general3A = arith.constant dense<0.000000e+00> : vector<2000x8xf32>
    %dot_general3A_19 = tpu.matmul %max3A_15, %get3A_18, %dot_general3A {dimension_numbers = #tpu.dot_dimension_numbers<[1], [0], [0], [1], [0, 0, 1, 1], [], []>, transpose_lhs_hint = false} : vector<2000x64xf32>, vector<64x8xf32>, vector<2000x8xf32> -> vector<2000x8xf32>
    %swap3A = arith.constant 0 : index
    %swap3A_20 = arith.constant 0 : index
    %swap3A_21 = vector.load %arg7[%swap3A, %swap3A_20] : memref<2000x8xf32, #tpu.memory_space<vmem>>, vector<2000x8xf32>
    tpu.vector_store %arg7[%swap3A, %swap3A_20], %dot_general3A_19 {strides = array<i32>} : memref<2000x8xf32, #tpu.memory_space<vmem>>, vector<2000x8xf32>,
    %get3A_22 = arith.constant 0 : index
    %get3A_23 = arith.constant 0 : index
    %get3A_24 = vector.load %arg6[%get3A_22, %get3A_23] : memref<64x8xf32, #tpu.memory_space<vmem>>, vector<64x8xf32>
    %dot_general3A_25 = arith.constant dense<0.000000e+00> : vector<2000x8xf32>
    %dot_general3A_26 = tpu.matmul %max3A_15, %get3A_24, %dot_general3A_25 {dimension_numbers = #tpu.dot_dimension_numbers<[1], [0], [0], [1], [0, 0, 1, 1], [], []>, transpose_lhs_hint = false} : vector<2000x64xf32>, vector<64x8xf32>, vector<2000x8xf32> -> vector<2000x8xf32>
    %swap3A_27 = arith.constant 0 : index
    %swap3A_28 = arith.constant 0 : index
    %swap3A_29 = vector.load %arg8[%swap3A_27, %swap3A_28] : memref<2000x8xf32, #tpu.memory_space<vmem>>, vector<2000x8xf32>
    tpu.vector_store %arg8[%swap3A_27, %swap3A_28], %dot_general3A_26 {strides = array<i32>} : memref<2000x8xf32, #tpu.memory_space<vmem>>, vector<2000x8xf32>,
    return
  }
  func.func @transform_0(%arg0: i32) -> (i32, i32) {
    %c0_i32 = arith.constant 0 : i32
    %c0_i32_0 = arith.constant 0 : i32
    return %arg0, %c0_i32 : i32, i32
  }
  func.func @transform_1(%arg0: i32) -> (i32, i32) {
    %c0_i32 = arith.constant 0 : i32
    %c0_i32_0 = arith.constant 0 : i32
    return %arg0, %c0_i32 : i32, i32
  }
  func.func @transform_2(%arg0: i32) -> (i32, i32) {
    %c0_i32 = arith.constant 0 : i32
    %c0_i32_0 = arith.constant 0 : i32
    return %arg0, %c0_i32 : i32, i32
  }
  func.func @transform_3(%arg0: i32) -> (i32, i32) {
    %c0_i32 = arith.constant 0 : i32
    %c0_i32_0 = arith.constant 0 : i32
    %c0_i32_1 = arith.constant 0 : i32
    return %c0_i32, %c0_i32_0 : i32, i32
  }
  func.func @transform_4(%arg0: i32) -> (i32, i32) {
    %c0_i32 = arith.constant 0 : i32
    %c0_i32_0 = arith.constant 0 : i32
    %c0_i32_1 = arith.constant 0 : i32
    return %c0_i32, %c0_i32_0 : i32, i32
  }
  func.func @transform_5(%arg0: i32) -> (i32, i32) {
    %c0_i32 = arith.constant 0 : i32
    %c0_i32_0 = arith.constant 0 : i32
    %c0_i32_1 = arith.constant 0 : i32
    return %c0_i32, %c0_i32_0 : i32, i32
  }
  func.func @transform_6(%arg0: i32) -> (i32, i32) {
    %c0_i32 = arith.constant 0 : i32
    %c0_i32_0 = arith.constant 0 : i32
    return %arg0, %c0_i32 : i32, i32
  }
  func.func @transform_7(%arg0: i32) -> (i32, i32) {
    %c0_i32 = arith.constant 0 : i32
    %c0_i32_0 = arith.constant 0 : i32
    return %arg0, %c0_i32 : i32, i32
  }
}

module attributes {stable_mosaic.version = 14 : i64} {
  func.func @tc4(%arg0: i32, %arg1: memref<2x2000x8xf32, #tpu.memory_space<vmem>>, %arg2: memref<2000x8xf32, #tpu.memory_space<vmem>>, %arg3: memref<2000x1xf32, #tpu.memory_space<vmem>>, %arg4: memref<1x2xf32, #tpu.memory_space<vmem>>, %arg5: memref<2000x2xf32, #tpu.memory_space<vmem>>) attributes {dimension_semantics = [#tpu.dimension_semantics<arbitrary>], iteration_bounds = array<i64: 25>, scalar_prefetch = 0 : i64, scratch_operands = 0 : i64, tpu.core_type = #tpu.core_type<tc>, window_params = [{transform_indices = @transform_0, window_bounds = array<i64: 2, 2000, 8>}, {transform_indices = @transform_1, window_bounds = array<i64: 2000, 8>}, {transform_indices = @transform_2, window_bounds = array<i64: 2000, 1>}, {pipeline_mode = #tpu.pipeline_mode<synchronous>, transform_indices = @transform_3, window_bounds = array<i64: 1, 2>}, {transform_indices = @transform_4, window_bounds = array<i64: 2000, 2>}]} {
    %get3A = arith.constant 0 : index
    %get3A_0 = arith.constant 0 : index
    %get3A_1 = arith.constant 0 : index
    %get3A_2 = vector.load %arg1[%get3A, %get3A_0, %get3A_1] : memref<2x2000x8xf32, #tpu.memory_space<vmem>>, vector<1x2000x8xf32>
    %get3A_3 = vector.shape_cast %get3A_2 : vector<1x2000x8xf32> to vector<2000x8xf32>
    %get3A_4 = arith.constant 1 : index
    %get3A_5 = arith.constant 0 : index
    %get3A_6 = arith.constant 0 : index
    %get3A_7 = vector.load %arg1[%get3A_4, %get3A_5, %get3A_6] : memref<2x2000x8xf32, #tpu.memory_space<vmem>>, vector<1x2000x8xf32>
    %get3A_8 = vector.shape_cast %get3A_7 : vector<1x2000x8xf32> to vector<2000x8xf32>
    %add3A = arith.addf %get3A_3, %get3A_8 : vector<2000x8xf32>
    %slice3A = vector.extract_strided_slice %add3A {offsets = [0, 0], sizes = [2000, 2], strides = [1, 1]} : vector<2000x8xf32> to vector<2000x2xf32>
    %get3A_9 = arith.constant 0 : index
    %get3A_10 = arith.constant 0 : index
    %get3A_11 = vector.load %arg3[%get3A_9, %get3A_10] : memref<2000x1xf32, #tpu.memory_space<vmem>>, vector<2000x1xf32>
    %mul3A = vector.broadcast %get3A_11 : vector<2000x1xf32> to vector<2000x2xf32>
    %mul3A_12 = arith.mulf %slice3A, %mul3A : vector<2000x2xf32>
    %get3A_13 = arith.constant 0 : index
    %get3A_14 = arith.constant 0 : index
    %get3A_15 = vector.load %arg4[%get3A_13, %get3A_14] : memref<1x2xf32, #tpu.memory_space<vmem>>, vector<1x2xf32>
    %add3A_16 = vector.broadcast %get3A_15 : vector<1x2xf32> to vector<2000x2xf32>
    %add3A_17 = arith.addf %mul3A_12, %add3A_16 : vector<2000x2xf32>
    %get3A_18 = arith.constant 0 : index
    %get3A_19 = arith.constant 0 : index
    %get3A_20 = vector.load %arg2[%get3A_18, %get3A_19] : memref<2000x8xf32, #tpu.memory_space<vmem>>, vector<2000x2xf32>
    %add3A_21 = arith.addf %add3A_17, %get3A_20 : vector<2000x2xf32>
    %reduce_max3A = arith.constant dense<0xFF800000> : vector<2000xf32>
    %reduce_max3A_22 = vector.multi_reduction <maximumf>, %add3A_21, %reduce_max3A [1] : vector<2000x2xf32> to vector<2000xf32>
    %broadcast_in_dim3A = vector.shape_cast %reduce_max3A_22 : vector<2000xf32> to vector<2000x1xf32>
    %sub3A = vector.broadcast %broadcast_in_dim3A : vector<2000x1xf32> to vector<2000x2xf32>
    %sub3A_23 = arith.subf %add3A_21, %sub3A : vector<2000x2xf32>
    %exp3A = math.exp %sub3A_23 : vector<2000x2xf32>
    %reduce_sum3A = arith.constant dense<0.000000e+00> : vector<2000xf32>
    %reduce_sum3A_24 = vector.multi_reduction <add>, %exp3A, %reduce_sum3A [1] : vector<2000x2xf32> to vector<2000xf32>
    %broadcast_in_dim3A_25 = vector.shape_cast %reduce_sum3A_24 : vector<2000xf32> to vector<2000x1xf32>
    %log3A = math.log %broadcast_in_dim3A_25 : vector<2000x1xf32>
    %add3A_26 = arith.addf %broadcast_in_dim3A, %log3A : vector<2000x1xf32>
    %sub3A_27 = vector.broadcast %add3A_26 : vector<2000x1xf32> to vector<2000x2xf32>
    %sub3A_28 = arith.subf %add3A_21, %sub3A_27 : vector<2000x2xf32>
    %swap3A = arith.constant 0 : index
    %swap3A_29 = arith.constant 0 : index
    %swap3A_30 = vector.load %arg5[%swap3A, %swap3A_29] : memref<2000x2xf32, #tpu.memory_space<vmem>>, vector<2000x2xf32>
    tpu.vector_store %arg5[%swap3A, %swap3A_29], %sub3A_28 {strides = array<i32>} : memref<2000x2xf32, #tpu.memory_space<vmem>>, vector<2000x2xf32>,
    return
  }
  func.func @transform_0(%arg0: i32) -> (i32, i32, i32) {
    %c0_i32 = arith.constant 0 : i32
    %c0_i32_0 = arith.constant 0 : i32
    %c0_i32_1 = arith.constant 0 : i32
    return %c0_i32, %arg0, %c0_i32_0 : i32, i32, i32
  }
  func.func @transform_1(%arg0: i32) -> (i32, i32) {
    %c0_i32 = arith.constant 0 : i32
    %c0_i32_0 = arith.constant 0 : i32
    return %arg0, %c0_i32 : i32, i32
  }
  func.func @transform_2(%arg0: i32) -> (i32, i32) {
    %c0_i32 = arith.constant 0 : i32
    %c0_i32_0 = arith.constant 0 : i32
    return %arg0, %c0_i32 : i32, i32
  }
  func.func @transform_3(%arg0: i32) -> (i32, i32) {
    %c0_i32 = arith.constant 0 : i32
    %c0_i32_0 = arith.constant 0 : i32
    %c0_i32_1 = arith.constant 0 : i32
    return %c0_i32, %c0_i32_0 : i32, i32
  }
  func.func @transform_4(%arg0: i32) -> (i32, i32) {
    %c0_i32 = arith.constant 0 : i32
    %c0_i32_0 = arith.constant 0 : i32
    return %arg0, %c0_i32 : i32, i32
  }
}

</mosaic_0001>

<sc_bundles>
// kernel: kernel.10.cloned.1.call-start
scs
__scs_entry_jumppad:
0x0: {  	(pc) =	sbr.rel $0x88, $3  }
0x1: {  	(tag) =	ssettag $0x0;
	lr =	simm.s32 $0x1  }
0x2: {  	[smem:$0x3F93] =	sst lr;
	_ =	strace $0xD0000000  }
0x3: {  	_ = 	snop  }
0x4: {  	_ = 	snop  }
0x5: {  	_ = 	snop  }
0x6: {  	_ = 	snop  }
0x7: {  	_ = 	snop  }
__scs_overlays_trampoline_lowered:
0x8: {  	[smem:$0x3FA2] =	sst s0  }
0x9: {  	[smem:$0x3FA3] =	sst s1  }
0xa: {  	[smem:$0x3FA4] =	sst s2  }
0xb: {  	[smem:$0x3FA5] =	sst s3  }
0xc: {  	[smem:$0x3FA6] =	sst s4  }
0xd: {  	[smem:$0x3FA7] =	sst s5  }
0xe: {  	[smem:$0x3FA8] =	sst s6  }
0xf: {  	[smem:$0x3FA9] =	sst s7  }
0x10: {  	[smem:$0x3FAA] =	sst s8  }
0x11: {  	[smem:$0x3FAB] =	sst s9;
	s0 =	simm.s32 @!p0 $0x0  }
0x12: {  	s1 =	sld [smem:$0x3F91];
	s0 =	simm.s32 @p0 $0x1  }
0x13: {  	[smem:$0x3FAC] =	sst s0;
	s0 =	simm.s32 @!p1 $0x0  }
0x14: {  	s2 =	sld [smem:$0x3F90];
	s0 =	simm.s32 @p1 $0x1  }
0x15: {  	[smem:$0x3FAD] =	sst s0;
	s0 =	simm.s32 @!p2 $0x0  }
0x16: {  	s3 =	sld [smem:$0x3FDB];
	s0 =	simm.s32 @p2 $0x1  }
0x17: {  	s4 =	simm.s32 $0x1BF5;
	[smem:$0x3FAF] =	sst s0  }
0x18: {  	s0 =	sld [smem:$0x3F92];
	_ =	swait.ge [sflag:s4], $0x0  }
0x19: {  	s7 =	sld [smem:$0x3F93]  }
0x1a: {  	s8 =	sadd.s32 $0xFFFFE003, lr  }
0x1b: {  	s9 =	sadd.s32 $0xFFFFFEF7, lr;
	s5 =	simm.s32 $0xFFFFFFFF;
	p2 =	slt.u32 s8, $0xFFFFF086  }
0x1c: {  	p1 =	slt.u32 s9, $0xF7A;
	s5 =	simm.s32 @!p2 $0x0  }
0x1d: {  	s5 =	simm.s32 @p1 $0x1;
	p0 =	seq.s32 s7, s2  }
0x1e: {  	s7 =	smul.u32 @!p0 $0xF7A, s2;
	p2 =	seq.s32 @!p0 s5, $0x0  }
0x1f: {  	s9 =	smul.u32 $0xF7A, s1;
	s8 =	simm.s32 @!p0 $0x1BF5;
	p2 =	por !p2, p0  }
0x20: {  	[sflag:s8] =	ssyncset.s32 @!p0 $0xFFFFF086;
	s6 =	sadd.s32 @!p0 s3, s7;
	s7 =	simm.s32 @!p0 $0x108  }
0x21: {  	s3 =	sadd.s32 s3, s9;
	s6 =	sadd.s32 @!p0 $0x88, s6;
	s7 =	simm.s32 @p2 $0x1082  }
0x22: {  	[simem:s7], [sflag:s8] =	dma.local @!p0 [hbm:s6], $0xF7A  }
0x23: {  	s9 =	sor.u32 $0xD0000000, s2;
	s6 =	simm.s32 $0x108;
	_ =	swait.ge @!p0 [sflag:s8], $0x0  }
0x24: {  	s3 =	sadd.s32 $0x88, s3;
	s6 =	simm.s32 @!p1 $0x1082;
	[sflag:s4] =	ssyncset.s32 $0xFFFFF086  }
0x25: {  	[simem:s6], [sflag:s4] =	dma.local [hbm:s3], $0xF7A  }
0x26: {  	[smem:$0x3F93] =	sst s1;
	(tag) =	ssettag s2;
	_ =	strace s9  }
0x27: {  	s1 =	sld [smem:$0x3FA3]  }
0x28: {  	s2 =	sld [smem:$0x3FA4]  }
0x29: {  	s4 =	sld [smem:$0x3FA6]  }
0x2a: {  	p0 =	seq.s32 s5, $0x0;
	s5 =	sld [smem:$0x3FA7]  }
0x2b: {  	s6 =	sld [smem:$0x3FA8]  }
0x2c: {  	s7 =	sld [smem:$0x3FA9]  }
0x2d: {  	s3 =	simm.s32 $0x108;
	s8 =	sld [smem:$0x3FAA]  }
0x2e: {  	s3 =	simm.s32 @!p0 $0x1082;
	s9 =	sld [smem:$0x3FAB]  }
0x2f: {  	lr =	sadd.s32 s0, s3;
	s0 =	sld [smem:$0x3FA2]  }
0x30: {  	s3 =	sld [smem:$0x3FA5]  }
0x31: {  	[smem:$0x3FAE] =	sst s10  }
0x32: {  	s10 =	sld [smem:$0x3FAC];
	_ =	sdelay $0x3  }
0x33: {  	p0 =	seq.s32 s10, $0x1;
	s10 =	sld [smem:$0x3FAE];
	_ =	sdelay $0x3  }
0x34: {  	[smem:$0x3FAE] =	sst s10  }
0x35: {  	s10 =	sld [smem:$0x3FAD];
	_ =	sdelay $0x3  }
0x36: {  	p1 =	seq.s32 s10, $0x1;
	s10 =	sld [smem:$0x3FAE];
	_ =	sdelay $0x3  }
0x37: {  	[smem:$0x3FAE] =	sst s10  }
0x38: {  	s10 =	sld [smem:$0x3FAF]  }
0x39: {  	_ = 	snop;
	(pc) =	sbr.ind lr, $3  }
0x3a: {  	_ = 	snop  }
0x3b: {  	_ = 	snop  }
0x3c: {  	p2 =	seq.s32 s10, $0x1;
	s10 =	sld [smem:$0x3FAE]  }
0x3d: {  	_ =	shalt  }
0x3e: {  	_ =	shalt  }
0x3f: {  	_ =	shalt  }
0x40: {  	_ =	shalt  }
0x41: {  	_ =	shalt  }
0x42: {  	_ =	shalt  }
0x43: {  	_ =	shalt  }
0x44: {  	_ =	shalt  }
0x45: {  	_ =	shalt  }
0x46: {  	_ =	shalt  }
0x47: {  	_ =	shalt  }
0x48: {  	_ =	shalt  }
0x49: {  	_ =	shalt  }
0x4a: {  	_ =	shalt  }
0x4b: {  	_ =	shalt  }
0x4c: {  	_ =	shalt  }
0x4d: {  	_ =	shalt  }
0x4e: {  	_ =	shalt  }
0x4f: {  	_ =	shalt  }
0x50: {  	_ =	shalt  }
0x51: {  	_ =	shalt  }
0x52: {  	_ =	shalt  }
0x53: {  	_ =	shalt  }
0x54: {  	_ =	shalt  }
0x55: {  	_ =	shalt  }
0x56: {  	_ =	shalt  }
0x57: {  	_ =	shalt  }
0x58: {  	_ =	shalt  }
0x59: {  	_ =	shalt  }
0x5a: {  	_ =	shalt  }
0x5b: {  	_ =	shalt  }
0x5c: {  	_ =	shalt  }
0x5d: {  	_ =	shalt  }
0x5e: {  	_ =	shalt  }
0x5f: {  	_ =	shalt  }
0x60: {  	_ =	shalt  }
0x61: {  	_ =	shalt  }
0x62: {  	_ =	shalt  }
0x63: {  	_ =	shalt  }
0x64: {  	_ =	shalt  }
0x65: {  	_ =	shalt  }
0x66: {  	_ =	shalt  }
0x67: {  	_ =	shalt  }
0x68: {  	_ =	shalt  }
0x69: {  	_ =	shalt  }
0x6a: {  	_ =	shalt  }
0x6b: {  	_ =	shalt  }
0x6c: {  	_ =	shalt  }
0x6d: {  	_ =	shalt  }
0x6e: {  	_ =	shalt  }
0x6f: {  	_ =	shalt  }
0x70: {  	_ =	shalt  }
0x71: {  	_ =	shalt  }
0x72: {  	_ =	shalt  }
0x73: {  	_ =	shalt  }
0x74: {  	_ =	shalt  }
0x75: {  	_ =	shalt  }
0x76: {  	_ =	shalt  }
0x77: {  	_ =	shalt  }
0x78: {  	_ =	shalt  }
0x79: {  	_ =	shalt  }
0x7a: {  	_ =	shalt  }
0x7b: {  	_ =	shalt  }
0x7c: {  	_ =	shalt  }
0x7d: {  	_ =	shalt  }
0x7e: {  	_ =	shalt  }
0x7f: {  	_ =	shalt  }
0x80: {  	_ =	shalt  }
0x81: {  	_ =	shalt  }
0x82: {  	_ =	shalt  }
0x83: {  	_ =	shalt  }
0x84: {  	_ =	shalt  }
0x85: {  	_ =	shalt  }
0x86: {  	_ =	shalt  }
0x87: {  	_ =	shalt  }
.Lfunc_end0:
.L_simem_size_0:
called_computation_lowered:
.L_overlay_start_0:
0x88: {  	s2 =	sld [smem:$0x3FD9]  }
0x89: {  	s3 =	sld [smem:$0x3FFE];
	_ =	sdelay $0x1  }
0x8a: {  	s1 =	srdreg.scid  }
0x8b: {  	s0 =	sand.u32 $0x1, s1  }
0x8c: {  	s16 =	sshll.u32 s0, $0xA;
	s2 =	sadd.s32 s3, s2  }
0x8d: {  	s2 =	sadd.s32 s2, s16  }
0x8e: {  	[smem:$0x3FBA] =	sst s2  }
0x8f: {  	_ = 	snop  }
0x90: {  	(tm) =	ssettm $0x1  }
0x91: {  	s17 =	sld [smem:$0x3FFB];
	_ =	sdelay $0x3  }
0x92: {  	_ =	strace s17  }
0x93: {  	s2 =	sld [smem:$0x3FFC];
	_ =	sdelay $0x3  }
0x94: {  	_ =	strace s2  }
0x95: {  	s2 =	sld [smem:$0x3FFD];
	_ =	sdelay $0x3  }
0x96: {  	_ =	strace s2  }
0x97: {  	_ =	strace $0x8FFFFFFF  }
0x98: {  	s18 =	sld [smem:$0x3FDB];
	_ =	sdelay $0x1  }
0x99: {  	s19 =	simm.s32 $_scs_section_size  }
0x9a: {  	s4 =	simm.s32 $_size__tile_overlayer_lowered;
	s5 =	simm.s32 $_tile_overlayer_lowered  }
0x9b: {  	s22 =	simm.s32 $0x1BFF;
	s21 =	sshll.u32 s5, $0x1;
	s2 =	sadd.s32 s19, s18  }
0x9c: {  	s6 =	simm.s32 $0x0;
	s20 =	sshll.u32 s4, $0x1;
	s4 =	sadd.s32 s21, s2  }
0x9d: {  	[timem:s6], [sflag:s22] =	dma.local [hbm:s4], s20  }
0x9e: {  	_ =	swait.ge [sflag:s22], s20  }
0x9f: {  	s3 =	ssub.s32 $0x0, s20;
	[sflag:s22] =	ssyncset.done $0x0  }
0xa0: {  	[sflag:s22] =	ssyncadd.s32 s3;
	_ =	sdelay $0x1  }
0xa1: {  	s23 =	simm.s32 $0x1B8B  }
0xa2: {  	_ =	swait.ge [sflag:s23], $0x1  }
0xa3: {  	[sflag:s23] =	ssyncset.done $0x0  }
0xa4: {  	s25 =	simm.s32 $0x1B8E;
	s24 =	sld [smem:$0x3FFE];
	[sflag:s23] =	ssyncadd.s32 $0xFFFFFFFF  }
0xa5: {  	s26 =	simm.s32 $execute0_lowered;
	[smem:$0x3FD2] =	sst s25  }
0xa6: {  	s4 =	sshll.u32 s26, $0x1;
	_ =	strace $0x80000046;
	[dreg:$0x1] =	wrdreg $0xFFFFFFFF  }
0xa7: {  	s28 =	simm.s32 $_size_execute0_lowered;
	s2 =	sadd.s32 s2, s4;
	[dreg:$0x0] =	wrdreg $0x0  }
0xa8: {  	s4 =	sshll.u32 s28, $0x1;
	[dreg:$0x2] =	wrdreg s2  }
0xa9: {  	[dreg:$0x3] =	wrdreg s4  }
0xaa: {  	[dreg:$0x4] =	wrdreg $0xC0  }
0xab: {  	_ =	task [dreg:s6], $0x5FFFF  }
0xac: {  	[dreg:$0x1] =	wrdreg $0xFFFFFFFF  }
0xad: {  	[dreg:$0x0] =	wrdreg $0x60  }
0xae: {  	[dreg:$0x2] =	wrdreg s24  }
0xaf: {  	[dreg:$0x3] =	wrdreg $0x186A00  }
0xb0: {  	[dreg:$0x4] =	wrdreg $0x9  }
0xb1: {  	_ =	task.clear_ibuf [dreg:s6], $0x5FFFF;
	_ =	strace $0x90000046  }
0xb2: {  	s29 =	simm.s32 $0x9;
	_ =	strace $0x80000048  }
0xb3: {  	_ =	swait.ge [sflag:s29], $0x1  }
0xb4: {  	[sflag:s29] =	ssyncadd.s32 $0xFFFFFFFF  }
0xb5: {  	_ =	strace $0x90000048  }
0xb6: {  	_ =	sfence  }
0xb7: {  	s30 =	sld [smem:$0x0];
	_ =	sdelay $0x2  }
0xb8: {  	s31 =	sshll.u32 s1, $0xD;
	s1 =	sshrl.u32 s1, $0x2  }
0xb9: {  	s3 =	sand.u32 $0x4000, s31;
	s1 =	sadd.s32 s1, s30  }
0xba: {  	s0 =	sor.u32 s3, s0;
	s1 =	sshll.u32 s1, $0x11  }
0xbb: {  	s0 =	sor.u32 s1, s0  }
0xbc: {  	s0 =	sadd.s32 $0x8F2B, s0  }
0xbd: {  	[sflag:s0] =	ssyncadd.remote.s32 $0x1  }
0xbe: {  	_ =	sfence.sel $0xFFFF  }
0xbf: {  	[dreg:$0x0] =	wrdreg $0xFFFFFFFF;
	(pc) =	sbr.abs _section_cstart, $3  }
0xc0: {  	[dreg:$0x1] =	wrdreg $0xFFFFFFFF  }
0xc1: {  	_ =	task.clear_ibuf [dreg:s6], $0x2FFFF;
	_ =	strace $0x9FFFFFFF  }
0xc2: {  	(tm) =	ssettm $0x7FFFFFFF  }
0xc3: {  	_ =	shalt  }
tec
execute0_lowered:
.L_overlay_start_1:
0x0: {  	(tag) =	ssettag $0x1  }
0x1: {  	s29 =	rddreg [dreg:$0x0]  }
0x2: {  	s2 =	rddreg [dreg:$0x1]  }
0x3: {  	s3 =	simm.s32 $0x0;
	s1 =	stileid.u32;
	s0 =	srdreg.scid  }
0x4: {  	[smem:$0x7FF] =	sst s3;
	s30 =	smul.u32 $0x61C0, s1;
	s4 =	sadd.s32 $0x103000, s29  }
0x5: {  	s31 =	sand.u32 $0x1, s0;
	s25 =	sshll.u32 s1, $0x6;
	s26 =	sshll.u32 s1, $0x1  }
0x6: {  	_ =	strace $0x80000047;
	s5 =	sor.u32 $0x1C05, s25;
	s6 =	sadd.s32 s30, s2  }
0x7: {  	s0 =	sor.u32 s31, s26;
	s7 =	sshrl.u32 s6, $0x3;
	s6 =	simm.s32 $0x5  }
0x8: {  	[spmem:s7], [sflag:s5] =	dma.local [hbm:s4], $0xC38  }
0x9: {  	s24 =	smul.u32 $0x61A8, s0;
	_ =	swait.ge [sflag:s6], $0xC38  }
0xa: {  	[sflag:s6] =	ssyncset.done $0x0  }
0xb: {  	s26 =	sadd.s32 $0x1AE00, s29;
	s28 =	sshrl.u32 s24, $0x3;
	[sflag:s6] =	ssyncadd.s32 $0xFFFFF3C8  }
0xc: {  	s8 =	sadd.s32 s26, s28;
	[bflag:$0x0] =	sbarrier.arrive $0xFFFF  }
0xd: {  	[tilespmem:s3], [sflag:$0x5] =	stream.linear.gather [hbm4b:s8+s3], $0x1388, $0x38;
	[tilespmem:$0x1E860] =	vst v63  }
0xe: {  	_ =	swait.ge [sflag:s6], $0x1388  }
0xf: {  	s0 =	sadd.s32 $0x2600, s29;
	[sflag:s6] =	ssyncset.done $0x0  }
0x10: {  	s10 =	simm.s32 $0x1388;
	s9 =	sadd.s32 s0, s28;
	[sflag:s6] =	ssyncadd.s32 $0xFFFFEC78  }
0x11: {  	[tilespmem:s10], [sflag:$0x5] =	stream.linear.gather [hbm4b:s9+s3], $0x1388, $0x38;
	[tilespmem:$0x1E860] =	vst v63  }
0x12: {  	_ =	swait.ge [sflag:s6], $0x1388  }
0x13: {  	s11 =	sadd.s32 $0xF6C00, s29;
	s12 =	sadd.s32 $0x1388, s24;
	[sflag:s6] =	ssyncset.done $0x0  }
0x14: {  	s15 =	sshrl.u32 s12, $0x3;
	s12 =	simm.s32 $0x2710;
	[sflag:s6] =	ssyncadd.s32 $0xFFFFEC78  }
0x15: {  	[tilespmem:s12], [sflag:$0x1] =	stream.indirect.gather [hbm4b:s11+s10], $0x8, s3, s10, $0xb8;
	[tilespmem:$0x1E860] =	vst v63  }
0x16: {  	s14 =	simm.s32 $0xC350;
	s13 =	sadd.s32 s26, s15  }
0x17: {  	[tilespmem:s14], [sflag:$0x4] =	stream.linear.gather [hbm4b:s13+s3], $0x1388, $0x38;
	[tilespmem:$0x1E860] =	vst v63  }
0x18: {  	s16 =	simm.s32 $0xD6D8;
	s17 =	simm.s32 $0x4;
	s15 =	sadd.s32 s0, s15  }
0x19: {  	[tilespmem:s16], [sflag:$0x4] =	stream.linear.gather [hbm4b:s15+s3], $0x1388, $0x38;
	[tilespmem:$0x1E860] =	vst v63  }
0x1a: {  	_ =	swait.ge [sflag:s17], $0x1388  }
0x1b: {  	[sflag:s17] =	ssyncset.done $0x0  }
0x1c: {  	[sflag:s17] =	ssyncadd.s32 $0xFFFFEC78  }
0x1d: {  	_ =	swait.ge [sflag:s17], $0x1388  }
0x1e: {  	[sflag:s17] =	ssyncset.done $0x0  }
0x1f: {  	s18 =	simm.s32 $0x1;
	[sflag:s17] =	ssyncadd.s32 $0xFFFFEC78  }
0x20: {  	_ =	swait.ge [sflag:s18], $0x9C40  }
0x21: {  	[sflag:s18] =	ssyncset.done $0x0  }
0x22: {  	s19 =	simm.s32 $0xEA60;
	[sflag:s18] =	ssyncadd.s32 $0xFFFF63C0  }
0x23: {  	[tilespmem:s19], [sflag:$0x2] =	stream.indirect.gather [hbm4b:s11+s10], $0x8, s14, s10, $0xb8;
	[tilespmem:$0x1E860] =	vst v63  }
0x24: {  	_ = 	snop  }
0x25: {  	[spmem:s2] =	stream.indirect.scatter.add.f32 [tilespmem:s12], [sflag:$0x5], $0x8, s10, s10, $0xb8;
	[tilespmem:$0x1E860] =	vst v63  }
0x26: {  	_ =	swait.ge [sflag:s6], $0x9C40  }
0x27: {  	s21 =	sadd.s32 $0x4E2, s28;
	[sflag:s6] =	ssyncset.done $0x0  }
0x28: {  	s20 =	sadd.s32 s26, s21;
	[sflag:s6] =	ssyncadd.s32 $0xFFFF63C0  }
0x29: {  	[tilespmem:s3], [sflag:$0x3] =	stream.linear.gather [hbm4b:s20+s3], $0x1388, $0x38;
	[tilespmem:$0x1E860] =	vst v63  }
0x2a: {  	s22 =	simm.s32 $0x3;
	s21 =	sadd.s32 s0, s21  }
0x2b: {  	[tilespmem:s10], [sflag:$0x3] =	stream.linear.gather [hbm4b:s21+s3], $0x1388, $0x38;
	[tilespmem:$0x1E860] =	vst v63  }
0x2c: {  	_ =	swait.ge [sflag:s22], $0x1388  }
0x2d: {  	[sflag:s22] =	ssyncset.done $0x0  }
0x2e: {  	[sflag:s22] =	ssyncadd.s32 $0xFFFFEC78  }
0x2f: {  	_ =	swait.ge [sflag:s22], $0x1388  }
0x30: {  	[sflag:s22] =	ssyncset.done $0x0  }
0x31: {  	s23 =	simm.s32 $0x2;
	[sflag:s22] =	ssyncadd.s32 $0xFFFFEC78  }
0x32: {  	_ =	swait.ge [sflag:s23], $0x9C40  }
0x33: {  	[sflag:s23] =	ssyncset.done $0x0  }
0x34: {  	[sflag:s23] =	ssyncadd.s32 $0xFFFF63C0  }
0x35: {  	[tilespmem:s12], [sflag:$0x1] =	stream.indirect.gather [hbm4b:s11+s10], $0x8, s3, s10, $0xb8;
	[tilespmem:$0x1E860] =	vst v63  }
0x36: {  	_ = 	snop  }
0x37: {  	[spmem:s2] =	stream.indirect.scatter.add.f32 [tilespmem:s19], [sflag:$0x5], $0x8, s16, s10, $0xb8;
	[tilespmem:$0x1E860] =	vst v63  }
0x38: {  	s24 =	sadd.s32 $0x3A98, s24;
	_ =	swait.ge [sflag:s6], $0x9C40  }
0x39: {  	s25 =	sshrl.u32 s24, $0x3;
	[sflag:s6] =	ssyncset.done $0x0  }
0x3a: {  	s24 =	sadd.s32 s26, s25;
	[sflag:s6] =	ssyncadd.s32 $0xFFFF63C0  }
0x3b: {  	[tilespmem:s14], [sflag:$0x4] =	stream.linear.gather [hbm4b:s24+s3], $0x1388, $0x38;
	[tilespmem:$0x1E860] =	vst v63  }
0x3c: {  	s25 =	sadd.s32 s0, s25  }
0x3d: {  	[tilespmem:s16], [sflag:$0x4] =	stream.linear.gather [hbm4b:s25+s3], $0x1388, $0x38;
	[tilespmem:$0x1E860] =	vst v63  }
0x3e: {  	_ =	swait.ge [sflag:s17], $0x1388  }
0x3f: {  	[sflag:s17] =	ssyncset.done $0x0  }
0x40: {  	[sflag:s17] =	ssyncadd.s32 $0xFFFFEC78  }
0x41: {  	_ =	swait.ge [sflag:s17], $0x1388  }
0x42: {  	[sflag:s17] =	ssyncset.done $0x0  }
0x43: {  	[sflag:s17] =	ssyncadd.s32 $0xFFFFEC78  }
0x44: {  	_ =	swait.ge [sflag:s18], $0x9C40  }
0x45: {  	[sflag:s18] =	ssyncset.done $0x0  }
0x46: {  	[sflag:s18] =	ssyncadd.s32 $0xFFFF63C0  }
0x47: {  	[tilespmem:s19], [sflag:$0x2] =	stream.indirect.gather [hbm4b:s11+s10], $0x8, s14, s10, $0xb8;
	[tilespmem:$0x1E860] =	vst v63  }
0x48: {  	_ = 	snop  }
0x49: {  	[spmem:s2] =	stream.indirect.scatter.add.f32 [tilespmem:s12], [sflag:$0x5], $0x8, s10, s10, $0xb8;
	[tilespmem:$0x1E860] =	vst v63  }
0x4a: {  	_ =	swait.ge [sflag:s6], $0x9C40  }
0x4b: {  	s28 =	sadd.s32 $0x9C4, s28;
	[sflag:s6] =	ssyncset.done $0x0  }
0x4c: {  	s26 =	sadd.s32 s26, s28;
	[sflag:s6] =	ssyncadd.s32 $0xFFFF63C0  }
0x4d: {  	[tilespmem:s3], [sflag:$0x3] =	stream.linear.gather [hbm4b:s26+s3], $0x1388, $0x38;
	[tilespmem:$0x1E860] =	vst v63  }
0x4e: {  	s28 =	sadd.s32 s0, s28  }
0x4f: {  	[tilespmem:s10], [sflag:$0x3] =	stream.linear.gather [hbm4b:s28+s3], $0x1388, $0x38;
	[tilespmem:$0x1E860] =	vst v63  }
0x50: {  	_ =	swait.ge [sflag:s22], $0x1388  }
0x51: {  	[sflag:s22] =	ssyncset.done $0x0  }
0x52: {  	[sflag:s22] =	ssyncadd.s32 $0xFFFFEC78  }
0x53: {  	_ =	swait.ge [sflag:s22], $0x1388  }
0x54: {  	[sflag:s22] =	ssyncset.done $0x0  }
0x55: {  	[sflag:s22] =	ssyncadd.s32 $0xFFFFEC78  }
0x56: {  	_ =	swait.ge [sflag:s23], $0x9C40  }
0x57: {  	[sflag:s23] =	ssyncset.done $0x0  }
0x58: {  	[sflag:s23] =	ssyncadd.s32 $0xFFFF63C0  }
0x59: {  	[tilespmem:s12], [sflag:$0x1] =	stream.indirect.gather [hbm4b:s11+s10], $0x8, s3, s10, $0xb8;
	[tilespmem:$0x1E860] =	vst v63  }
0x5a: {  	_ = 	snop  }
0x5b: {  	[spmem:s2] =	stream.indirect.scatter.add.f32 [tilespmem:s19], [sflag:$0x5], $0x8, s16, s10, $0xb8;
	[tilespmem:$0x1E860] =	vst v63  }
0x5c: {  	_ =	swait.ge [sflag:s6], $0x9C40  }
0x5d: {  	s0 =	smul.u32 $0x61C00, s31;
	[sflag:s6] =	ssyncset.done $0x0  }
0x5e: {  	[sflag:s6] =	ssyncadd.s32 $0xFFFF63C0  }
0x5f: {  	s0 =	sadd.s32 s30, s0;
	s30 =	ssub.s32 $0x2, s31;
	_ =	swait.ge [sflag:s18], $0x9C40  }
0x60: {  	s31 =	sshrl.u32 s30, $0x1;
	[sflag:s18] =	ssyncset.done $0x0  }
0x61: {  	s30 =	ssub.s32 s30, s31;
	[sflag:s18] =	ssyncadd.s32 $0xFFFF63C0  }
0x62: {  	[spmem:s2] =	stream.indirect.scatter.add.f32 [tilespmem:s12], [sflag:$0x5], $0x8, s10, s10, $0xb8;
	[tilespmem:$0x1E860] =	vst v63  }
0x63: {  	s31 =	smax.u32 s30, $0x1;
	_ =	swait.ge [sflag:s6], $0x9C40  }
0x64: {  	s0 =	sshrl.u32 s0, $0x3;
	p0 =	sne.s32 s31, $0x1;
	[sflag:s6] =	ssyncset.done $0x0  }
.Ltmp0:
0x65: {  	s0 =	sadd.s32 s0, s29;
	[sflag:s6] =	ssyncadd.s32 $0xFFFF63C0;
	(pc) =	sbr.rel @!p0 .LBB2_2-.Ltmp0, $4  }
0x66: {  	s29 =	sadd.s32 $0x103E00, s0;
	[bflag:$0x0] =	sbarrier.arrive $0xFFFF  }
0x67: {  	[hbm:s29], [sflag:s5] =	dma.local [spmem:s7], $0xC38  }
0x68: {  	_ =	swait.ge [sflag:s6], $0xC38  }
0x69: {  	s30 =	sadd.s32 $0xFFFFFFFF, s31;
	[sflag:s6] =	ssyncset.done $0x0  }
.LBB2_1:
0x6a: {  	p0 =	sne.s32 s30, $0x1;
	s30 =	sadd.s32 $0xFFFFFFFF, s30;
	[sflag:s6] =	ssyncadd.s32 $0xFFFFF3C8  }
0x6b: {  	[spmem:s7], [sflag:s5] =	dma.local [hbm:s4], $0xC38  }
0x6c: {  	_ =	swait.ge [sflag:s6], $0xC38  }
0x6d: {  	[sflag:s6] =	ssyncset.done $0x0  }
0x6e: {  	[sflag:s6] =	ssyncadd.s32 $0xFFFFF3C8  }
0x6f: {  	[bflag:$0x0] =	sbarrier.arrive $0xFFFF  }
0x70: {  	[tilespmem:s3], [sflag:$0x5] =	stream.linear.gather [hbm4b:s8+s3], $0x1388, $0x38;
	[tilespmem:$0x1E860] =	vst v63  }
0x71: {  	_ =	swait.ge [sflag:s6], $0x1388  }
0x72: {  	[sflag:s6] =	ssyncset.done $0x0  }
0x73: {  	[sflag:s6] =	ssyncadd.s32 $0xFFFFEC78  }
0x74: {  	[tilespmem:s10], [sflag:$0x5] =	stream.linear.gather [hbm4b:s9+s3], $0x1388, $0x38;
	[tilespmem:$0x1E860] =	vst v63  }
0x75: {  	_ =	swait.ge [sflag:s6], $0x1388  }
0x76: {  	[sflag:s6] =	ssyncset.done $0x0  }
0x77: {  	[sflag:s6] =	ssyncadd.s32 $0xFFFFEC78  }
0x78: {  	[tilespmem:s12], [sflag:$0x1] =	stream.indirect.gather [hbm4b:s11+s10], $0x8, s3, s10, $0xb8;
	[tilespmem:$0x1E860] =	vst v63  }
0x79: {  	_ = 	snop  }
0x7a: {  	[tilespmem:s14], [sflag:$0x4] =	stream.linear.gather [hbm4b:s13+s3], $0x1388, $0x38;
	[tilespmem:$0x1E860] =	vst v63  }
0x7b: {  	_ = 	snop  }
0x7c: {  	[tilespmem:s16], [sflag:$0x4] =	stream.linear.gather [hbm4b:s15+s3], $0x1388, $0x38;
	[tilespmem:$0x1E860] =	vst v63  }
0x7d: {  	_ =	swait.ge [sflag:s17], $0x1388  }
0x7e: {  	[sflag:s17] =	ssyncset.done $0x0  }
0x7f: {  	[sflag:s17] =	ssyncadd.s32 $0xFFFFEC78  }
0x80: {  	_ =	swait.ge [sflag:s17], $0x1388  }
0x81: {  	[sflag:s17] =	ssyncset.done $0x0  }
0x82: {  	[sflag:s17] =	ssyncadd.s32 $0xFFFFEC78  }
0x83: {  	_ =	swait.ge [sflag:s18], $0x9C40  }
0x84: {  	[sflag:s18] =	ssyncset.done $0x0  }
0x85: {  	[sflag:s18] =	ssyncadd.s32 $0xFFFF63C0  }
0x86: {  	[tilespmem:s19], [sflag:$0x2] =	stream.indirect.gather [hbm4b:s11+s10], $0x8, s14, s10, $0xb8;
	[tilespmem:$0x1E860] =	vst v63  }
0x87: {  	_ = 	snop  }
0x88: {  	[spmem:s2] =	stream.indirect.scatter.add.f32 [tilespmem:s12], [sflag:$0x5], $0x8, s10, s10, $0xb8;
	[tilespmem:$0x1E860] =	vst v63  }
0x89: {  	_ =	swait.ge [sflag:s6], $0x9C40  }
0x8a: {  	[sflag:s6] =	ssyncset.done $0x0  }
0x8b: {  	[sflag:s6] =	ssyncadd.s32 $0xFFFF63C0  }
0x8c: {  	[tilespmem:s3], [sflag:$0x3] =	stream.linear.gather [hbm4b:s20+s3], $0x1388, $0x38;
	[tilespmem:$0x1E860] =	vst v63  }
0x8d: {  	_ = 	snop  }
0x8e: {  	[tilespmem:s10], [sflag:$0x3] =	stream.linear.gather [hbm4b:s21+s3], $0x1388, $0x38;
	[tilespmem:$0x1E860] =	vst v63  }
0x8f: {  	_ =	swait.ge [sflag:s22], $0x1388  }
0x90: {  	[sflag:s22] =	ssyncset.done $0x0  }
0x91: {  	[sflag:s22] =	ssyncadd.s32 $0xFFFFEC78  }
0x92: {  	_ =	swait.ge [sflag:s22], $0x1388  }
0x93: {  	[sflag:s22] =	ssyncset.done $0x0  }
0x94: {  	[sflag:s22] =	ssyncadd.s32 $0xFFFFEC78  }
0x95: {  	_ =	swait.ge [sflag:s23], $0x9C40  }
0x96: {  	[sflag:s23] =	ssyncset.done $0x0  }
0x97: {  	[sflag:s23] =	ssyncadd.s32 $0xFFFF63C0  }
0x98: {  	[tilespmem:s12], [sflag:$0x1] =	stream.indirect.gather [hbm4b:s11+s10], $0x8, s3, s10, $0xb8;
	[tilespmem:$0x1E860] =	vst v63  }
0x99: {  	_ = 	snop  }
0x9a: {  	[spmem:s2] =	stream.indirect.scatter.add.f32 [tilespmem:s19], [sflag:$0x5], $0x8, s16, s10, $0xb8;
	[tilespmem:$0x1E860] =	vst v63  }
0x9b: {  	_ =	swait.ge [sflag:s6], $0x9C40  }
0x9c: {  	[sflag:s6] =	ssyncset.done $0x0  }
0x9d: {  	[sflag:s6] =	ssyncadd.s32 $0xFFFF63C0  }
0x9e: {  	[tilespmem:s14], [sflag:$0x4] =	stream.linear.gather [hbm4b:s24+s3], $0x1388, $0x38;
	[tilespmem:$0x1E860] =	vst v63  }
0x9f: {  	_ = 	snop  }
0xa0: {  	[tilespmem:s16], [sflag:$0x4] =	stream.linear.gather [hbm4b:s25+s3], $0x1388, $0x38;
	[tilespmem:$0x1E860] =	vst v63  }
0xa1: {  	_ =	swait.ge [sflag:s17], $0x1388  }
0xa2: {  	[sflag:s17] =	ssyncset.done $0x0  }
0xa3: {  	[sflag:s17] =	ssyncadd.s32 $0xFFFFEC78  }
0xa4: {  	_ =	swait.ge [sflag:s17], $0x1388  }
0xa5: {  	[sflag:s17] =	ssyncset.done $0x0  }
0xa6: {  	[sflag:s17] =	ssyncadd.s32 $0xFFFFEC78  }
0xa7: {  	_ =	swait.ge [sflag:s18], $0x9C40  }
0xa8: {  	[sflag:s18] =	ssyncset.done $0x0  }
0xa9: {  	[sflag:s18] =	ssyncadd.s32 $0xFFFF63C0  }
0xaa: {  	[tilespmem:s19], [sflag:$0x2] =	stream.indirect.gather [hbm4b:s11+s10], $0x8, s14, s10, $0xb8;
	[tilespmem:$0x1E860] =	vst v63  }
0xab: {  	_ = 	snop  }
0xac: {  	[spmem:s2] =	stream.indirect.scatter.add.f32 [tilespmem:s12], [sflag:$0x5], $0x8, s10, s10, $0xb8;
	[tilespmem:$0x1E860] =	vst v63  }
0xad: {  	_ =	swait.ge [sflag:s6], $0x9C40  }
0xae: {  	[sflag:s6] =	ssyncset.done $0x0  }
0xaf: {  	[sflag:s6] =	ssyncadd.s32 $0xFFFF63C0  }
0xb0: {  	[tilespmem:s3], [sflag:$0x3] =	stream.linear.gather [hbm4b:s26+s3], $0x1388, $0x38;
	[tilespmem:$0x1E860] =	vst v63  }
0xb1: {  	_ = 	snop  }
0xb2: {  	[tilespmem:s10], [sflag:$0x3] =	stream.linear.gather [hbm4b:s28+s3], $0x1388, $0x38;
	[tilespmem:$0x1E860] =	vst v63  }
0xb3: {  	_ =	swait.ge [sflag:s22], $0x1388  }
0xb4: {  	[sflag:s22] =	ssyncset.done $0x0  }
0xb5: {  	[sflag:s22] =	ssyncadd.s32 $0xFFFFEC78  }
0xb6: {  	_ =	swait.ge [sflag:s22], $0x1388  }
0xb7: {  	[sflag:s22] =	ssyncset.done $0x0  }
0xb8: {  	[sflag:s22] =	ssyncadd.s32 $0xFFFFEC78  }
0xb9: {  	_ =	swait.ge [sflag:s23], $0x9C40  }
0xba: {  	[sflag:s23] =	ssyncset.done $0x0  }
0xbb: {  	[sflag:s23] =	ssyncadd.s32 $0xFFFF63C0  }
0xbc: {  	[tilespmem:s12], [sflag:$0x1] =	stream.indirect.gather [hbm4b:s11+s10], $0x8, s3, s10, $0xb8;
	[tilespmem:$0x1E860] =	vst v63  }
0xbd: {  	_ = 	snop  }
0xbe: {  	[spmem:s2] =	stream.indirect.scatter.add.f32 [tilespmem:s19], [sflag:$0x5], $0x8, s16, s10, $0xb8;
	[tilespmem:$0x1E860] =	vst v63  }
0xbf: {  	_ =	swait.ge [sflag:s6], $0x9C40  }
0xc0: {  	[sflag:s6] =	ssyncset.done $0x0  }
0xc1: {  	[sflag:s6] =	ssyncadd.s32 $0xFFFF63C0  }
0xc2: {  	_ =	swait.ge [sflag:s18], $0x9C40  }
0xc3: {  	[sflag:s18] =	ssyncset.done $0x0  }
0xc4: {  	[sflag:s18] =	ssyncadd.s32 $0xFFFF63C0  }
0xc5: {  	[spmem:s2] =	stream.indirect.scatter.add.f32 [tilespmem:s12], [sflag:$0x5], $0x8, s10, s10, $0xb8;
	[tilespmem:$0x1E860] =	vst v63  }
0xc6: {  	_ =	swait.ge [sflag:s6], $0x9C40  }
0xc7: {  	[sflag:s6] =	ssyncset.done $0x0  }
.Ltmp1:
0xc8: {  	[sflag:s6] =	ssyncadd.s32 $0xFFFF63C0;
	(pc) =	sbr.rel @p0 .LBB2_1-.Ltmp1, $4  }
0xc9: {  	[bflag:$0x0] =	sbarrier.arrive $0xFFFF  }
0xca: {  	[hbm:s29], [sflag:s5] =	dma.local [spmem:s7], $0xC38  }
0xcb: {  	_ =	swait.ge [sflag:s6], $0xC38  }
0xcc: {  	[sflag:s6] =	ssyncset.done $0x0  }
.LBB2_2:
0xcd: {  	[sflag:s6] =	ssyncadd.s32 $0xFFFFF3C8  }
0xce: {  	_ =	sfence.sel $0x180000  }
0xcf: {  	[bflag:$0x0] =	sbarrier.arrive $0xFFFF  }
0xd0: {  	_ =	strace $0x90000047  }
0xd1: {  	[bflag:$0x2] =	sbarrier.arrive $0xFFFF  }
0xd2: {  	p0 =	sne.s32 s1, $0x0;
	s0 =	rddreg [dreg:$0x2]  }
0xd3: {  	s0 =	sadd.s32 @!p0 $0x100000, s0  }
0xd4: {  	[sflag:s0] =	ssyncadd.tile.s32 @!p0 $0x1;
	_ =	shalt  }
.Lfunc_end2:
_tile_overlayer_lowered:
.L_overlay_start_2:
0xd5: {  	(tag) =	ssettag $0x2  }
0xd6: {  	s0 =	rddreg [dreg:$0x0];
	s2 =	stileid.u32  }
0xd7: {  	s1 =	rddreg [dreg:$0x1];
	p0 =	sne.s32 s2, $0x0  }
0xd8: {  	s3 =	rddreg [dreg:$0x2];
	[bflag:$0x3] =	sbarrier.arrive $0xFFFF;
	s2 =	simm.s32 @!p0 $0x1C05  }
0xd9: {  	[timem:s3], [sflag:s2] =	dma.local @!p0 [hbm:s0], s1  }
0xda: {  	s0 =	simm.s32 @!p0 $0x5  }
0xdb: {  	_ =	swait.ge @!p0 [sflag:s0], s1  }
0xdc: {  	s1 =	ssub.s32 @!p0 $0x0, s1;
	[sflag:s0] =	ssyncset.done @!p0 $0x0  }
0xdd: {  	[sflag:s0] =	ssyncadd.s32 @!p0 s1  }
0xde: {  	[bflag:$0x3] =	sbarrier.arrive $0xFFFF  }
0xdf: {  	_ =	shalt  }

// kernel: kernel.13.cloned.1.call-start
scs
__scs_entry_jumppad:
0x0: {  	(pc) =	sbr.rel $0x88, $3  }
0x1: {  	(tag) =	ssettag $0x0;
	lr =	simm.s32 $0x1  }
0x2: {  	[smem:$0x3F93] =	sst lr;
	_ =	strace $0xD0000000  }
0x3: {  	_ = 	snop  }
0x4: {  	_ = 	snop  }
0x5: {  	_ = 	snop  }
0x6: {  	_ = 	snop  }
0x7: {  	_ = 	snop  }
__scs_overlays_trampoline_lowered:
0x8: {  	[smem:$0x3FA2] =	sst s0  }
0x9: {  	[smem:$0x3FA3] =	sst s1  }
0xa: {  	[smem:$0x3FA4] =	sst s2  }
0xb: {  	[smem:$0x3FA5] =	sst s3  }
0xc: {  	[smem:$0x3FA6] =	sst s4  }
0xd: {  	[smem:$0x3FA7] =	sst s5  }
0xe: {  	[smem:$0x3FA8] =	sst s6  }
0xf: {  	[smem:$0x3FA9] =	sst s7  }
0x10: {  	[smem:$0x3FAA] =	sst s8  }
0x11: {  	[smem:$0x3FAB] =	sst s9;
	s0 =	simm.s32 @!p0 $0x0  }
0x12: {  	s1 =	sld [smem:$0x3F91];
	s0 =	simm.s32 @p0 $0x1  }
0x13: {  	[smem:$0x3FAC] =	sst s0;
	s0 =	simm.s32 @!p1 $0x0  }
0x14: {  	s2 =	sld [smem:$0x3F90];
	s0 =	simm.s32 @p1 $0x1  }
0x15: {  	[smem:$0x3FAD] =	sst s0;
	s0 =	simm.s32 @!p2 $0x0  }
0x16: {  	s3 =	sld [smem:$0x3FDB];
	s0 =	simm.s32 @p2 $0x1  }
0x17: {  	s4 =	simm.s32 $0x1BF5;
	[smem:$0x3FAF] =	sst s0  }
0x18: {  	s0 =	sld [smem:$0x3F92];
	_ =	swait.ge [sflag:s4], $0x0  }
0x19: {  	s7 =	sld [smem:$0x3F93]  }
0x1a: {  	s8 =	sadd.s32 $0xFFFFE003, lr  }
0x1b: {  	s9 =	sadd.s32 $0xFFFFFEF7, lr;
	s5 =	simm.s32 $0xFFFFFFFF;
	p2 =	slt.u32 s8, $0xFFFFF086  }
0x1c: {  	p1 =	slt.u32 s9, $0xF7A;
	s5 =	simm.s32 @!p2 $0x0  }
0x1d: {  	s5 =	simm.s32 @p1 $0x1;
	p0 =	seq.s32 s7, s2  }
0x1e: {  	s7 =	smul.u32 @!p0 $0xF7A, s2;
	p2 =	seq.s32 @!p0 s5, $0x0  }
0x1f: {  	s9 =	smul.u32 $0xF7A, s1;
	s8 =	simm.s32 @!p0 $0x1BF5;
	p2 =	por !p2, p0  }
0x20: {  	[sflag:s8] =	ssyncset.s32 @!p0 $0xFFFFF086;
	s6 =	sadd.s32 @!p0 s3, s7;
	s7 =	simm.s32 @!p0 $0x108  }
0x21: {  	s3 =	sadd.s32 s3, s9;
	s6 =	sadd.s32 @!p0 $0x88, s6;
	s7 =	simm.s32 @p2 $0x1082  }
0x22: {  	[simem:s7], [sflag:s8] =	dma.local @!p0 [hbm:s6], $0xF7A  }
0x23: {  	s9 =	sor.u32 $0xD0000000, s2;
	s6 =	simm.s32 $0x108;
	_ =	swait.ge @!p0 [sflag:s8], $0x0  }
0x24: {  	s3 =	sadd.s32 $0x88, s3;
	s6 =	simm.s32 @!p1 $0x1082;
	[sflag:s4] =	ssyncset.s32 $0xFFFFF086  }
0x25: {  	[simem:s6], [sflag:s4] =	dma.local [hbm:s3], $0xF7A  }
0x26: {  	[smem:$0x3F93] =	sst s1;
	(tag) =	ssettag s2;
	_ =	strace s9  }
0x27: {  	s1 =	sld [smem:$0x3FA3]  }
0x28: {  	s2 =	sld [smem:$0x3FA4]  }
0x29: {  	s4 =	sld [smem:$0x3FA6]  }
0x2a: {  	p0 =	seq.s32 s5, $0x0;
	s5 =	sld [smem:$0x3FA7]  }
0x2b: {  	s6 =	sld [smem:$0x3FA8]  }
0x2c: {  	s7 =	sld [smem:$0x3FA9]  }
0x2d: {  	s3 =	simm.s32 $0x108;
	s8 =	sld [smem:$0x3FAA]  }
0x2e: {  	s3 =	simm.s32 @!p0 $0x1082;
	s9 =	sld [smem:$0x3FAB]  }
0x2f: {  	lr =	sadd.s32 s0, s3;
	s0 =	sld [smem:$0x3FA2]  }
0x30: {  	s3 =	sld [smem:$0x3FA5]  }
0x31: {  	[smem:$0x3FAE] =	sst s10  }
0x32: {  	s10 =	sld [smem:$0x3FAC];
	_ =	sdelay $0x3  }
0x33: {  	p0 =	seq.s32 s10, $0x1;
	s10 =	sld [smem:$0x3FAE];
	_ =	sdelay $0x3  }
0x34: {  	[smem:$0x3FAE] =	sst s10  }
0x35: {  	s10 =	sld [smem:$0x3FAD];
	_ =	sdelay $0x3  }
0x36: {  	p1 =	seq.s32 s10, $0x1;
	s10 =	sld [smem:$0x3FAE];
	_ =	sdelay $0x3  }
0x37: {  	[smem:$0x3FAE] =	sst s10  }
0x38: {  	s10 =	sld [smem:$0x3FAF]  }
0x39: {  	_ = 	snop;
	(pc) =	sbr.ind lr, $3  }
0x3a: {  	_ = 	snop  }
0x3b: {  	_ = 	snop  }
0x3c: {  	p2 =	seq.s32 s10, $0x1;
	s10 =	sld [smem:$0x3FAE]  }
0x3d: {  	_ =	shalt  }
0x3e: {  	_ =	shalt  }
0x3f: {  	_ =	shalt  }
0x40: {  	_ =	shalt  }
0x41: {  	_ =	shalt  }
0x42: {  	_ =	shalt  }
0x43: {  	_ =	shalt  }
0x44: {  	_ =	shalt  }
0x45: {  	_ =	shalt  }
0x46: {  	_ =	shalt  }
0x47: {  	_ =	shalt  }
0x48: {  	_ =	shalt  }
0x49: {  	_ =	shalt  }
0x4a: {  	_ =	shalt  }
0x4b: {  	_ =	shalt  }
0x4c: {  	_ =	shalt  }
0x4d: {  	_ =	shalt  }
0x4e: {  	_ =	shalt  }
0x4f: {  	_ =	shalt  }
0x50: {  	_ =	shalt  }
0x51: {  	_ =	shalt  }
0x52: {  	_ =	shalt  }
0x53: {  	_ =	shalt  }
0x54: {  	_ =	shalt  }
0x55: {  	_ =	shalt  }
0x56: {  	_ =	shalt  }
0x57: {  	_ =	shalt  }
0x58: {  	_ =	shalt  }
0x59: {  	_ =	shalt  }
0x5a: {  	_ =	shalt  }
0x5b: {  	_ =	shalt  }
0x5c: {  	_ =	shalt  }
0x5d: {  	_ =	shalt  }
0x5e: {  	_ =	shalt  }
0x5f: {  	_ =	shalt  }
0x60: {  	_ =	shalt  }
0x61: {  	_ =	shalt  }
0x62: {  	_ =	shalt  }
0x63: {  	_ =	shalt  }
0x64: {  	_ =	shalt  }
0x65: {  	_ =	shalt  }
0x66: {  	_ =	shalt  }
0x67: {  	_ =	shalt  }
0x68: {  	_ =	shalt  }
0x69: {  	_ =	shalt  }
0x6a: {  	_ =	shalt  }
0x6b: {  	_ =	shalt  }
0x6c: {  	_ =	shalt  }
0x6d: {  	_ =	shalt  }
0x6e: {  	_ =	shalt  }
0x6f: {  	_ =	shalt  }
0x70: {  	_ =	shalt  }
0x71: {  	_ =	shalt  }
0x72: {  	_ =	shalt  }
0x73: {  	_ =	shalt  }
0x74: {  	_ =	shalt  }
0x75: {  	_ =	shalt  }
0x76: {  	_ =	shalt  }
0x77: {  	_ =	shalt  }
0x78: {  	_ =	shalt  }
0x79: {  	_ =	shalt  }
0x7a: {  	_ =	shalt  }
0x7b: {  	_ =	shalt  }
0x7c: {  	_ =	shalt  }
0x7d: {  	_ =	shalt  }
0x7e: {  	_ =	shalt  }
0x7f: {  	_ =	shalt  }
0x80: {  	_ =	shalt  }
0x81: {  	_ =	shalt  }
0x82: {  	_ =	shalt  }
0x83: {  	_ =	shalt  }
0x84: {  	_ =	shalt  }
0x85: {  	_ =	shalt  }
0x86: {  	_ =	shalt  }
0x87: {  	_ =	shalt  }
.Lfunc_end0:
.L_simem_size_0:
called_computation.1_lowered:
.L_overlay_start_0:
0x88: {  	s2 =	sld [smem:$0x3FD9]  }
0x89: {  	s3 =	sld [smem:$0x3FFE];
	_ =	sdelay $0x1  }
0x8a: {  	s1 =	srdreg.scid  }
0x8b: {  	s0 =	sand.u32 $0x1, s1  }
0x8c: {  	s17 =	sshll.u32 s0, $0xA;
	s2 =	sadd.s32 s3, s2  }
0x8d: {  	s2 =	sadd.s32 s2, s17  }
0x8e: {  	[smem:$0x3FBA] =	sst s2  }
0x8f: {  	_ = 	snop  }
0x90: {  	s2 =	sld [smem:$0x3FD0];
	(tm) =	ssettm $0x1  }
0x91: {  	s18 =	sld [smem:$0x3FFB];
	_ =	sdelay $0x3  }
0x92: {  	_ =	strace s18  }
0x93: {  	s3 =	sld [smem:$0x3FFC];
	_ =	sdelay $0x3  }
0x94: {  	_ =	strace s3  }
0x95: {  	s3 =	sld [smem:$0x3FFD];
	_ =	sdelay $0x3  }
0x96: {  	_ =	strace s3  }
0x97: {  	_ =	strace $0x8FFFFFFF  }
0x98: {  	s19 =	sld [smem:$0x3FDB];
	_ =	sdelay $0x1  }
0x99: {  	s4 =	simm.s32 $_scs_section_size  }
0x9a: {  	s5 =	simm.s32 $_size__tile_overlayer_lowered;
	s6 =	simm.s32 $_tile_overlayer_lowered  }
0x9b: {  	s22 =	simm.s32 $0x1BFF;
	s21 =	sshll.u32 s6, $0x1;
	s3 =	sadd.s32 s4, s19  }
0x9c: {  	s7 =	simm.s32 $0x0;
	s20 =	sshll.u32 s5, $0x1;
	s5 =	sadd.s32 s21, s3  }
0x9d: {  	[timem:s7], [sflag:s22] =	dma.local [hbm:s5], s20  }
0x9e: {  	_ =	swait.ge [sflag:s22], s20  }
0x9f: {  	s4 =	ssub.s32 $0x0, s20;
	[sflag:s22] =	ssyncset.done $0x0  }
0xa0: {  	[sflag:s22] =	ssyncadd.s32 s4;
	_ =	sdelay $0x1  }
0xa1: {  	s23 =	simm.s32 $0x1B8B  }
0xa2: {  	_ =	swait.ge [sflag:s23], $0x1  }
0xa3: {  	[sflag:s23] =	ssyncset.done $0x0  }
0xa4: {  	s25 =	simm.s32 $0x1B8E;
	s24 =	sld [smem:$0x3FFE];
	[sflag:s23] =	ssyncadd.s32 $0xFFFFFFFF  }
0xa5: {  	s26 =	simm.s32 $execute0_lowered;
	[smem:$0x3FD2] =	sst s25  }
0xa6: {  	s5 =	sshll.u32 s26, $0x1;
	_ =	strace $0x80000049;
	[dreg:$0x1] =	wrdreg $0xFFFFFFFF  }
0xa7: {  	s28 =	simm.s32 $_size_execute0_lowered;
	s3 =	sadd.s32 s3, s5;
	[dreg:$0x0] =	wrdreg $0x0  }
0xa8: {  	s5 =	sshll.u32 s28, $0x1;
	[dreg:$0x2] =	wrdreg s3  }
0xa9: {  	[dreg:$0x3] =	wrdreg s5  }
0xaa: {  	[dreg:$0x4] =	wrdreg $0xC0  }
0xab: {  	_ =	task [dreg:s7], $0x5FFFF  }
0xac: {  	[dreg:$0x1] =	wrdreg $0xFFFFFFFF  }
0xad: {  	[dreg:$0x0] =	wrdreg $0x60  }
0xae: {  	[dreg:$0x2] =	wrdreg s24  }
0xaf: {  	[dreg:$0x3] =	wrdreg s2  }
0xb0: {  	[dreg:$0x4] =	wrdreg $0x119400  }
0xb1: {  	[dreg:$0x5] =	wrdreg $0x9  }
0xb2: {  	_ =	task.clear_ibuf [dreg:s7], $0x6FFFF;
	_ =	strace $0x90000049  }
0xb3: {  	s29 =	simm.s32 $0x9;
	_ =	strace $0x8000004B  }
0xb4: {  	_ =	swait.ge [sflag:s29], $0x1  }
0xb5: {  	[sflag:s29] =	ssyncadd.s32 $0xFFFFFFFF  }
0xb6: {  	_ =	strace $0x9000004B  }
0xb7: {  	_ =	sfence  }
0xb8: {  	s30 =	sld [smem:$0x0];
	_ =	sdelay $0x2  }
0xb9: {  	s31 =	sshll.u32 s1, $0xD;
	s1 =	sshrl.u32 s1, $0x2  }
0xba: {  	s3 =	sand.u32 $0x4000, s31;
	s1 =	sadd.s32 s1, s30  }
0xbb: {  	s0 =	sor.u32 s3, s0;
	s1 =	sshll.u32 s1, $0x11  }
0xbc: {  	s0 =	sor.u32 s1, s0  }
0xbd: {  	s0 =	sadd.s32 $0x8F2B, s0  }
0xbe: {  	[sflag:s0] =	ssyncadd.remote.s32 $0x1  }
0xbf: {  	_ =	sfence.sel $0xFFFF  }
0xc0: {  	[dreg:$0x0] =	wrdreg $0xFFFFFFFF;
	(pc) =	sbr.abs _section_cstart, $3  }
0xc1: {  	[dreg:$0x1] =	wrdreg $0xFFFFFFFF  }
0xc2: {  	_ =	task.clear_ibuf [dreg:s7], $0x2FFFF;
	_ =	strace $0x9FFFFFFF  }
0xc3: {  	(tm) =	ssettm $0x7FFFFFFF  }
tec
execute0_lowered:
.L_overlay_start_1:
0x0: {  	(tag) =	ssettag $0x1  }
0x1: {  	s5 =	rddreg [dreg:$0x0]  }
0x2: {  	s1 =	rddreg [dreg:$0x1]  }
0x3: {  	s2 =	rddreg [dreg:$0x2];
	s3 =	srdreg.scid  }
0x4: {  	s4 =	simm.s32 $0x0;
	s0 =	stileid.u32;
	s18 =	simm.s32 $0xFA0  }
0x5: {  	s19 =	simm.s32 $0x8CA0;
	s20 =	simm.s32 $0x9470;
	s21 =	simm.s32 $0x1  }
0x6: {  	s22 =	simm.s32 $0x4;
	s23 =	simm.s32 $0x2;
	s8 =	smul.u32 $0x30E00, s0  }
0x7: {  	s24 =	simm.s32 $0x9C40;
	s6 =	sand.u32 $0x1, s3;
	s28 =	smul.u32 $0xC350, s0  }
0x8: {  	[smem:$0x7FF] =	sst s4;
	s14 =	sadd.s32 $0x1AE00, s5;
	s17 =	smul.u32 $0x186A, s0  }
0x9: {  	s12 =	sadd.s32 $0x2600, s5;
	s30 =	sshll.u32 s0, $0x6;
	s7 =	smul.u32 $0x186A0, s6  }
0xa: {  	_ =	strace $0x8000004A;
	s9 =	sshll.u32 s6, $0x5;
	s6 =	ssub.s32 $0x2, s6  }
0xb: {  	s25 =	sor.u32 s9, s8;
	s26 =	sshrl.u32 s6, $0x1;
	s29 =	sshrl.u32 s8, $0x2  }
0xc: {  	s31 =	sadd.s32 s17, s12;
	s10 =	sadd.s32 s7, s5;
	s7 =	sshrl.u32 s25, $0x4  }
0xd: {  	s13 =	ssub.s32 s6, s26;
	s15 =	sadd.s32 s29, s2;
	s25 =	simm.s32 $0x0  }
0xe: {  	s11 =	sadd.s32 s7, s5;
	s5 =	sor.u32 $0x1C05, s30;
	s7 =	sshrl.u32 s28, $0x3  }
.Ltmp0:
0xf: {  	s8 =	sadd.s32 $0x33600, s10;
	s15 =	sshrl.u32 s15, $0x3;
	(pc) =	sbr.rel .LBB2_1-.Ltmp0, $4  }
0x10: {  	s6 =	sadd.s32 s14, s7;
	s16 =	sadd.s32 $0xFA, s7;
	s7 =	sadd.s32 s12, s7  }
0x11: {  	s11 =	sadd.s32 $0x64400, s11;
	s9 =	sadd.s32 s14, s16;
	s10 =	sadd.s32 s12, s16  }
0x12: {  	s12 =	smax.u32 s13, $0x1;
	s13 =	sadd.s32 $0x1F4, s31;
	s14 =	sadd.s32 s17, s14  }
0x13: {  	s16 =	simm.s32 $0x5;
	s17 =	simm.s32 $0x7D0;
	s14 =	sadd.s32 $0x1F4, s14  }
.LBB2_5:
0x14: {  	s25 =	sadd.s32 $0x1, s25  }
0x15: {  	p0 =	sne.s32 s25, s12  }
.Ltmp1:
0x16: {  	[bflag:$0x0] =	sbarrier.arrive $0xFFFF;
	(pc) =	sbr.rel @!p0 .LBB2_6-.Ltmp1, $4  }
0x17: {  	[hbm:s11@s22], [sflag:s5] =	dma.strided [spmem:s15@s23], $0x1870, s21, $0x2   }
0x18: {  	_ =	swait.ge [sflag:s16], $0x1870  }
0x19: {  	[sflag:s16] =	ssyncset.done $0x0  }
0x1a: {  	[sflag:s16] =	ssyncadd.s32 $0xFFFFE790  }
.LBB2_1:
0x1b: {  	[spmem:s15], [sflag:s5] =	dma.local [hbm:s1], $0x1870  }
0x1c: {  	_ =	swait.ge [sflag:s16], $0x1870  }
0x1d: {  	[sflag:s16] =	ssyncset.done $0x0  }
0x1e: {  	[sflag:s16] =	ssyncadd.s32 $0xFFFFE790  }
0x1f: {  	[bflag:$0x0] =	sbarrier.arrive $0xFFFF  }
0x20: {  	[tilespmem:s4], [sflag:$0x5] =	stream.linear.gather [hbm4b:s6+s4], $0x7D0, $0x38;
	[tilespmem:$0x1DCC0] =	vst v63  }
0x21: {  	_ =	swait.ge [sflag:s16], $0x7D0  }
0x22: {  	[sflag:s16] =	ssyncset.done $0x0  }
0x23: {  	[sflag:s16] =	ssyncadd.s32 $0xFFFFF830  }
0x24: {  	[tilespmem:s17], [sflag:$0x5] =	stream.linear.gather [hbm4b:s7+s4], $0x7D0, $0x38;
	[tilespmem:$0x1DCC0] =	vst v63  }
0x25: {  	_ =	swait.ge [sflag:s16], $0x7D0  }
0x26: {  	[sflag:s16] =	ssyncset.done $0x0  }
0x27: {  	[sflag:s16] =	ssyncadd.s32 $0xFFFFF830  }
0x28: {  	[tilespmem:s18], [sflag:$0x1] =	stream.indirect.gather [hbm4b:s8+s17], $0x10, s4, s17, $0xb8;
	[tilespmem:$0x1DCC0] =	vst v63  }
.Ltmp2:
0x29: {  	_ = 	snop;
	(pc) =	sbr.rel .LBB2_2-.Ltmp2, $4  }
0x2a: {  	_ = 	snop  }
0x2b: {  	[tilespmem:s19], [sflag:$0x4] =	stream.linear.gather [hbm4b:s9+s4], $0x7D0, $0x38;
	[tilespmem:$0x1DCC0] =	vst v63  }
0x2c: {  	s26 =	smov.u32 s14;
	s28 =	smov.u32 s13;
	s29 =	simm.s32 $0x0  }
0x2d: {  	[tilespmem:s20], [sflag:$0x4] =	stream.linear.gather [hbm4b:s10+s4], $0x7D0, $0x38;
	[tilespmem:$0x1DCC0] =	vst v63  }
.LBB2_4:
0x2e: {  	s29 =	sadd.s32 $0x1, s29  }
0x2f: {  	p0 =	sne.s32 s29, $0x19  }
.Ltmp3:
0x30: {  	_ = 	snop;
	(pc) =	sbr.rel @!p0 .LBB2_5-.Ltmp3, $2  }
0x31: {  	_ =	sdelay $0x2  }
0x32: {  	s28 =	sadd.s32 $0xFA, s28;
	s26 =	sadd.s32 $0xFA, s26  }
.LBB2_2:
0x33: {  	s30 =	sand.u32 $0x1, s29  }
0x34: {  	p0 =	seq.s32 s30, $0x1  }
0x35: {  	p1 =	seq.s32 @!p0 s29, $0x18  }
0x36: {  	p2 =	por !p1, p0  }
0x37: {  	s31 =	simm.s32 @!p2 $0x1  }
0x38: {  	_ =	swait.ge @!p2 [sflag:s31], $0x7D00  }
0x39: {  	p1 =	por p1, p0;
	[sflag:s31] =	ssyncset.done @!p2 $0x0  }
0x3a: {  	[sflag:s31] =	ssyncadd.s32 @!p2 $0xFFFF8300;
	s31 =	simm.s32 @!p1 $0x4  }
0x3b: {  	_ =	swait.ge @!p1 [sflag:s31], $0x7D0  }
0x3c: {  	[sflag:s31] =	ssyncset.done @!p1 $0x0  }
0x3d: {  	[sflag:s31] =	ssyncadd.s32 @!p1 $0xFFFFF830  }
0x3e: {  	_ =	swait.ge @!p1 [sflag:s31], $0x7D0  }
0x3f: {  	[sflag:s31] =	ssyncset.done @!p1 $0x0  }
0x40: {  	[sflag:s31] =	ssyncadd.s32 @!p1 $0xFFFFF830;
	s31 =	simm.s32 @!p1 $0x1  }
0x41: {  	_ =	swait.ge @!p1 [sflag:s31], $0x7D00  }
0x42: {  	s0 =	simm.s32 @!p1 $0x8CA0;
	[sflag:s31] =	ssyncset.done @!p1 $0x0  }
0x43: {  	s3 =	simm.s32 @!p1 $0x9C40;
	[sflag:s31] =	ssyncadd.s32 @!p1 $0xFFFF8300;
	s31 =	simm.s32 @!p1 $0x7D0  }
0x44: {  	[tilespmem:s3], [sflag:$0x2] =	stream.indirect.gather @!p1 [hbm4b:s8+s31], $0x10, s0, s31, $0xb8;
	[tilespmem:$0x1DCC0] =	vst v63  }
0x45: {  	s0 =	simm.s32 @!p0 $0x7D0;
	s3 =	simm.s32 @!p0 $0xFA0  }
0x46: {  	[spmem:s2] =	stream.indirect.scatter.add.bf16 @!p0 [tilespmem:s3], [sflag:$0x5], $0x10, s0, s0, $0xb8;
	[tilespmem:$0x1DCC0] =	vst v63  }
0x47: {  	s0 =	simm.s32 @!p0 $0x5  }
0x48: {  	p1 =	sgt.u32 @!p0 s29, $0x16;
	_ =	swait.ge @!p0 [sflag:s0], $0x7D00  }
0x49: {  	p1 =	por p1, p0;
	[sflag:s0] =	ssyncset.done @!p0 $0x0  }
0x4a: {  	[sflag:s0] =	ssyncadd.s32 @!p0 $0xFFFF8300;
	s0 =	simm.s32 @!p1 $0x0  }
0x4b: {  	[tilespmem:s0], [sflag:$0x3] =	stream.linear.gather @!p1 [hbm4b:s26+s0], $0x7D0, $0x38;
	[tilespmem:$0x1DCC0] =	vst v63  }
0x4c: {  	s3 =	simm.s32 @!p1 $0x7D0  }
0x4d: {  	[tilespmem:s3], [sflag:$0x3] =	stream.linear.gather @!p1 [hbm4b:s28+s0], $0x7D0, $0x38;
	[tilespmem:$0x1DCC0] =	vst v63  }
0x4e: {  	p1 =	seq.s32 @!p0 s30, $0x0  }
0x4f: {  	p0 =	por p0, !p1  }
.Ltmp4:
0x50: {  	_ = 	snop;
	(pc) =	sbr.rel @!p0 .LBB2_4-.Ltmp4, $1  }
0x51: {  	_ =	sdelay $0x3  }
0x52: {  	p0 =	seq.s32 s29, $0x18  }
0x53: {  	s0 =	simm.s32 @p0 $0x2  }
0x54: {  	_ =	swait.ge @p0 [sflag:s0], $0x7D00  }
0x55: {  	[sflag:s0] =	ssyncset.done @p0 $0x0  }
0x56: {  	[sflag:s0] =	ssyncadd.s32 @p0 $0xFFFF8300;
	s0 =	simm.s32 @!p0 $0x3  }
0x57: {  	_ =	swait.ge @!p0 [sflag:s0], $0x7D0  }
0x58: {  	[sflag:s0] =	ssyncset.done @!p0 $0x0  }
0x59: {  	[sflag:s0] =	ssyncadd.s32 @!p0 $0xFFFFF830  }
0x5a: {  	_ =	swait.ge @!p0 [sflag:s0], $0x7D0  }
0x5b: {  	[sflag:s0] =	ssyncset.done @!p0 $0x0  }
0x5c: {  	[sflag:s0] =	ssyncadd.s32 @!p0 $0xFFFFF830;
	s0 =	simm.s32 @!p0 $0x2  }
0x5d: {  	_ =	swait.ge @!p0 [sflag:s0], $0x7D00  }
0x5e: {  	s3 =	simm.s32 @!p0 $0x0;
	[sflag:s0] =	ssyncset.done @!p0 $0x0  }
0x5f: {  	s30 =	simm.s32 @!p0 $0xFA0;
	[sflag:s0] =	ssyncadd.s32 @!p0 $0xFFFF8300;
	s0 =	simm.s32 @!p0 $0x7D0  }
0x60: {  	[tilespmem:s30], [sflag:$0x1] =	stream.indirect.gather @!p0 [hbm4b:s8+s0], $0x10, s3, s0, $0xb8;
	[tilespmem:$0x1DCC0] =	vst v63  }
0x61: {  	_ = 	snop  }
0x62: {  	[spmem:s2] =	stream.indirect.scatter.add.bf16 [tilespmem:s24], [sflag:$0x5], $0x10, s20, s17, $0xb8;
	[tilespmem:$0x1DCC0] =	vst v63  }
0x63: {  	_ =	swait.ge [sflag:s16], $0x7D00  }
.Ltmp5:
0x64: {  	p0 =	sgt.u32 s29, $0x16;
	[sflag:s16] =	ssyncset.done $0x0;
	(pc) =	sbr.rel .LBB2_4-.Ltmp5, $4  }
0x65: {  	s0 =	simm.s32 @!p0 $0x0;
	s3 =	simm.s32 @!p0 $0x8CA0;
	[sflag:s16] =	ssyncadd.s32 $0xFFFF8300  }
0x66: {  	[tilespmem:s3], [sflag:$0x4] =	stream.linear.gather @!p0 [hbm4b:s26+s0], $0x7D0, $0x38;
	[tilespmem:$0x1DCC0] =	vst v63  }
0x67: {  	s3 =	simm.s32 @!p0 $0x9470  }
0x68: {  	[tilespmem:s3], [sflag:$0x4] =	stream.linear.gather @!p0 [hbm4b:s28+s0], $0x7D0, $0x38;
	[tilespmem:$0x1DCC0] =	vst v63  }
.LBB2_6:
0x69: {  	_ =	sfence.sel $0x180000  }
0x6a: {  	[bflag:$0x0] =	sbarrier.arrive $0xFFFF  }
0x6b: {  	_ =	strace $0x9000004A  }
0x6c: {  	s0 =	stileid.u32;
	[bflag:$0x2] =	sbarrier.arrive $0xFFFF  }
0x6d: {  	p0 =	sne.s32 s0, $0x0;
	s0 =	rddreg [dreg:$0x3]  }
0x6e: {  	s0 =	sadd.s32 @!p0 $0x100000, s0  }
0x6f: {  	[sflag:s0] =	ssyncadd.tile.s32 @!p0 $0x1;
	_ =	shalt  }
.Lfunc_end2:
_tile_overlayer_lowered:
.L_overlay_start_2:
0x70: {  	(tag) =	ssettag $0x2  }
0x71: {  	s0 =	rddreg [dreg:$0x0];
	s2 =	stileid.u32  }
0x72: {  	s1 =	rddreg [dreg:$0x1];
	p0 =	sne.s32 s2, $0x0  }
0x73: {  	s3 =	rddreg [dreg:$0x2];
	[bflag:$0x3] =	sbarrier.arrive $0xFFFF;
	s2 =	simm.s32 @!p0 $0x1C05  }
0x74: {  	[timem:s3], [sflag:s2] =	dma.local @!p0 [hbm:s0], s1  }
0x75: {  	s0 =	simm.s32 @!p0 $0x5  }
0x76: {  	_ =	swait.ge @!p0 [sflag:s0], s1  }
0x77: {  	s1 =	ssub.s32 @!p0 $0x0, s1;
	[sflag:s0] =	ssyncset.done @!p0 $0x0  }
0x78: {  	[sflag:s0] =	ssyncadd.s32 @!p0 s1  }
0x79: {  	[bflag:$0x3] =	sbarrier.arrive $0xFFFF  }
0x7a: {  	_ =	shalt  }

// kernel: kernel.16.cloned.1.call-start
scs
__scs_entry_jumppad:
0x0: {  	(pc) =	sbr.rel $0x88, $3  }
0x1: {  	(tag) =	ssettag $0x0;
	lr =	simm.s32 $0x1  }
0x2: {  	[smem:$0x3F93] =	sst lr;
	_ =	strace $0xD0000000  }
0x3: {  	_ = 	snop  }
0x4: {  	_ = 	snop  }
0x5: {  	_ = 	snop  }
0x6: {  	_ = 	snop  }
0x7: {  	_ = 	snop  }
__scs_overlays_trampoline_lowered:
0x8: {  	[smem:$0x3FA2] =	sst s0  }
0x9: {  	[smem:$0x3FA3] =	sst s1  }
0xa: {  	[smem:$0x3FA4] =	sst s2  }
0xb: {  	[smem:$0x3FA5] =	sst s3  }
0xc: {  	[smem:$0x3FA6] =	sst s4  }
0xd: {  	[smem:$0x3FA7] =	sst s5  }
0xe: {  	[smem:$0x3FA8] =	sst s6  }
0xf: {  	[smem:$0x3FA9] =	sst s7  }
0x10: {  	[smem:$0x3FAA] =	sst s8  }
0x11: {  	[smem:$0x3FAB] =	sst s9;
	s0 =	simm.s32 @!p0 $0x0  }
0x12: {  	s1 =	sld [smem:$0x3F91];
	s0 =	simm.s32 @p0 $0x1  }
0x13: {  	[smem:$0x3FAC] =	sst s0;
	s0 =	simm.s32 @!p1 $0x0  }
0x14: {  	s2 =	sld [smem:$0x3F90];
	s0 =	simm.s32 @p1 $0x1  }
0x15: {  	[smem:$0x3FAD] =	sst s0;
	s0 =	simm.s32 @!p2 $0x0  }
0x16: {  	s3 =	sld [smem:$0x3FDB];
	s0 =	simm.s32 @p2 $0x1  }
0x17: {  	s4 =	simm.s32 $0x1BF5;
	[smem:$0x3FAF] =	sst s0  }
0x18: {  	s0 =	sld [smem:$0x3F92];
	_ =	swait.ge [sflag:s4], $0x0  }
0x19: {  	s7 =	sld [smem:$0x3F93]  }
0x1a: {  	s8 =	sadd.s32 $0xFFFFE003, lr  }
0x1b: {  	s9 =	sadd.s32 $0xFFFFFEF7, lr;
	s5 =	simm.s32 $0xFFFFFFFF;
	p2 =	slt.u32 s8, $0xFFFFF086  }
0x1c: {  	p1 =	slt.u32 s9, $0xF7A;
	s5 =	simm.s32 @!p2 $0x0  }
0x1d: {  	s5 =	simm.s32 @p1 $0x1;
	p0 =	seq.s32 s7, s2  }
0x1e: {  	s7 =	smul.u32 @!p0 $0xF7A, s2;
	p2 =	seq.s32 @!p0 s5, $0x0  }
0x1f: {  	s9 =	smul.u32 $0xF7A, s1;
	s8 =	simm.s32 @!p0 $0x1BF5;
	p2 =	por !p2, p0  }
0x20: {  	[sflag:s8] =	ssyncset.s32 @!p0 $0xFFFFF086;
	s6 =	sadd.s32 @!p0 s3, s7;
	s7 =	simm.s32 @!p0 $0x108  }
0x21: {  	s3 =	sadd.s32 s3, s9;
	s6 =	sadd.s32 @!p0 $0x88, s6;
	s7 =	simm.s32 @p2 $0x1082  }
0x22: {  	[simem:s7], [sflag:s8] =	dma.local @!p0 [hbm:s6], $0xF7A  }
0x23: {  	s9 =	sor.u32 $0xD0000000, s2;
	s6 =	simm.s32 $0x108;
	_ =	swait.ge @!p0 [sflag:s8], $0x0  }
0x24: {  	s3 =	sadd.s32 $0x88, s3;
	s6 =	simm.s32 @!p1 $0x1082;
	[sflag:s4] =	ssyncset.s32 $0xFFFFF086  }
0x25: {  	[simem:s6], [sflag:s4] =	dma.local [hbm:s3], $0xF7A  }
0x26: {  	[smem:$0x3F93] =	sst s1;
	(tag) =	ssettag s2;
	_ =	strace s9  }
0x27: {  	s1 =	sld [smem:$0x3FA3]  }
0x28: {  	s2 =	sld [smem:$0x3FA4]  }
0x29: {  	s4 =	sld [smem:$0x3FA6]  }
0x2a: {  	p0 =	seq.s32 s5, $0x0;
	s5 =	sld [smem:$0x3FA7]  }
0x2b: {  	s6 =	sld [smem:$0x3FA8]  }
0x2c: {  	s7 =	sld [smem:$0x3FA9]  }
0x2d: {  	s3 =	simm.s32 $0x108;
	s8 =	sld [smem:$0x3FAA]  }
0x2e: {  	s3 =	simm.s32 @!p0 $0x1082;
	s9 =	sld [smem:$0x3FAB]  }
0x2f: {  	lr =	sadd.s32 s0, s3;
	s0 =	sld [smem:$0x3FA2]  }
0x30: {  	s3 =	sld [smem:$0x3FA5]  }
0x31: {  	[smem:$0x3FAE] =	sst s10  }
0x32: {  	s10 =	sld [smem:$0x3FAC];
	_ =	sdelay $0x3  }
0x33: {  	p0 =	seq.s32 s10, $0x1;
	s10 =	sld [smem:$0x3FAE];
	_ =	sdelay $0x3  }
0x34: {  	[smem:$0x3FAE] =	sst s10  }
0x35: {  	s10 =	sld [smem:$0x3FAD];
	_ =	sdelay $0x3  }
0x36: {  	p1 =	seq.s32 s10, $0x1;
	s10 =	sld [smem:$0x3FAE];
	_ =	sdelay $0x3  }
0x37: {  	[smem:$0x3FAE] =	sst s10  }
0x38: {  	s10 =	sld [smem:$0x3FAF]  }
0x39: {  	_ = 	snop;
	(pc) =	sbr.ind lr, $3  }
0x3a: {  	_ = 	snop  }
0x3b: {  	_ = 	snop  }
0x3c: {  	p2 =	seq.s32 s10, $0x1;
	s10 =	sld [smem:$0x3FAE]  }
0x3d: {  	_ =	shalt  }
0x3e: {  	_ =	shalt  }
0x3f: {  	_ =	shalt  }
0x40: {  	_ =	shalt  }
0x41: {  	_ =	shalt  }
0x42: {  	_ =	shalt  }
0x43: {  	_ =	shalt  }
0x44: {  	_ =	shalt  }
0x45: {  	_ =	shalt  }
0x46: {  	_ =	shalt  }
0x47: {  	_ =	shalt  }
0x48: {  	_ =	shalt  }
0x49: {  	_ =	shalt  }
0x4a: {  	_ =	shalt  }
0x4b: {  	_ =	shalt  }
0x4c: {  	_ =	shalt  }
0x4d: {  	_ =	shalt  }
0x4e: {  	_ =	shalt  }
0x4f: {  	_ =	shalt  }
0x50: {  	_ =	shalt  }
0x51: {  	_ =	shalt  }
0x52: {  	_ =	shalt  }
0x53: {  	_ =	shalt  }
0x54: {  	_ =	shalt  }
0x55: {  	_ =	shalt  }
0x56: {  	_ =	shalt  }
0x57: {  	_ =	shalt  }
0x58: {  	_ =	shalt  }
0x59: {  	_ =	shalt  }
0x5a: {  	_ =	shalt  }
0x5b: {  	_ =	shalt  }
0x5c: {  	_ =	shalt  }
0x5d: {  	_ =	shalt  }
0x5e: {  	_ =	shalt  }
0x5f: {  	_ =	shalt  }
0x60: {  	_ =	shalt  }
0x61: {  	_ =	shalt  }
0x62: {  	_ =	shalt  }
0x63: {  	_ =	shalt  }
0x64: {  	_ =	shalt  }
0x65: {  	_ =	shalt  }
0x66: {  	_ =	shalt  }
0x67: {  	_ =	shalt  }
0x68: {  	_ =	shalt  }
0x69: {  	_ =	shalt  }
0x6a: {  	_ =	shalt  }
0x6b: {  	_ =	shalt  }
0x6c: {  	_ =	shalt  }
0x6d: {  	_ =	shalt  }
0x6e: {  	_ =	shalt  }
0x6f: {  	_ =	shalt  }
0x70: {  	_ =	shalt  }
0x71: {  	_ =	shalt  }
0x72: {  	_ =	shalt  }
0x73: {  	_ =	shalt  }
0x74: {  	_ =	shalt  }
0x75: {  	_ =	shalt  }
0x76: {  	_ =	shalt  }
0x77: {  	_ =	shalt  }
0x78: {  	_ =	shalt  }
0x79: {  	_ =	shalt  }
0x7a: {  	_ =	shalt  }
0x7b: {  	_ =	shalt  }
0x7c: {  	_ =	shalt  }
0x7d: {  	_ =	shalt  }
0x7e: {  	_ =	shalt  }
0x7f: {  	_ =	shalt  }
0x80: {  	_ =	shalt  }
0x81: {  	_ =	shalt  }
0x82: {  	_ =	shalt  }
0x83: {  	_ =	shalt  }
0x84: {  	_ =	shalt  }
0x85: {  	_ =	shalt  }
0x86: {  	_ =	shalt  }
0x87: {  	_ =	shalt  }
.Lfunc_end0:
.L_simem_size_0:
called_computation.2_lowered:
.L_overlay_start_0:
0x88: {  	s2 =	sld [smem:$0x3FD9]  }
0x89: {  	s3 =	sld [smem:$0x3FFE];
	_ =	sdelay $0x1  }
0x8a: {  	s1 =	srdreg.scid  }
0x8b: {  	s0 =	sand.u32 $0x1, s1  }
0x8c: {  	s17 =	sshll.u32 s0, $0xA;
	s2 =	sadd.s32 s3, s2  }
0x8d: {  	s2 =	sadd.s32 s2, s17  }
0x8e: {  	[smem:$0x3FBA] =	sst s2  }
0x8f: {  	_ = 	snop  }
0x90: {  	s2 =	sld [smem:$0x3FD0];
	(tm) =	ssettm $0x1  }
0x91: {  	s18 =	sld [smem:$0x3FFB];
	_ =	sdelay $0x3  }
0x92: {  	_ =	strace s18  }
0x93: {  	s3 =	sld [smem:$0x3FFC];
	_ =	sdelay $0x3  }
0x94: {  	_ =	strace s3  }
0x95: {  	s3 =	sld [smem:$0x3FFD];
	_ =	sdelay $0x3  }
0x96: {  	_ =	strace s3  }
0x97: {  	_ =	strace $0x8FFFFFFF  }
0x98: {  	s19 =	sld [smem:$0x3FDB];
	_ =	sdelay $0x1  }
0x99: {  	s4 =	simm.s32 $_scs_section_size  }
0x9a: {  	s5 =	simm.s32 $_size__tile_overlayer_lowered;
	s6 =	simm.s32 $_tile_overlayer_lowered  }
0x9b: {  	s22 =	simm.s32 $0x1BFF;
	s21 =	sshll.u32 s6, $0x1;
	s3 =	sadd.s32 s4, s19  }
0x9c: {  	s7 =	simm.s32 $0x0;
	s20 =	sshll.u32 s5, $0x1;
	s5 =	sadd.s32 s21, s3  }
0x9d: {  	[timem:s7], [sflag:s22] =	dma.local [hbm:s5], s20  }
0x9e: {  	_ =	swait.ge [sflag:s22], s20  }
0x9f: {  	s4 =	ssub.s32 $0x0, s20;
	[sflag:s22] =	ssyncset.done $0x0  }
0xa0: {  	[sflag:s22] =	ssyncadd.s32 s4;
	_ =	sdelay $0x1  }
0xa1: {  	s23 =	simm.s32 $0x1B8B  }
0xa2: {  	_ =	swait.ge [sflag:s23], $0x1  }
0xa3: {  	[sflag:s23] =	ssyncset.done $0x0  }
0xa4: {  	s25 =	simm.s32 $0x1B8E;
	s24 =	sld [smem:$0x3FFE];
	[sflag:s23] =	ssyncadd.s32 $0xFFFFFFFF  }
0xa5: {  	s26 =	simm.s32 $execute0_lowered;
	[smem:$0x3FD2] =	sst s25  }
0xa6: {  	s5 =	sshll.u32 s26, $0x1;
	_ =	strace $0x8000004C;
	[dreg:$0x1] =	wrdreg $0xFFFFFFFF  }
0xa7: {  	s28 =	simm.s32 $_size_execute0_lowered;
	s3 =	sadd.s32 s3, s5;
	[dreg:$0x0] =	wrdreg $0x0  }
0xa8: {  	s5 =	sshll.u32 s28, $0x1;
	[dreg:$0x2] =	wrdreg s3  }
0xa9: {  	[dreg:$0x3] =	wrdreg s5  }
0xaa: {  	[dreg:$0x4] =	wrdreg $0xC0  }
0xab: {  	_ =	task [dreg:s7], $0x5FFFF  }
0xac: {  	[dreg:$0x1] =	wrdreg $0xFFFFFFFF  }
0xad: {  	[dreg:$0x0] =	wrdreg $0x60  }
0xae: {  	[dreg:$0x2] =	wrdreg s24  }
0xaf: {  	[dreg:$0x3] =	wrdreg s2  }
0xb0: {  	[dreg:$0x4] =	wrdreg $0x119400  }
0xb1: {  	[dreg:$0x5] =	wrdreg $0x9  }
0xb2: {  	_ =	task.clear_ibuf [dreg:s7], $0x6FFFF;
	_ =	strace $0x9000004C  }
0xb3: {  	s29 =	simm.s32 $0x9;
	_ =	strace $0x8000004E  }
0xb4: {  	_ =	swait.ge [sflag:s29], $0x1  }
0xb5: {  	[sflag:s29] =	ssyncadd.s32 $0xFFFFFFFF  }
0xb6: {  	_ =	strace $0x9000004E  }
0xb7: {  	_ =	sfence  }
0xb8: {  	s30 =	sld [smem:$0x0];
	_ =	sdelay $0x2  }
0xb9: {  	s31 =	sshll.u32 s1, $0xD;
	s1 =	sshrl.u32 s1, $0x2  }
0xba: {  	s3 =	sand.u32 $0x4000, s31;
	s1 =	sadd.s32 s1, s30  }
0xbb: {  	s0 =	sor.u32 s3, s0;
	s1 =	sshll.u32 s1, $0x11  }
0xbc: {  	s0 =	sor.u32 s1, s0  }
0xbd: {  	s0 =	sadd.s32 $0x8F2B, s0  }
0xbe: {  	[sflag:s0] =	ssyncadd.remote.s32 $0x1  }
0xbf: {  	_ =	sfence.sel $0xFFFF  }
0xc0: {  	[dreg:$0x0] =	wrdreg $0xFFFFFFFF;
	(pc) =	sbr.abs _section_cstart, $3  }
0xc1: {  	[dreg:$0x1] =	wrdreg $0xFFFFFFFF  }
0xc2: {  	_ =	task.clear_ibuf [dreg:s7], $0x2FFFF;
	_ =	strace $0x9FFFFFFF  }
0xc3: {  	(tm) =	ssettm $0x7FFFFFFF  }
tec
execute0_lowered:
.L_overlay_start_1:
0x0: {  	(tag) =	ssettag $0x1  }
0x1: {  	s5 =	rddreg [dreg:$0x0]  }
0x2: {  	s1 =	rddreg [dreg:$0x1]  }
0x3: {  	s2 =	rddreg [dreg:$0x2];
	s3 =	srdreg.scid  }
0x4: {  	s4 =	simm.s32 $0x0;
	s0 =	stileid.u32;
	s18 =	simm.s32 $0xFA0  }
0x5: {  	s19 =	simm.s32 $0x8CA0;
	s20 =	simm.s32 $0x9470;
	s21 =	simm.s32 $0x1  }
0x6: {  	s22 =	simm.s32 $0x4;
	s23 =	simm.s32 $0x2;
	s8 =	smul.u32 $0x30E00, s0  }
0x7: {  	s24 =	simm.s32 $0x9C40;
	s6 =	sand.u32 $0x1, s3;
	s28 =	smul.u32 $0xC350, s0  }
0x8: {  	[smem:$0x7FF] =	sst s4;
	s14 =	sadd.s32 $0x1AE00, s5;
	s17 =	smul.u32 $0x186A, s0  }
0x9: {  	s12 =	sadd.s32 $0x2600, s5;
	s30 =	sshll.u32 s0, $0x6;
	s7 =	smul.u32 $0x186A0, s6  }
0xa: {  	_ =	strace $0x8000004D;
	s9 =	sshll.u32 s6, $0x5;
	s6 =	ssub.s32 $0x2, s6  }
0xb: {  	s25 =	sor.u32 s9, s8;
	s26 =	sshrl.u32 s6, $0x1;
	s29 =	sshrl.u32 s8, $0x2  }
0xc: {  	s31 =	sadd.s32 s17, s12;
	s10 =	sadd.s32 s7, s5;
	s7 =	sshrl.u32 s25, $0x4  }
0xd: {  	s13 =	ssub.s32 s6, s26;
	s15 =	sadd.s32 s29, s2;
	s25 =	simm.s32 $0x0  }
0xe: {  	s11 =	sadd.s32 s7, s5;
	s5 =	sor.u32 $0x1C05, s30;
	s7 =	sshrl.u32 s28, $0x3  }
.Ltmp0:
0xf: {  	s8 =	sadd.s32 $0x33600, s10;
	s15 =	sshrl.u32 s15, $0x3;
	(pc) =	sbr.rel .LBB2_1-.Ltmp0, $4  }
0x10: {  	s6 =	sadd.s32 s14, s7;
	s16 =	sadd.s32 $0xFA, s7;
	s7 =	sadd.s32 s12, s7  }
0x11: {  	s11 =	sadd.s32 $0x64400, s11;
	s9 =	sadd.s32 s14, s16;
	s10 =	sadd.s32 s12, s16  }
0x12: {  	s12 =	smax.u32 s13, $0x1;
	s13 =	sadd.s32 $0x1F4, s31;
	s14 =	sadd.s32 s17, s14  }
0x13: {  	s16 =	simm.s32 $0x5;
	s17 =	simm.s32 $0x7D0;
	s14 =	sadd.s32 $0x1F4, s14  }
.LBB2_5:
0x14: {  	s25 =	sadd.s32 $0x1, s25  }
0x15: {  	p0 =	sne.s32 s25, s12  }
.Ltmp1:
0x16: {  	[bflag:$0x0] =	sbarrier.arrive $0xFFFF;
	(pc) =	sbr.rel @!p0 .LBB2_6-.Ltmp1, $4  }
0x17: {  	[hbm:s11@s22], [sflag:s5] =	dma.strided [spmem:s15@s23], $0x1870, s21, $0x2   }
0x18: {  	_ =	swait.ge [sflag:s16], $0x1870  }
0x19: {  	[sflag:s16] =	ssyncset.done $0x0  }
0x1a: {  	[sflag:s16] =	ssyncadd.s32 $0xFFFFE790  }
.LBB2_1:
0x1b: {  	[spmem:s15], [sflag:s5] =	dma.local [hbm:s1], $0x1870  }
0x1c: {  	_ =	swait.ge [sflag:s16], $0x1870  }
0x1d: {  	[sflag:s16] =	ssyncset.done $0x0  }
0x1e: {  	[sflag:s16] =	ssyncadd.s32 $0xFFFFE790  }
0x1f: {  	[bflag:$0x0] =	sbarrier.arrive $0xFFFF  }
0x20: {  	[tilespmem:s4], [sflag:$0x5] =	stream.linear.gather [hbm4b:s6+s4], $0x7D0, $0x38;
	[tilespmem:$0x1DCC0] =	vst v63  }
0x21: {  	_ =	swait.ge [sflag:s16], $0x7D0  }
0x22: {  	[sflag:s16] =	ssyncset.done $0x0  }
0x23: {  	[sflag:s16] =	ssyncadd.s32 $0xFFFFF830  }
0x24: {  	[tilespmem:s17], [sflag:$0x5] =	stream.linear.gather [hbm4b:s7+s4], $0x7D0, $0x38;
	[tilespmem:$0x1DCC0] =	vst v63  }
0x25: {  	_ =	swait.ge [sflag:s16], $0x7D0  }
0x26: {  	[sflag:s16] =	ssyncset.done $0x0  }
0x27: {  	[sflag:s16] =	ssyncadd.s32 $0xFFFFF830  }
0x28: {  	[tilespmem:s18], [sflag:$0x1] =	stream.indirect.gather [hbm4b:s8+s17], $0x10, s4, s17, $0xb8;
	[tilespmem:$0x1DCC0] =	vst v63  }
.Ltmp2:
0x29: {  	_ = 	snop;
	(pc) =	sbr.rel .LBB2_2-.Ltmp2, $4  }
0x2a: {  	_ = 	snop  }
0x2b: {  	[tilespmem:s19], [sflag:$0x4] =	stream.linear.gather [hbm4b:s9+s4], $0x7D0, $0x38;
	[tilespmem:$0x1DCC0] =	vst v63  }
0x2c: {  	s26 =	smov.u32 s14;
	s28 =	smov.u32 s13;
	s29 =	simm.s32 $0x0  }
0x2d: {  	[tilespmem:s20], [sflag:$0x4] =	stream.linear.gather [hbm4b:s10+s4], $0x7D0, $0x38;
	[tilespmem:$0x1DCC0] =	vst v63  }
.LBB2_4:
0x2e: {  	s29 =	sadd.s32 $0x1, s29  }
0x2f: {  	p0 =	sne.s32 s29, $0x19  }
.Ltmp3:
0x30: {  	_ = 	snop;
	(pc) =	sbr.rel @!p0 .LBB2_5-.Ltmp3, $2  }
0x31: {  	_ =	sdelay $0x2  }
0x32: {  	s28 =	sadd.s32 $0xFA, s28;
	s26 =	sadd.s32 $0xFA, s26  }
.LBB2_2:
0x33: {  	s30 =	sand.u32 $0x1, s29  }
0x34: {  	p0 =	seq.s32 s30, $0x1  }
0x35: {  	p1 =	seq.s32 @!p0 s29, $0x18  }
0x36: {  	p2 =	por !p1, p0  }
0x37: {  	s31 =	simm.s32 @!p2 $0x1  }
0x38: {  	_ =	swait.ge @!p2 [sflag:s31], $0x7D00  }
0x39: {  	p1 =	por p1, p0;
	[sflag:s31] =	ssyncset.done @!p2 $0x0  }
0x3a: {  	[sflag:s31] =	ssyncadd.s32 @!p2 $0xFFFF8300;
	s31 =	simm.s32 @!p1 $0x4  }
0x3b: {  	_ =	swait.ge @!p1 [sflag:s31], $0x7D0  }
0x3c: {  	[sflag:s31] =	ssyncset.done @!p1 $0x0  }
0x3d: {  	[sflag:s31] =	ssyncadd.s32 @!p1 $0xFFFFF830  }
0x3e: {  	_ =	swait.ge @!p1 [sflag:s31], $0x7D0  }
0x3f: {  	[sflag:s31] =	ssyncset.done @!p1 $0x0  }
0x40: {  	[sflag:s31] =	ssyncadd.s32 @!p1 $0xFFFFF830;
	s31 =	simm.s32 @!p1 $0x1  }
0x41: {  	_ =	swait.ge @!p1 [sflag:s31], $0x7D00  }
0x42: {  	s0 =	simm.s32 @!p1 $0x8CA0;
	[sflag:s31] =	ssyncset.done @!p1 $0x0  }
0x43: {  	s3 =	simm.s32 @!p1 $0x9C40;
	[sflag:s31] =	ssyncadd.s32 @!p1 $0xFFFF8300;
	s31 =	simm.s32 @!p1 $0x7D0  }
0x44: {  	[tilespmem:s3], [sflag:$0x2] =	stream.indirect.gather @!p1 [hbm4b:s8+s31], $0x10, s0, s31, $0xb8;
	[tilespmem:$0x1DCC0] =	vst v63  }
0x45: {  	s0 =	simm.s32 @!p0 $0x7D0;
	s3 =	simm.s32 @!p0 $0xFA0  }
0x46: {  	[spmem:s2] =	stream.indirect.scatter.add.bf16 @!p0 [tilespmem:s3], [sflag:$0x5], $0x10, s0, s0, $0xb8;
	[tilespmem:$0x1DCC0] =	vst v63  }
0x47: {  	s0 =	simm.s32 @!p0 $0x5  }
0x48: {  	p1 =	sgt.u32 @!p0 s29, $0x16;
	_ =	swait.ge @!p0 [sflag:s0], $0x7D00  }
0x49: {  	p1 =	por p1, p0;
	[sflag:s0] =	ssyncset.done @!p0 $0x0  }
0x4a: {  	[sflag:s0] =	ssyncadd.s32 @!p0 $0xFFFF8300;
	s0 =	simm.s32 @!p1 $0x0  }
0x4b: {  	[tilespmem:s0], [sflag:$0x3] =	stream.linear.gather @!p1 [hbm4b:s26+s0], $0x7D0, $0x38;
	[tilespmem:$0x1DCC0] =	vst v63  }
0x4c: {  	s3 =	simm.s32 @!p1 $0x7D0  }
0x4d: {  	[tilespmem:s3], [sflag:$0x3] =	stream.linear.gather @!p1 [hbm4b:s28+s0], $0x7D0, $0x38;
	[tilespmem:$0x1DCC0] =	vst v63  }
0x4e: {  	p1 =	seq.s32 @!p0 s30, $0x0  }
0x4f: {  	p0 =	por p0, !p1  }
.Ltmp4:
0x50: {  	_ = 	snop;
	(pc) =	sbr.rel @!p0 .LBB2_4-.Ltmp4, $1  }
0x51: {  	_ =	sdelay $0x3  }
0x52: {  	p0 =	seq.s32 s29, $0x18  }
0x53: {  	s0 =	simm.s32 @p0 $0x2  }
0x54: {  	_ =	swait.ge @p0 [sflag:s0], $0x7D00  }
0x55: {  	[sflag:s0] =	ssyncset.done @p0 $0x0  }
0x56: {  	[sflag:s0] =	ssyncadd.s32 @p0 $0xFFFF8300;
	s0 =	simm.s32 @!p0 $0x3  }
0x57: {  	_ =	swait.ge @!p0 [sflag:s0], $0x7D0  }
0x58: {  	[sflag:s0] =	ssyncset.done @!p0 $0x0  }
0x59: {  	[sflag:s0] =	ssyncadd.s32 @!p0 $0xFFFFF830  }
0x5a: {  	_ =	swait.ge @!p0 [sflag:s0], $0x7D0  }
0x5b: {  	[sflag:s0] =	ssyncset.done @!p0 $0x0  }
0x5c: {  	[sflag:s0] =	ssyncadd.s32 @!p0 $0xFFFFF830;
	s0 =	simm.s32 @!p0 $0x2  }
0x5d: {  	_ =	swait.ge @!p0 [sflag:s0], $0x7D00  }
0x5e: {  	s3 =	simm.s32 @!p0 $0x0;
	[sflag:s0] =	ssyncset.done @!p0 $0x0  }
0x5f: {  	s30 =	simm.s32 @!p0 $0xFA0;
	[sflag:s0] =	ssyncadd.s32 @!p0 $0xFFFF8300;
	s0 =	simm.s32 @!p0 $0x7D0  }
0x60: {  	[tilespmem:s30], [sflag:$0x1] =	stream.indirect.gather @!p0 [hbm4b:s8+s0], $0x10, s3, s0, $0xb8;
	[tilespmem:$0x1DCC0] =	vst v63  }
0x61: {  	_ = 	snop  }
0x62: {  	[spmem:s2] =	stream.indirect.scatter.add.bf16 [tilespmem:s24], [sflag:$0x5], $0x10, s20, s17, $0xb8;
	[tilespmem:$0x1DCC0] =	vst v63  }
0x63: {  	_ =	swait.ge [sflag:s16], $0x7D00  }
.Ltmp5:
0x64: {  	p0 =	sgt.u32 s29, $0x16;
	[sflag:s16] =	ssyncset.done $0x0;
	(pc) =	sbr.rel .LBB2_4-.Ltmp5, $4  }
0x65: {  	s0 =	simm.s32 @!p0 $0x0;
	s3 =	simm.s32 @!p0 $0x8CA0;
	[sflag:s16] =	ssyncadd.s32 $0xFFFF8300  }
0x66: {  	[tilespmem:s3], [sflag:$0x4] =	stream.linear.gather @!p0 [hbm4b:s26+s0], $0x7D0, $0x38;
	[tilespmem:$0x1DCC0] =	vst v63  }
0x67: {  	s3 =	simm.s32 @!p0 $0x9470  }
0x68: {  	[tilespmem:s3], [sflag:$0x4] =	stream.linear.gather @!p0 [hbm4b:s28+s0], $0x7D0, $0x38;
	[tilespmem:$0x1DCC0] =	vst v63  }
.LBB2_6:
0x69: {  	_ =	sfence.sel $0x180000  }
0x6a: {  	[bflag:$0x0] =	sbarrier.arrive $0xFFFF  }
0x6b: {  	_ =	strace $0x9000004D  }
0x6c: {  	s0 =	stileid.u32;
	[bflag:$0x2] =	sbarrier.arrive $0xFFFF  }
0x6d: {  	p0 =	sne.s32 s0, $0x0;
	s0 =	rddreg [dreg:$0x3]  }
0x6e: {  	s0 =	sadd.s32 @!p0 $0x100000, s0  }
0x6f: {  	[sflag:s0] =	ssyncadd.tile.s32 @!p0 $0x1;
	_ =	shalt  }
.Lfunc_end2:
_tile_overlayer_lowered:
.L_overlay_start_2:
0x70: {  	(tag) =	ssettag $0x2  }
0x71: {  	s0 =	rddreg [dreg:$0x0];
	s2 =	stileid.u32  }
0x72: {  	s1 =	rddreg [dreg:$0x1];
	p0 =	sne.s32 s2, $0x0  }
0x73: {  	s3 =	rddreg [dreg:$0x2];
	[bflag:$0x3] =	sbarrier.arrive $0xFFFF;
	s2 =	simm.s32 @!p0 $0x1C05  }
0x74: {  	[timem:s3], [sflag:s2] =	dma.local @!p0 [hbm:s0], s1  }
0x75: {  	s0 =	simm.s32 @!p0 $0x5  }
0x76: {  	_ =	swait.ge @!p0 [sflag:s0], s1  }
0x77: {  	s1 =	ssub.s32 @!p0 $0x0, s1;
	[sflag:s0] =	ssyncset.done @!p0 $0x0  }
0x78: {  	[sflag:s0] =	ssyncadd.s32 @!p0 s1  }
0x79: {  	[bflag:$0x3] =	sbarrier.arrive $0xFFFF  }
0x7a: {  	_ =	shalt  }

// kernel: kernel.19.cloned.1.call-start
scs
__scs_entry_jumppad:
0x0: {  	(pc) =	sbr.rel $0x88, $3  }
0x1: {  	(tag) =	ssettag $0x0;
	lr =	simm.s32 $0x1  }
0x2: {  	[smem:$0x3F93] =	sst lr;
	_ =	strace $0xD0000000  }
0x3: {  	_ = 	snop  }
0x4: {  	_ = 	snop  }
0x5: {  	_ = 	snop  }
0x6: {  	_ = 	snop  }
0x7: {  	_ = 	snop  }
__scs_overlays_trampoline_lowered:
0x8: {  	[smem:$0x3FA2] =	sst s0  }
0x9: {  	[smem:$0x3FA3] =	sst s1  }
0xa: {  	[smem:$0x3FA4] =	sst s2  }
0xb: {  	[smem:$0x3FA5] =	sst s3  }
0xc: {  	[smem:$0x3FA6] =	sst s4  }
0xd: {  	[smem:$0x3FA7] =	sst s5  }
0xe: {  	[smem:$0x3FA8] =	sst s6  }
0xf: {  	[smem:$0x3FA9] =	sst s7  }
0x10: {  	[smem:$0x3FAA] =	sst s8  }
0x11: {  	[smem:$0x3FAB] =	sst s9;
	s0 =	simm.s32 @!p0 $0x0  }
0x12: {  	s1 =	sld [smem:$0x3F91];
	s0 =	simm.s32 @p0 $0x1  }
0x13: {  	[smem:$0x3FAC] =	sst s0;
	s0 =	simm.s32 @!p1 $0x0  }
0x14: {  	s2 =	sld [smem:$0x3F90];
	s0 =	simm.s32 @p1 $0x1  }
0x15: {  	[smem:$0x3FAD] =	sst s0;
	s0 =	simm.s32 @!p2 $0x0  }
0x16: {  	s3 =	sld [smem:$0x3FDB];
	s0 =	simm.s32 @p2 $0x1  }
0x17: {  	s4 =	simm.s32 $0x1BF5;
	[smem:$0x3FAF] =	sst s0  }
0x18: {  	s0 =	sld [smem:$0x3F92];
	_ =	swait.ge [sflag:s4], $0x0  }
0x19: {  	s7 =	sld [smem:$0x3F93]  }
0x1a: {  	s8 =	sadd.s32 $0xFFFFE003, lr  }
0x1b: {  	s9 =	sadd.s32 $0xFFFFFEF7, lr;
	s5 =	simm.s32 $0xFFFFFFFF;
	p2 =	slt.u32 s8, $0xFFFFF086  }
0x1c: {  	p1 =	slt.u32 s9, $0xF7A;
	s5 =	simm.s32 @!p2 $0x0  }
0x1d: {  	s5 =	simm.s32 @p1 $0x1;
	p0 =	seq.s32 s7, s2  }
0x1e: {  	s7 =	smul.u32 @!p0 $0xF7A, s2;
	p2 =	seq.s32 @!p0 s5, $0x0  }
0x1f: {  	s9 =	smul.u32 $0xF7A, s1;
	s8 =	simm.s32 @!p0 $0x1BF5;
	p2 =	por !p2, p0  }
0x20: {  	[sflag:s8] =	ssyncset.s32 @!p0 $0xFFFFF086;
	s6 =	sadd.s32 @!p0 s3, s7;
	s7 =	simm.s32 @!p0 $0x108  }
0x21: {  	s3 =	sadd.s32 s3, s9;
	s6 =	sadd.s32 @!p0 $0x88, s6;
	s7 =	simm.s32 @p2 $0x1082  }
0x22: {  	[simem:s7], [sflag:s8] =	dma.local @!p0 [hbm:s6], $0xF7A  }
0x23: {  	s9 =	sor.u32 $0xD0000000, s2;
	s6 =	simm.s32 $0x108;
	_ =	swait.ge @!p0 [sflag:s8], $0x0  }
0x24: {  	s3 =	sadd.s32 $0x88, s3;
	s6 =	simm.s32 @!p1 $0x1082;
	[sflag:s4] =	ssyncset.s32 $0xFFFFF086  }
0x25: {  	[simem:s6], [sflag:s4] =	dma.local [hbm:s3], $0xF7A  }
0x26: {  	[smem:$0x3F93] =	sst s1;
	(tag) =	ssettag s2;
	_ =	strace s9  }
0x27: {  	s1 =	sld [smem:$0x3FA3]  }
0x28: {  	s2 =	sld [smem:$0x3FA4]  }
0x29: {  	s4 =	sld [smem:$0x3FA6]  }
0x2a: {  	p0 =	seq.s32 s5, $0x0;
	s5 =	sld [smem:$0x3FA7]  }
0x2b: {  	s6 =	sld [smem:$0x3FA8]  }
0x2c: {  	s7 =	sld [smem:$0x3FA9]  }
0x2d: {  	s3 =	simm.s32 $0x108;
	s8 =	sld [smem:$0x3FAA]  }
0x2e: {  	s3 =	simm.s32 @!p0 $0x1082;
	s9 =	sld [smem:$0x3FAB]  }
0x2f: {  	lr =	sadd.s32 s0, s3;
	s0 =	sld [smem:$0x3FA2]  }
0x30: {  	s3 =	sld [smem:$0x3FA5]  }
0x31: {  	[smem:$0x3FAE] =	sst s10  }
0x32: {  	s10 =	sld [smem:$0x3FAC];
	_ =	sdelay $0x3  }
0x33: {  	p0 =	seq.s32 s10, $0x1;
	s10 =	sld [smem:$0x3FAE];
	_ =	sdelay $0x3  }
0x34: {  	[smem:$0x3FAE] =	sst s10  }
0x35: {  	s10 =	sld [smem:$0x3FAD];
	_ =	sdelay $0x3  }
0x36: {  	p1 =	seq.s32 s10, $0x1;
	s10 =	sld [smem:$0x3FAE];
	_ =	sdelay $0x3  }
0x37: {  	[smem:$0x3FAE] =	sst s10  }
0x38: {  	s10 =	sld [smem:$0x3FAF]  }
0x39: {  	_ = 	snop;
	(pc) =	sbr.ind lr, $3  }
0x3a: {  	_ = 	snop  }
0x3b: {  	_ = 	snop  }
0x3c: {  	p2 =	seq.s32 s10, $0x1;
	s10 =	sld [smem:$0x3FAE]  }
0x3d: {  	_ =	shalt  }
0x3e: {  	_ =	shalt  }
0x3f: {  	_ =	shalt  }
0x40: {  	_ =	shalt  }
0x41: {  	_ =	shalt  }
0x42: {  	_ =	shalt  }
0x43: {  	_ =	shalt  }
0x44: {  	_ =	shalt  }
0x45: {  	_ =	shalt  }
0x46: {  	_ =	shalt  }
0x47: {  	_ =	shalt  }
0x48: {  	_ =	shalt  }
0x49: {  	_ =	shalt  }
0x4a: {  	_ =	shalt  }
0x4b: {  	_ =	shalt  }
0x4c: {  	_ =	shalt  }
0x4d: {  	_ =	shalt  }
0x4e: {  	_ =	shalt  }
0x4f: {  	_ =	shalt  }
0x50: {  	_ =	shalt  }
0x51: {  	_ =	shalt  }
0x52: {  	_ =	shalt  }
0x53: {  	_ =	shalt  }
0x54: {  	_ =	shalt  }
0x55: {  	_ =	shalt  }
0x56: {  	_ =	shalt  }
0x57: {  	_ =	shalt  }
0x58: {  	_ =	shalt  }
0x59: {  	_ =	shalt  }
0x5a: {  	_ =	shalt  }
0x5b: {  	_ =	shalt  }
0x5c: {  	_ =	shalt  }
0x5d: {  	_ =	shalt  }
0x5e: {  	_ =	shalt  }
0x5f: {  	_ =	shalt  }
0x60: {  	_ =	shalt  }
0x61: {  	_ =	shalt  }
0x62: {  	_ =	shalt  }
0x63: {  	_ =	shalt  }
0x64: {  	_ =	shalt  }
0x65: {  	_ =	shalt  }
0x66: {  	_ =	shalt  }
0x67: {  	_ =	shalt  }
0x68: {  	_ =	shalt  }
0x69: {  	_ =	shalt  }
0x6a: {  	_ =	shalt  }
0x6b: {  	_ =	shalt  }
0x6c: {  	_ =	shalt  }
0x6d: {  	_ =	shalt  }
0x6e: {  	_ =	shalt  }
0x6f: {  	_ =	shalt  }
0x70: {  	_ =	shalt  }
0x71: {  	_ =	shalt  }
0x72: {  	_ =	shalt  }
0x73: {  	_ =	shalt  }
0x74: {  	_ =	shalt  }
0x75: {  	_ =	shalt  }
0x76: {  	_ =	shalt  }
0x77: {  	_ =	shalt  }
0x78: {  	_ =	shalt  }
0x79: {  	_ =	shalt  }
0x7a: {  	_ =	shalt  }
0x7b: {  	_ =	shalt  }
0x7c: {  	_ =	shalt  }
0x7d: {  	_ =	shalt  }
0x7e: {  	_ =	shalt  }
0x7f: {  	_ =	shalt  }
0x80: {  	_ =	shalt  }
0x81: {  	_ =	shalt  }
0x82: {  	_ =	shalt  }
0x83: {  	_ =	shalt  }
0x84: {  	_ =	shalt  }
0x85: {  	_ =	shalt  }
0x86: {  	_ =	shalt  }
0x87: {  	_ =	shalt  }
.Lfunc_end0:
.L_simem_size_0:
called_computation.3_lowered:
.L_overlay_start_0:
0x88: {  	s2 =	sld [smem:$0x3FD9]  }
0x89: {  	s3 =	sld [smem:$0x3FFE];
	_ =	sdelay $0x1  }
0x8a: {  	s1 =	srdreg.scid  }
0x8b: {  	s0 =	sand.u32 $0x1, s1  }
0x8c: {  	s16 =	sshll.u32 s0, $0xA;
	s2 =	sadd.s32 s3, s2  }
0x8d: {  	s2 =	sadd.s32 s2, s16  }
0x8e: {  	[smem:$0x3FBA] =	sst s2  }
0x8f: {  	_ = 	snop  }
0x90: {  	(tm) =	ssettm $0x1  }
0x91: {  	s17 =	sld [smem:$0x3FFB];
	_ =	sdelay $0x3  }
0x92: {  	_ =	strace s17  }
0x93: {  	s2 =	sld [smem:$0x3FFC];
	_ =	sdelay $0x3  }
0x94: {  	_ =	strace s2  }
0x95: {  	s2 =	sld [smem:$0x3FFD];
	_ =	sdelay $0x3  }
0x96: {  	_ =	strace s2  }
0x97: {  	_ =	strace $0x8FFFFFFF  }
0x98: {  	s18 =	sld [smem:$0x3FDB];
	_ =	sdelay $0x1  }
0x99: {  	s19 =	simm.s32 $_scs_section_size  }
0x9a: {  	s4 =	simm.s32 $_size__tile_overlayer_lowered;
	s5 =	simm.s32 $_tile_overlayer_lowered  }
0x9b: {  	s22 =	simm.s32 $0x1BFF;
	s21 =	sshll.u32 s5, $0x1;
	s2 =	sadd.s32 s19, s18  }
0x9c: {  	s6 =	simm.s32 $0x0;
	s20 =	sshll.u32 s4, $0x1;
	s4 =	sadd.s32 s21, s2  }
0x9d: {  	[timem:s6], [sflag:s22] =	dma.local [hbm:s4], s20  }
0x9e: {  	_ =	swait.ge [sflag:s22], s20  }
0x9f: {  	s3 =	ssub.s32 $0x0, s20;
	[sflag:s22] =	ssyncset.done $0x0  }
0xa0: {  	[sflag:s22] =	ssyncadd.s32 s3;
	_ =	sdelay $0x1  }
0xa1: {  	s23 =	simm.s32 $0x1B8B  }
0xa2: {  	_ =	swait.ge [sflag:s23], $0x1  }
0xa3: {  	[sflag:s23] =	ssyncset.done $0x0  }
0xa4: {  	s25 =	simm.s32 $0x1B8E;
	s24 =	sld [smem:$0x3FFE];
	[sflag:s23] =	ssyncadd.s32 $0xFFFFFFFF  }
0xa5: {  	s26 =	simm.s32 $execute0_lowered;
	[smem:$0x3FD2] =	sst s25  }
0xa6: {  	s4 =	sshll.u32 s26, $0x1;
	_ =	strace $0x8000004F;
	[dreg:$0x1] =	wrdreg $0xFFFFFFFF  }
0xa7: {  	s28 =	simm.s32 $_size_execute0_lowered;
	s2 =	sadd.s32 s2, s4;
	[dreg:$0x0] =	wrdreg $0x0  }
0xa8: {  	s4 =	sshll.u32 s28, $0x1;
	[dreg:$0x2] =	wrdreg s2  }
0xa9: {  	[dreg:$0x3] =	wrdreg s4  }
0xaa: {  	[dreg:$0x4] =	wrdreg $0xC0  }
0xab: {  	_ =	task [dreg:s6], $0x5FFFF  }
0xac: {  	[dreg:$0x1] =	wrdreg $0xFFFFFFFF  }
0xad: {  	[dreg:$0x0] =	wrdreg $0x60  }
0xae: {  	[dreg:$0x2] =	wrdreg s24  }
0xaf: {  	[dreg:$0x3] =	wrdreg $0x186A00  }
0xb0: {  	[dreg:$0x4] =	wrdreg $0x9  }
0xb1: {  	_ =	task.clear_ibuf [dreg:s6], $0x5FFFF;
	_ =	strace $0x9000004F  }
0xb2: {  	s29 =	simm.s32 $0x9;
	_ =	strace $0x80000051  }
0xb3: {  	_ =	swait.ge [sflag:s29], $0x1  }
0xb4: {  	[sflag:s29] =	ssyncadd.s32 $0xFFFFFFFF  }
0xb5: {  	_ =	strace $0x90000051  }
0xb6: {  	_ =	sfence  }
0xb7: {  	s30 =	sld [smem:$0x0];
	_ =	sdelay $0x2  }
0xb8: {  	s31 =	sshll.u32 s1, $0xD;
	s1 =	sshrl.u32 s1, $0x2  }
0xb9: {  	s3 =	sand.u32 $0x4000, s31;
	s1 =	sadd.s32 s1, s30  }
0xba: {  	s0 =	sor.u32 s3, s0;
	s1 =	sshll.u32 s1, $0x11  }
0xbb: {  	s0 =	sor.u32 s1, s0  }
0xbc: {  	s0 =	sadd.s32 $0x8F2B, s0  }
0xbd: {  	[sflag:s0] =	ssyncadd.remote.s32 $0x1  }
0xbe: {  	_ =	sfence.sel $0xFFFF  }
0xbf: {  	[dreg:$0x0] =	wrdreg $0xFFFFFFFF;
	(pc) =	sbr.abs _section_cstart, $3  }
0xc0: {  	[dreg:$0x1] =	wrdreg $0xFFFFFFFF  }
0xc1: {  	_ =	task.clear_ibuf [dreg:s6], $0x2FFFF;
	_ =	strace $0x9FFFFFFF  }
0xc2: {  	(tm) =	ssettm $0x7FFFFFFF  }
0xc3: {  	_ =	shalt  }
tec
execute0_lowered:
.L_overlay_start_1:
0x0: {  	(tag) =	ssettag $0x1  }
0x1: {  	s29 =	rddreg [dreg:$0x0]  }
0x2: {  	s2 =	rddreg [dreg:$0x1]  }
0x3: {  	s3 =	simm.s32 $0x0;
	s1 =	stileid.u32;
	s0 =	srdreg.scid  }
0x4: {  	[smem:$0x7FF] =	sst s3;
	s30 =	smul.u32 $0x61C0, s1;
	s4 =	sadd.s32 $0x103000, s29  }
0x5: {  	s31 =	sand.u32 $0x1, s0;
	s25 =	sshll.u32 s1, $0x6;
	s26 =	sshll.u32 s1, $0x1  }
0x6: {  	_ =	strace $0x80000050;
	s5 =	sor.u32 $0x1C05, s25;
	s6 =	sadd.s32 s30, s2  }
0x7: {  	s0 =	sor.u32 s31, s26;
	s7 =	sshrl.u32 s6, $0x3;
	s6 =	simm.s32 $0x5  }
0x8: {  	[spmem:s7], [sflag:s5] =	dma.local [hbm:s4], $0xC38  }
0x9: {  	s24 =	smul.u32 $0x61A8, s0;
	_ =	swait.ge [sflag:s6], $0xC38  }
0xa: {  	[sflag:s6] =	ssyncset.done $0x0  }
0xb: {  	s26 =	sadd.s32 $0x1AE00, s29;
	s28 =	sshrl.u32 s24, $0x3;
	[sflag:s6] =	ssyncadd.s32 $0xFFFFF3C8  }
0xc: {  	s8 =	sadd.s32 s26, s28;
	[bflag:$0x0] =	sbarrier.arrive $0xFFFF  }
0xd: {  	[tilespmem:s3], [sflag:$0x5] =	stream.linear.gather [hbm4b:s8+s3], $0x1388, $0x38;
	[tilespmem:$0x1E860] =	vst v63  }
0xe: {  	_ =	swait.ge [sflag:s6], $0x1388  }
0xf: {  	s0 =	sadd.s32 $0x2600, s29;
	[sflag:s6] =	ssyncset.done $0x0  }
0x10: {  	s10 =	simm.s32 $0x1388;
	s9 =	sadd.s32 s0, s28;
	[sflag:s6] =	ssyncadd.s32 $0xFFFFEC78  }
0x11: {  	[tilespmem:s10], [sflag:$0x5] =	stream.linear.gather [hbm4b:s9+s3], $0x1388, $0x38;
	[tilespmem:$0x1E860] =	vst v63  }
0x12: {  	_ =	swait.ge [sflag:s6], $0x1388  }
0x13: {  	s11 =	sadd.s32 $0xF6C00, s29;
	s12 =	sadd.s32 $0x1388, s24;
	[sflag:s6] =	ssyncset.done $0x0  }
0x14: {  	s15 =	sshrl.u32 s12, $0x3;
	s12 =	simm.s32 $0x2710;
	[sflag:s6] =	ssyncadd.s32 $0xFFFFEC78  }
0x15: {  	[tilespmem:s12], [sflag:$0x1] =	stream.indirect.gather [hbm4b:s11+s10], $0x8, s3, s10, $0xb8;
	[tilespmem:$0x1E860] =	vst v63  }
0x16: {  	s14 =	simm.s32 $0xC350;
	s13 =	sadd.s32 s26, s15  }
0x17: {  	[tilespmem:s14], [sflag:$0x4] =	stream.linear.gather [hbm4b:s13+s3], $0x1388, $0x38;
	[tilespmem:$0x1E860] =	vst v63  }
0x18: {  	s16 =	simm.s32 $0xD6D8;
	s17 =	simm.s32 $0x4;
	s15 =	sadd.s32 s0, s15  }
0x19: {  	[tilespmem:s16], [sflag:$0x4] =	stream.linear.gather [hbm4b:s15+s3], $0x1388, $0x38;
	[tilespmem:$0x1E860] =	vst v63  }
0x1a: {  	_ =	swait.ge [sflag:s17], $0x1388  }
0x1b: {  	[sflag:s17] =	ssyncset.done $0x0  }
0x1c: {  	[sflag:s17] =	ssyncadd.s32 $0xFFFFEC78  }
0x1d: {  	_ =	swait.ge [sflag:s17], $0x1388  }
0x1e: {  	[sflag:s17] =	ssyncset.done $0x0  }
0x1f: {  	s18 =	simm.s32 $0x1;
	[sflag:s17] =	ssyncadd.s32 $0xFFFFEC78  }
0x20: {  	_ =	swait.ge [sflag:s18], $0x9C40  }
0x21: {  	[sflag:s18] =	ssyncset.done $0x0  }
0x22: {  	s19 =	simm.s32 $0xEA60;
	[sflag:s18] =	ssyncadd.s32 $0xFFFF63C0  }
0x23: {  	[tilespmem:s19], [sflag:$0x2] =	stream.indirect.gather [hbm4b:s11+s10], $0x8, s14, s10, $0xb8;
	[tilespmem:$0x1E860] =	vst v63  }
0x24: {  	_ = 	snop  }
0x25: {  	[spmem:s2] =	stream.indirect.scatter.add.f32 [tilespmem:s12], [sflag:$0x5], $0x8, s10, s10, $0xb8;
	[tilespmem:$0x1E860] =	vst v63  }
0x26: {  	_ =	swait.ge [sflag:s6], $0x9C40  }
0x27: {  	s21 =	sadd.s32 $0x4E2, s28;
	[sflag:s6] =	ssyncset.done $0x0  }
0x28: {  	s20 =	sadd.s32 s26, s21;
	[sflag:s6] =	ssyncadd.s32 $0xFFFF63C0  }
0x29: {  	[tilespmem:s3], [sflag:$0x3] =	stream.linear.gather [hbm4b:s20+s3], $0x1388, $0x38;
	[tilespmem:$0x1E860] =	vst v63  }
0x2a: {  	s22 =	simm.s32 $0x3;
	s21 =	sadd.s32 s0, s21  }
0x2b: {  	[tilespmem:s10], [sflag:$0x3] =	stream.linear.gather [hbm4b:s21+s3], $0x1388, $0x38;
	[tilespmem:$0x1E860] =	vst v63  }
0x2c: {  	_ =	swait.ge [sflag:s22], $0x1388  }
0x2d: {  	[sflag:s22] =	ssyncset.done $0x0  }
0x2e: {  	[sflag:s22] =	ssyncadd.s32 $0xFFFFEC78  }
0x2f: {  	_ =	swait.ge [sflag:s22], $0x1388  }
0x30: {  	[sflag:s22] =	ssyncset.done $0x0  }
0x31: {  	s23 =	simm.s32 $0x2;
	[sflag:s22] =	ssyncadd.s32 $0xFFFFEC78  }
0x32: {  	_ =	swait.ge [sflag:s23], $0x9C40  }
0x33: {  	[sflag:s23] =	ssyncset.done $0x0  }
0x34: {  	[sflag:s23] =	ssyncadd.s32 $0xFFFF63C0  }
0x35: {  	[tilespmem:s12], [sflag:$0x1] =	stream.indirect.gather [hbm4b:s11+s10], $0x8, s3, s10, $0xb8;
	[tilespmem:$0x1E860] =	vst v63  }
0x36: {  	_ = 	snop  }
0x37: {  	[spmem:s2] =	stream.indirect.scatter.add.f32 [tilespmem:s19], [sflag:$0x5], $0x8, s16, s10, $0xb8;
	[tilespmem:$0x1E860] =	vst v63  }
0x38: {  	s24 =	sadd.s32 $0x3A98, s24;
	_ =	swait.ge [sflag:s6], $0x9C40  }
0x39: {  	s25 =	sshrl.u32 s24, $0x3;
	[sflag:s6] =	ssyncset.done $0x0  }
0x3a: {  	s24 =	sadd.s32 s26, s25;
	[sflag:s6] =	ssyncadd.s32 $0xFFFF63C0  }
0x3b: {  	[tilespmem:s14], [sflag:$0x4] =	stream.linear.gather [hbm4b:s24+s3], $0x1388, $0x38;
	[tilespmem:$0x1E860] =	vst v63  }
0x3c: {  	s25 =	sadd.s32 s0, s25  }
0x3d: {  	[tilespmem:s16], [sflag:$0x4] =	stream.linear.gather [hbm4b:s25+s3], $0x1388, $0x38;
	[tilespmem:$0x1E860] =	vst v63  }
0x3e: {  	_ =	swait.ge [sflag:s17], $0x1388  }
0x3f: {  	[sflag:s17] =	ssyncset.done $0x0  }
0x40: {  	[sflag:s17] =	ssyncadd.s32 $0xFFFFEC78  }
0x41: {  	_ =	swait.ge [sflag:s17], $0x1388  }
0x42: {  	[sflag:s17] =	ssyncset.done $0x0  }
0x43: {  	[sflag:s17] =	ssyncadd.s32 $0xFFFFEC78  }
0x44: {  	_ =	swait.ge [sflag:s18], $0x9C40  }
0x45: {  	[sflag:s18] =	ssyncset.done $0x0  }
0x46: {  	[sflag:s18] =	ssyncadd.s32 $0xFFFF63C0  }
0x47: {  	[tilespmem:s19], [sflag:$0x2] =	stream.indirect.gather [hbm4b:s11+s10], $0x8, s14, s10, $0xb8;
	[tilespmem:$0x1E860] =	vst v63  }
0x48: {  	_ = 	snop  }
0x49: {  	[spmem:s2] =	stream.indirect.scatter.add.f32 [tilespmem:s12], [sflag:$0x5], $0x8, s10, s10, $0xb8;
	[tilespmem:$0x1E860] =	vst v63  }
0x4a: {  	_ =	swait.ge [sflag:s6], $0x9C40  }
0x4b: {  	s28 =	sadd.s32 $0x9C4, s28;
	[sflag:s6] =	ssyncset.done $0x0  }
0x4c: {  	s26 =	sadd.s32 s26, s28;
	[sflag:s6] =	ssyncadd.s32 $0xFFFF63C0  }
0x4d: {  	[tilespmem:s3], [sflag:$0x3] =	stream.linear.gather [hbm4b:s26+s3], $0x1388, $0x38;
	[tilespmem:$0x1E860] =	vst v63  }
0x4e: {  	s28 =	sadd.s32 s0, s28  }
0x4f: {  	[tilespmem:s10], [sflag:$0x3] =	stream.linear.gather [hbm4b:s28+s3], $0x1388, $0x38;
	[tilespmem:$0x1E860] =	vst v63  }
0x50: {  	_ =	swait.ge [sflag:s22], $0x1388  }
0x51: {  	[sflag:s22] =	ssyncset.done $0x0  }
0x52: {  	[sflag:s22] =	ssyncadd.s32 $0xFFFFEC78  }
0x53: {  	_ =	swait.ge [sflag:s22], $0x1388  }
0x54: {  	[sflag:s22] =	ssyncset.done $0x0  }
0x55: {  	[sflag:s22] =	ssyncadd.s32 $0xFFFFEC78  }
0x56: {  	_ =	swait.ge [sflag:s23], $0x9C40  }
0x57: {  	[sflag:s23] =	ssyncset.done $0x0  }
0x58: {  	[sflag:s23] =	ssyncadd.s32 $0xFFFF63C0  }
0x59: {  	[tilespmem:s12], [sflag:$0x1] =	stream.indirect.gather [hbm4b:s11+s10], $0x8, s3, s10, $0xb8;
	[tilespmem:$0x1E860] =	vst v63  }
0x5a: {  	_ = 	snop  }
0x5b: {  	[spmem:s2] =	stream.indirect.scatter.add.f32 [tilespmem:s19], [sflag:$0x5], $0x8, s16, s10, $0xb8;
	[tilespmem:$0x1E860] =	vst v63  }
0x5c: {  	_ =	swait.ge [sflag:s6], $0x9C40  }
0x5d: {  	s0 =	smul.u32 $0x61C00, s31;
	[sflag:s6] =	ssyncset.done $0x0  }
0x5e: {  	[sflag:s6] =	ssyncadd.s32 $0xFFFF63C0  }
0x5f: {  	s0 =	sadd.s32 s30, s0;
	s30 =	ssub.s32 $0x2, s31;
	_ =	swait.ge [sflag:s18], $0x9C40  }
0x60: {  	s31 =	sshrl.u32 s30, $0x1;
	[sflag:s18] =	ssyncset.done $0x0  }
0x61: {  	s30 =	ssub.s32 s30, s31;
	[sflag:s18] =	ssyncadd.s32 $0xFFFF63C0  }
0x62: {  	[spmem:s2] =	stream.indirect.scatter.add.f32 [tilespmem:s12], [sflag:$0x5], $0x8, s10, s10, $0xb8;
	[tilespmem:$0x1E860] =	vst v63  }
0x63: {  	s31 =	smax.u32 s30, $0x1;
	_ =	swait.ge [sflag:s6], $0x9C40  }
0x64: {  	s0 =	sshrl.u32 s0, $0x3;
	p0 =	sne.s32 s31, $0x1;
	[sflag:s6] =	ssyncset.done $0x0  }
.Ltmp0:
0x65: {  	s0 =	sadd.s32 s0, s29;
	[sflag:s6] =	ssyncadd.s32 $0xFFFF63C0;
	(pc) =	sbr.rel @!p0 .LBB2_2-.Ltmp0, $4  }
0x66: {  	s29 =	sadd.s32 $0x33600, s0;
	[bflag:$0x0] =	sbarrier.arrive $0xFFFF  }
0x67: {  	[hbm:s29], [sflag:s5] =	dma.local [spmem:s7], $0xC38  }
0x68: {  	_ =	swait.ge [sflag:s6], $0xC38  }
0x69: {  	s30 =	sadd.s32 $0xFFFFFFFF, s31;
	[sflag:s6] =	ssyncset.done $0x0  }
.LBB2_1:
0x6a: {  	p0 =	sne.s32 s30, $0x1;
	s30 =	sadd.s32 $0xFFFFFFFF, s30;
	[sflag:s6] =	ssyncadd.s32 $0xFFFFF3C8  }
0x6b: {  	[spmem:s7], [sflag:s5] =	dma.local [hbm:s4], $0xC38  }
0x6c: {  	_ =	swait.ge [sflag:s6], $0xC38  }
0x6d: {  	[sflag:s6] =	ssyncset.done $0x0  }
0x6e: {  	[sflag:s6] =	ssyncadd.s32 $0xFFFFF3C8  }
0x6f: {  	[bflag:$0x0] =	sbarrier.arrive $0xFFFF  }
0x70: {  	[tilespmem:s3], [sflag:$0x5] =	stream.linear.gather [hbm4b:s8+s3], $0x1388, $0x38;
	[tilespmem:$0x1E860] =	vst v63  }
0x71: {  	_ =	swait.ge [sflag:s6], $0x1388  }
0x72: {  	[sflag:s6] =	ssyncset.done $0x0  }
0x73: {  	[sflag:s6] =	ssyncadd.s32 $0xFFFFEC78  }
0x74: {  	[tilespmem:s10], [sflag:$0x5] =	stream.linear.gather [hbm4b:s9+s3], $0x1388, $0x38;
	[tilespmem:$0x1E860] =	vst v63  }
0x75: {  	_ =	swait.ge [sflag:s6], $0x1388  }
0x76: {  	[sflag:s6] =	ssyncset.done $0x0  }
0x77: {  	[sflag:s6] =	ssyncadd.s32 $0xFFFFEC78  }
0x78: {  	[tilespmem:s12], [sflag:$0x1] =	stream.indirect.gather [hbm4b:s11+s10], $0x8, s3, s10, $0xb8;
	[tilespmem:$0x1E860] =	vst v63  }
0x79: {  	_ = 	snop  }
0x7a: {  	[tilespmem:s14], [sflag:$0x4] =	stream.linear.gather [hbm4b:s13+s3], $0x1388, $0x38;
	[tilespmem:$0x1E860] =	vst v63  }
0x7b: {  	_ = 	snop  }
0x7c: {  	[tilespmem:s16], [sflag:$0x4] =	stream.linear.gather [hbm4b:s15+s3], $0x1388, $0x38;
	[tilespmem:$0x1E860] =	vst v63  }
0x7d: {  	_ =	swait.ge [sflag:s17], $0x1388  }
0x7e: {  	[sflag:s17] =	ssyncset.done $0x0  }
0x7f: {  	[sflag:s17] =	ssyncadd.s32 $0xFFFFEC78  }
0x80: {  	_ =	swait.ge [sflag:s17], $0x1388  }
0x81: {  	[sflag:s17] =	ssyncset.done $0x0  }
0x82: {  	[sflag:s17] =	ssyncadd.s32 $0xFFFFEC78  }
0x83: {  	_ =	swait.ge [sflag:s18], $0x9C40  }
0x84: {  	[sflag:s18] =	ssyncset.done $0x0  }
0x85: {  	[sflag:s18] =	ssyncadd.s32 $0xFFFF63C0  }
0x86: {  	[tilespmem:s19], [sflag:$0x2] =	stream.indirect.gather [hbm4b:s11+s10], $0x8, s14, s10, $0xb8;
	[tilespmem:$0x1E860] =	vst v63  }
0x87: {  	_ = 	snop  }
0x88: {  	[spmem:s2] =	stream.indirect.scatter.add.f32 [tilespmem:s12], [sflag:$0x5], $0x8, s10, s10, $0xb8;
	[tilespmem:$0x1E860] =	vst v63  }
0x89: {  	_ =	swait.ge [sflag:s6], $0x9C40  }
0x8a: {  	[sflag:s6] =	ssyncset.done $0x0  }
0x8b: {  	[sflag:s6] =	ssyncadd.s32 $0xFFFF63C0  }
0x8c: {  	[tilespmem:s3], [sflag:$0x3] =	stream.linear.gather [hbm4b:s20+s3], $0x1388, $0x38;
	[tilespmem:$0x1E860] =	vst v63  }
0x8d: {  	_ = 	snop  }
0x8e: {  	[tilespmem:s10], [sflag:$0x3] =	stream.linear.gather [hbm4b:s21+s3], $0x1388, $0x38;
	[tilespmem:$0x1E860] =	vst v63  }
0x8f: {  	_ =	swait.ge [sflag:s22], $0x1388  }
0x90: {  	[sflag:s22] =	ssyncset.done $0x0  }
0x91: {  	[sflag:s22] =	ssyncadd.s32 $0xFFFFEC78  }
0x92: {  	_ =	swait.ge [sflag:s22], $0x1388  }
0x93: {  	[sflag:s22] =	ssyncset.done $0x0  }
0x94: {  	[sflag:s22] =	ssyncadd.s32 $0xFFFFEC78  }
0x95: {  	_ =	swait.ge [sflag:s23], $0x9C40  }
0x96: {  	[sflag:s23] =	ssyncset.done $0x0  }
0x97: {  	[sflag:s23] =	ssyncadd.s32 $0xFFFF63C0  }
0x98: {  	[tilespmem:s12], [sflag:$0x1] =	stream.indirect.gather [hbm4b:s11+s10], $0x8, s3, s10, $0xb8;
	[tilespmem:$0x1E860] =	vst v63  }
0x99: {  	_ = 	snop  }
0x9a: {  	[spmem:s2] =	stream.indirect.scatter.add.f32 [tilespmem:s19], [sflag:$0x5], $0x8, s16, s10, $0xb8;
	[tilespmem:$0x1E860] =	vst v63  }
0x9b: {  	_ =	swait.ge [sflag:s6], $0x9C40  }
0x9c: {  	[sflag:s6] =	ssyncset.done $0x0  }
0x9d: {  	[sflag:s6] =	ssyncadd.s32 $0xFFFF63C0  }
0x9e: {  	[tilespmem:s14], [sflag:$0x4] =	stream.linear.gather [hbm4b:s24+s3], $0x1388, $0x38;
	[tilespmem:$0x1E860] =	vst v63  }
0x9f: {  	_ = 	snop  }
0xa0: {  	[tilespmem:s16], [sflag:$0x4] =	stream.linear.gather [hbm4b:s25+s3], $0x1388, $0x38;
	[tilespmem:$0x1E860] =	vst v63  }
0xa1: {  	_ =	swait.ge [sflag:s17], $0x1388  }
0xa2: {  	[sflag:s17] =	ssyncset.done $0x0  }
0xa3: {  	[sflag:s17] =	ssyncadd.s32 $0xFFFFEC78  }
0xa4: {  	_ =	swait.ge [sflag:s17], $0x1388  }
0xa5: {  	[sflag:s17] =	ssyncset.done $0x0  }
0xa6: {  	[sflag:s17] =	ssyncadd.s32 $0xFFFFEC78  }
0xa7: {  	_ =	swait.ge [sflag:s18], $0x9C40  }
0xa8: {  	[sflag:s18] =	ssyncset.done $0x0  }
0xa9: {  	[sflag:s18] =	ssyncadd.s32 $0xFFFF63C0  }
0xaa: {  	[tilespmem:s19], [sflag:$0x2] =	stream.indirect.gather [hbm4b:s11+s10], $0x8, s14, s10, $0xb8;
	[tilespmem:$0x1E860] =	vst v63  }
0xab: {  	_ = 	snop  }
0xac: {  	[spmem:s2] =	stream.indirect.scatter.add.f32 [tilespmem:s12], [sflag:$0x5], $0x8, s10, s10, $0xb8;
	[tilespmem:$0x1E860] =	vst v63  }
0xad: {  	_ =	swait.ge [sflag:s6], $0x9C40  }
0xae: {  	[sflag:s6] =	ssyncset.done $0x0  }
0xaf: {  	[sflag:s6] =	ssyncadd.s32 $0xFFFF63C0  }
0xb0: {  	[tilespmem:s3], [sflag:$0x3] =	stream.linear.gather [hbm4b:s26+s3], $0x1388, $0x38;
	[tilespmem:$0x1E860] =	vst v63  }
0xb1: {  	_ = 	snop  }
0xb2: {  	[tilespmem:s10], [sflag:$0x3] =	stream.linear.gather [hbm4b:s28+s3], $0x1388, $0x38;
	[tilespmem:$0x1E860] =	vst v63  }
0xb3: {  	_ =	swait.ge [sflag:s22], $0x1388  }
0xb4: {  	[sflag:s22] =	ssyncset.done $0x0  }
0xb5: {  	[sflag:s22] =	ssyncadd.s32 $0xFFFFEC78  }
0xb6: {  	_ =	swait.ge [sflag:s22], $0x1388  }
0xb7: {  	[sflag:s22] =	ssyncset.done $0x0  }
0xb8: {  	[sflag:s22] =	ssyncadd.s32 $0xFFFFEC78  }
0xb9: {  	_ =	swait.ge [sflag:s23], $0x9C40  }
0xba: {  	[sflag:s23] =	ssyncset.done $0x0  }
0xbb: {  	[sflag:s23] =	ssyncadd.s32 $0xFFFF63C0  }
0xbc: {  	[tilespmem:s12], [sflag:$0x1] =	stream.indirect.gather [hbm4b:s11+s10], $0x8, s3, s10, $0xb8;
	[tilespmem:$0x1E860] =	vst v63  }
0xbd: {  	_ = 	snop  }
0xbe: {  	[spmem:s2] =	stream.indirect.scatter.add.f32 [tilespmem:s19], [sflag:$0x5], $0x8, s16, s10, $0xb8;
	[tilespmem:$0x1E860] =	vst v63  }
0xbf: {  	_ =	swait.ge [sflag:s6], $0x9C40  }
0xc0: {  	[sflag:s6] =	ssyncset.done $0x0  }
0xc1: {  	[sflag:s6] =	ssyncadd.s32 $0xFFFF63C0  }
0xc2: {  	_ =	swait.ge [sflag:s18], $0x9C40  }
0xc3: {  	[sflag:s18] =	ssyncset.done $0x0  }
0xc4: {  	[sflag:s18] =	ssyncadd.s32 $0xFFFF63C0  }
0xc5: {  	[spmem:s2] =	stream.indirect.scatter.add.f32 [tilespmem:s12], [sflag:$0x5], $0x8, s10, s10, $0xb8;
	[tilespmem:$0x1E860] =	vst v63  }
0xc6: {  	_ =	swait.ge [sflag:s6], $0x9C40  }
0xc7: {  	[sflag:s6] =	ssyncset.done $0x0  }
.Ltmp1:
0xc8: {  	[sflag:s6] =	ssyncadd.s32 $0xFFFF63C0;
	(pc) =	sbr.rel @p0 .LBB2_1-.Ltmp1, $4  }
0xc9: {  	[bflag:$0x0] =	sbarrier.arrive $0xFFFF  }
0xca: {  	[hbm:s29], [sflag:s5] =	dma.local [spmem:s7], $0xC38  }
0xcb: {  	_ =	swait.ge [sflag:s6], $0xC38  }
0xcc: {  	[sflag:s6] =	ssyncset.done $0x0  }
.LBB2_2:
0xcd: {  	[sflag:s6] =	ssyncadd.s32 $0xFFFFF3C8  }
0xce: {  	_ =	sfence.sel $0x180000  }
0xcf: {  	[bflag:$0x0] =	sbarrier.arrive $0xFFFF  }
0xd0: {  	_ =	strace $0x90000050  }
0xd1: {  	[bflag:$0x2] =	sbarrier.arrive $0xFFFF  }
0xd2: {  	p0 =	sne.s32 s1, $0x0;
	s0 =	rddreg [dreg:$0x2]  }
0xd3: {  	s0 =	sadd.s32 @!p0 $0x100000, s0  }
0xd4: {  	[sflag:s0] =	ssyncadd.tile.s32 @!p0 $0x1;
	_ =	shalt  }
.Lfunc_end2:
_tile_overlayer_lowered:
.L_overlay_start_2:
0xd5: {  	(tag) =	ssettag $0x2  }
0xd6: {  	s0 =	rddreg [dreg:$0x0];
	s2 =	stileid.u32  }
0xd7: {  	s1 =	rddreg [dreg:$0x1];
	p0 =	sne.s32 s2, $0x0  }
0xd8: {  	s3 =	rddreg [dreg:$0x2];
	[bflag:$0x3] =	sbarrier.arrive $0xFFFF;
	s2 =	simm.s32 @!p0 $0x1C05  }
0xd9: {  	[timem:s3], [sflag:s2] =	dma.local @!p0 [hbm:s0], s1  }
0xda: {  	s0 =	simm.s32 @!p0 $0x5  }
0xdb: {  	_ =	swait.ge @!p0 [sflag:s0], s1  }
0xdc: {  	s1 =	ssub.s32 @!p0 $0x0, s1;
	[sflag:s0] =	ssyncset.done @!p0 $0x0  }
0xdd: {  	[sflag:s0] =	ssyncadd.s32 @!p0 s1  }
0xde: {  	[bflag:$0x3] =	sbarrier.arrive $0xFFFF  }
0xdf: {  	_ =	shalt  }

</sc_bundles>
